<compile_context>
chip_gen: v7x
topology: tpu7x:2x2x1
jax: 0.10.2.dev20260603
libtpu: 0.0.44.dev20260713+nightly
codegen_flags: <defaults>
</compile_context>

<pallas_src>
import functools

import jax
import jax.numpy as jnp
from jax import lax
from jax.experimental import pallas as pl
from jax.experimental.pallas import tpu as pltpu
from jax.experimental.pallas import tpu_sc as plsc

N = 10000
NPAD = 10240
E = 320000
D = 128
H = 64
C = 10
NCORE = 2
NSUB = 16
NW = NCORE * NSUB
CHUNK = 125
NCHUNK = E // (NW * CHUNK)
NBUF = 4
NG = NCHUNK // NBUF
NG2 = NG // 2
RPS = NPAD // NSUB
ZR = RPS // 2

_MESH = plsc.VectorSubcoreMesh(
    core_axis_name="c", subcore_axis_name="s",
    num_cores=NCORE, num_subcores=NSUB)
_PARAMS = pltpu.CompilerParams(use_tc_tiling_on_sc=False)



@functools.partial(
    pl.kernel,
    out_type=jax.ShapeDtypeStruct((NCORE * NPAD, 16), jnp.float32),
    mesh=_MESH,
    scratch_types=[
        pltpu.VMEM((NCHUNK, CHUNK), jnp.int32),
        pltpu.VMEM((CHUNK, 16), jnp.float32),
        pltpu.VMEM_SHARED((NPAD, 16), jnp.float32),
        pltpu.SemaphoreType.DMA,
        pltpu.SemaphoreType.DMA,
    ],
    compiler_params=_PARAMS,
)
def _sc_count(col_hbm, ones_hbm, zeros_hbm, out_hbm, colv, onesv, acc, sem,
              sem2):
    cid = lax.axis_index("c")
    sid = lax.axis_index("s")
    wid = cid * NSUB + sid
    pltpu.sync_copy(zeros_hbm, acc.at[pl.ds(sid * RPS, RPS)])
    pltpu.sync_copy(ones_hbm, onesv)
    pltpu.sync_copy(col_hbm.at[wid], colv)
    plsc.subcore_barrier()

    for b in range(8):
        pltpu.async_copy(onesv, acc.at[colv.at[b]], sem, add=True)

    def body(g, carry):
        sa, sb = sem, sem2

        for b in range(8):
            pltpu.async_copy(onesv, acc.at[colv.at[8 * (2 * g + 1) + b]],
                             sb, add=True)
        for b in range(8):
            pltpu.make_async_copy(ones_hbm, onesv, sa).wait()

        @pl.when(g < NCHUNK // 16 - 1)
        def _():
            for b in range(8):
                pltpu.async_copy(onesv, acc.at[colv.at[8 * (2 * g + 2) + b]],
                                 sa, add=True)
        for b in range(8):
            pltpu.make_async_copy(ones_hbm, onesv, sb).wait()
        return carry

    lax.fori_loop(0, NCHUNK // 16, body, 0)
    plsc.subcore_barrier()
    pltpu.sync_copy(acc.at[pl.ds(sid * RPS, RPS)],
                    out_hbm.at[pl.ds(cid * NPAD + sid * RPS, RPS)])


def _make_sc_prop(F, PB):
    NGF = NCHUNK // PB
    NG2F = NGF // 2
    assert NGF * PB == NCHUNK and NG2F * 2 == NGF
    NB = 2 * PB
    scratch = ([pltpu.VMEM((NCHUNK, CHUNK), jnp.int32)] * 2 +
               [pltpu.VMEM((CHUNK, F), jnp.float32)] * NB +
               [pltpu.VMEM_SHARED((NPAD, F), jnp.float32)] +
               [pltpu.SemaphoreType.DMA] * (2 * NB))

    @functools.partial(
        pl.kernel,
        out_type=jax.ShapeDtypeStruct((NCORE * NPAD, F), jnp.float32),
        mesh=_MESH,
        scratch_types=scratch,
        compiler_params=_PARAMS,
    )
    def prop(h_hbm, row_hbm, col_hbm, zeros_hbm, out_hbm, *s):
        rowv, colv = s[0], s[1]
        bufs = s[2:2 + NB]
        acc = s[2 + NB]
        gsem = s[3 + NB:3 + 2 * NB]
        ssem = s[3 + 2 * NB:3 + 3 * NB]
        cid = lax.axis_index("c")
        sid = lax.axis_index("s")
        wid = cid * NSUB + sid

        def g_start(j, b):
            pltpu.async_copy(h_hbm.at[rowv.at[j]], bufs[b], gsem[b])

        def g_wait(b):
            pltpu.make_async_copy(h_hbm.at[pl.ds(0, CHUNK)], bufs[b],
                                  gsem[b]).wait()

        def s_start(j, b):
            pltpu.async_copy(bufs[b], acc.at[colv.at[j]], ssem[b], add=True)

        def s_wait(b):
            pltpu.make_async_copy(h_hbm.at[pl.ds(0, CHUNK)], bufs[b],
                                  ssem[b]).wait()

        pltpu.sync_copy(zeros_hbm, acc.at[pl.ds(sid * RPS, RPS)])
        pltpu.sync_copy(row_hbm.at[wid], rowv)
        pltpu.sync_copy(col_hbm.at[wid], colv)
        plsc.subcore_barrier()

        for b in range(PB):
            g_start(b, b)
            g_start(PB + b, PB + b)

        def body(g2, carry):
            for b in range(PB):
                g_wait(b)
                s_start((2 * g2) * PB + b, b)

            @pl.when(g2 < NG2F - 1)
            def _():
                for b in range(PB):
                    s_wait(b)
                    g_start((2 * g2 + 2) * PB + b, b)

            for b in range(PB):
                g_wait(PB + b)
                s_start((2 * g2 + 1) * PB + b, PB + b)

            @pl.when(g2 < NG2F - 1)
            def _():
                for b in range(PB):
                    s_wait(PB + b)
                    g_start((2 * g2 + 3) * PB + b, PB + b)

            return carry

        lax.fori_loop(0, NG2F, body, 0)
        for b in range(NB):
            s_wait(b)
        plsc.subcore_barrier()
        pltpu.sync_copy(acc.at[pl.ds(sid * RPS, RPS)],
                        out_hbm.at[pl.ds(cid * NPAD + sid * RPS, RPS)])

    return prop


_sc_prop64 = _make_sc_prop(H, 4)
_sc_prop16 = _make_sc_prop(16, 4)



BLK = 512
GRID = NPAD // BLK


def _dinv_of(cnt_blk):
    deg = cnt_blk[0, :, 0] + cnt_blk[1, :, 0] + 1.0
    return lax.rsqrt(deg)


def _enc1_body(cnt_ref, x_ref, w1_ref, h1p_ref):
    dinv = _dinv_of(cnt_ref[...])
    h = jnp.dot(x_ref[...], w1_ref[...], preferred_element_type=jnp.float32)
    h1p_ref[...] = h * dinv[:, None]


def _enc2_body(cnt_ref, p1_ref, h1p_ref, b1_ref, w2_ref, h2p_ref):
    dinv = _dinv_of(cnt_ref[...])
    agg = p1_ref[0] + p1_ref[1] + h1p_ref[...]
    h1 = jnp.maximum(agg * dinv[:, None] + b1_ref[...], 0.0)
    h2 = jnp.dot(h1, w2_ref[...], preferred_element_type=jnp.float32)
    h2p_ref[...] = h2 * dinv[:, None]


def _out_body(cnt_ref, p2_ref, h2p_ref, b2_ref, out_ref):
    dinv = _dinv_of(cnt_ref[...])
    agg = p2_ref[0] + p2_ref[1] + h2p_ref[...]
    out_ref[...] = agg * dinv[:, None] + b2_ref[...]


def _cnt_spec():
    return pl.BlockSpec((2, BLK, 16), lambda i: (0, i, 0))


_tc_enc1 = pl.pallas_call(
    _enc1_body,
    grid=(GRID,),
    in_specs=[
        _cnt_spec(),
        pl.BlockSpec((BLK, D), lambda i: (i, 0)),
        pl.BlockSpec((D, H), lambda i: (0, 0)),
    ],
    out_specs=pl.BlockSpec((BLK, H), lambda i: (i, 0)),
    out_shape=jax.ShapeDtypeStruct((NPAD, H), jnp.float32),
)

_tc_enc2 = pl.pallas_call(
    _enc2_body,
    grid=(GRID,),
    in_specs=[
        _cnt_spec(),
        pl.BlockSpec((2, BLK, H), lambda i: (0, i, 0)),
        pl.BlockSpec((BLK, H), lambda i: (i, 0)),
        pl.BlockSpec((1, H), lambda i: (0, 0)),
        pl.BlockSpec((H, 16), lambda i: (0, 0)),
    ],
    out_specs=pl.BlockSpec((BLK, 16), lambda i: (i, 0)),
    out_shape=jax.ShapeDtypeStruct((NPAD, 16), jnp.float32),
)

_tc_out = pl.pallas_call(
    _out_body,
    grid=(GRID,),
    in_specs=[
        _cnt_spec(),
        pl.BlockSpec((2, BLK, 16), lambda i: (0, i, 0)),
        pl.BlockSpec((BLK, 16), lambda i: (i, 0)),
        pl.BlockSpec((1, 16), lambda i: (0, 0)),
    ],
    out_specs=pl.BlockSpec((BLK, 16), lambda i: (i, 0)),
    out_shape=jax.ShapeDtypeStruct((NPAD, 16), jnp.float32),
)



def kernel(x, edge_index, W1, b1, W2, b2):
    row3 = edge_index[0].reshape(NW, NCHUNK, CHUNK)
    col3 = edge_index[1].reshape(NW, NCHUNK, CHUNK)
    ones16 = jnp.ones((CHUNK, 16), jnp.float32)
    z16 = jnp.zeros((RPS, 16), jnp.float32)
    z64 = jnp.zeros((RPS, H), jnp.float32)
    w2p = jnp.pad(W2, ((0, 0), (0, 16 - C)))
    b2p = jnp.pad(b2, (0, 16 - C)).reshape(1, 16)

    xpad = jnp.pad(x, ((0, NPAD - N), (0, 0)))
    cnt = _sc_count(col3, ones16, z16).reshape(NCORE, NPAD, 16)
    h1p = _tc_enc1(cnt, xpad, W1)
    p1 = _sc_prop64(h1p, row3, col3, z64).reshape(NCORE, NPAD, H)
    h2p = _tc_enc2(cnt, p1, h1p, b1.reshape(1, H), w2p)
    p2 = _sc_prop16(h2p, row3, col3, z16).reshape(NCORE, NPAD, 16)
    out = _tc_out(cnt, p2, h2p, b2p)
    return out[:N, :C]

# --- scband reference (transcript-rebuilt; emitter-appended) ---
"""Pipeline reference for scband-gnnsafe-33655363732272 (READ-ONLY COPY).

The authoritative reference and input builder live on the scoring server;
editing this copy changes nothing except your own understanding.
"""

import jax, jax.numpy as jnp
import numpy as np

N = 10000
E = 320000
D = 128
H = 64
C = 10


def setup_inputs(seed: int = 0) -> dict:
    key = jax.random.key(seed)
    k1, k2, k3, k4, k5, k6 = jax.random.split(key, 6)
    x = jax.random.normal(k1, (N, D), dtype=jnp.float32)
    edge_index = jax.random.randint(k2, (2, E), 0, N, dtype=jnp.int32)
    W1 = jax.random.normal(k3, (D, H), dtype=jnp.float32) * 0.05
    b1 = jnp.zeros((H,), dtype=jnp.float32)
    W2 = jax.random.normal(k4, (H, C), dtype=jnp.float32) * 0.05
    b2 = jnp.zeros((C,), dtype=jnp.float32)
    return {"x": x, "edge_index": edge_index, "W1": W1, "b1": b1, "W2": W2, "b2": b2}


def reference(x, edge_index, W1, b1, W2, b2):
    # GNNSafe.forward -> GCN encoder: 2-layer GCN with symmetric normalization
    # and self-loops (standard GCNConv semantics), ReLU between layers,
    # dropout=0.0, use_bn=False.
    n = x.shape[0]
    loops = jnp.arange(n, dtype=edge_index.dtype)
    row = jnp.concatenate([edge_index[0], loops])
    col = jnp.concatenate([edge_index[1], loops])
    deg = jax.ops.segment_sum(jnp.ones(row.shape[0], dtype=x.dtype), col, num_segments=n)
    dinv_sqrt = jnp.where(deg > 0, 1.0 / jnp.sqrt(deg), 0.0)
    norm = dinv_sqrt[row] * dinv_sqrt[col]

    def gcn_conv(h, W, b):
        h = h @ W
        msg = h[row] * norm[:, None]
        agg = jax.ops.segment_sum(msg, col, num_segments=n)
        return agg + b

    h1 = jax.nn.relu(gcn_conv(x, W1, b1))
    logits = gcn_conv(h1, W2, b2)
    return logits

if __name__ == "__main__":
    import jax
    _d = setup_inputs()
    print(jax.jit(kernel)(*tuple(_d.values())))

</pallas_src>

<mosaic_0001>
#map = affine_map<(d0, d1) -> (0, 0)>
#map1 = affine_map<(d0, d1) -> (0, 0, 0)>
module attributes {stable_mosaic.version = 14 : i64} {
  func.func @prop(%arg0: i32, %arg1: i32, %arg2: memref<10240x64xf32, #tpu.memory_space<hbm>>, %arg3: memref<32x80x125xi32, #tpu.memory_space<hbm>>, %arg4: memref<32x80x125xi32, #tpu.memory_space<hbm>>, %arg5: memref<640x64xf32, #tpu.memory_space<hbm>>, %arg6: memref<20480x64xf32, #tpu.memory_space<hbm>>, %arg7: memref<80x125xi32, #tpu.memory_space<vmem>>, %arg8: memref<80x125xi32, #tpu.memory_space<vmem>>, %arg9: memref<125x64xf32, #tpu.memory_space<vmem>>, %arg10: memref<125x64xf32, #tpu.memory_space<vmem>>, %arg11: memref<125x64xf32, #tpu.memory_space<vmem>>, %arg12: memref<125x64xf32, #tpu.memory_space<vmem>>, %arg13: memref<125x64xf32, #tpu.memory_space<vmem>>, %arg14: memref<125x64xf32, #tpu.memory_space<vmem>>, %arg15: memref<125x64xf32, #tpu.memory_space<vmem>>, %arg16: memref<125x64xf32, #tpu.memory_space<vmem>>, %arg17: memref<10240x64xf32, #tpu.memory_space<vmem_shared>>, %arg18: memref<!tpu.dma_semaphore, #tpu.memory_space<semaphore_mem>>, %arg19: memref<!tpu.dma_semaphore, #tpu.memory_space<semaphore_mem>>, %arg20: memref<!tpu.dma_semaphore, #tpu.memory_space<semaphore_mem>>, %arg21: memref<!tpu.dma_semaphore, #tpu.memory_space<semaphore_mem>>, %arg22: memref<!tpu.dma_semaphore, #tpu.memory_space<semaphore_mem>>, %arg23: memref<!tpu.dma_semaphore, #tpu.memory_space<semaphore_mem>>, %arg24: memref<!tpu.dma_semaphore, #tpu.memory_space<semaphore_mem>>, %arg25: memref<!tpu.dma_semaphore, #tpu.memory_space<semaphore_mem>>, %arg26: memref<!tpu.dma_semaphore, #tpu.memory_space<semaphore_mem>>, %arg27: memref<!tpu.dma_semaphore, #tpu.memory_space<semaphore_mem>>, %arg28: memref<!tpu.dma_semaphore, #tpu.memory_space<semaphore_mem>>, %arg29: memref<!tpu.dma_semaphore, #tpu.memory_space<semaphore_mem>>, %arg30: memref<!tpu.dma_semaphore, #tpu.memory_space<semaphore_mem>>, %arg31: memref<!tpu.dma_semaphore, #tpu.memory_space<semaphore_mem>>, %arg32: memref<!tpu.dma_semaphore, #tpu.memory_space<semaphore_mem>>, %arg33: memref<!tpu.dma_semaphore, #tpu.memory_space<semaphore_mem>>) attributes {dimension_semantics = [#tpu.dimension_semantics<core_parallel>, #tpu.dimension_semantics<subcore_parallel>], iteration_bounds = array<i64: 2, 16>, scalar_prefetch = 0 : i64, scratch_operands = 27 : i64, tpu.core_type = #tpu.core_type<sc_vector_subcore>, window_params = [{transform_indices = #map}, {transform_indices = #map1}, {transform_indices = #map1}, {transform_indices = #map}, {transform_indices = #map}]} {
    %mul3A = arith.constant 16 : i32
    %mul3A_0 = arith.muli %arg0, %mul3A : i32
    %add3A = arith.addi %mul3A_0, %arg1 : i32
    %mul3A_1 = arith.constant 640 : i32
    %mul3A_2 = arith.muli %arg1, %mul3A_1 : i32
    "tpu.region"() ({
      %run_scoped3A = tpu.sem_alloc : memref<!tpu.dma_semaphore, #tpu.memory_space<semaphore_mem>>
      %dma_start3A_118 = arith.constant 0 : i32
      %dma_start3A_119 = tpu.memref_slice %arg17[%mul3A_2, %dma_start3A_118] : memref<10240x64xf32, #tpu.memory_space<vmem_shared>> -> memref<640x64xf32, #tpu.memory_space<vmem_shared>>
      tpu.enqueue_dma source(%arg5 : memref<640x64xf32, #tpu.memory_space<hbm>>) target(%dma_start3A_119 : memref<640x64xf32, #tpu.memory_space<vmem_shared>>) target_semaphore(%run_scoped3A : memref<!tpu.dma_semaphore, #tpu.memory_space<semaphore_mem>>)
      %dma_wait3A_120 = arith.constant 0 : i32
      %dma_wait3A_121 = tpu.memref_slice %arg17[%mul3A_2, %dma_wait3A_120] : memref<10240x64xf32, #tpu.memory_space<vmem_shared>> -> memref<640x64xf32, #tpu.memory_space<vmem_shared>>
      tpu.wait_dma2 semaphore(%run_scoped3A : memref<!tpu.dma_semaphore, #tpu.memory_space<semaphore_mem>>) src(%arg5 : memref<640x64xf32, #tpu.memory_space<hbm>>) dst(%dma_wait3A_121 : memref<640x64xf32, #tpu.memory_space<vmem_shared>>)
      tpu.yield
    }) : () -> ()
    "tpu.region"() ({
      %run_scoped3A = tpu.sem_alloc : memref<!tpu.dma_semaphore, #tpu.memory_space<semaphore_mem>>
      %dma_start3A_118 = arith.constant 0 : i32
      %dma_start3A_119 = arith.constant 0 : i32
      %dma_start3A_120 = tpu.memref_slice %arg3[%add3A, %dma_start3A_118, %dma_start3A_119] : memref<32x80x125xi32, #tpu.memory_space<hbm>> -> memref<1x80x125xi32, #tpu.memory_space<hbm>>
      %dma_start3A_121 = tpu.memref_squeeze %dma_start3A_120 : memref<1x80x125xi32, #tpu.memory_space<hbm>> -> memref<80x125xi32, #tpu.memory_space<hbm>>
      %dma_start3A_122 = arith.constant 0 : i32
      %dma_start3A_123 = arith.constant 0 : i32
      %dma_start3A_124 = tpu.memref_slice %arg3[%add3A, %dma_start3A_122, %dma_start3A_123] : memref<32x80x125xi32, #tpu.memory_space<hbm>> -> memref<1x80x125xi32, #tpu.memory_space<hbm>>
      %dma_start3A_125 = tpu.memref_squeeze %dma_start3A_124 : memref<1x80x125xi32, #tpu.memory_space<hbm>> -> memref<80x125xi32, #tpu.memory_space<hbm>>
      tpu.enqueue_dma source(%dma_start3A_125 : memref<80x125xi32, #tpu.memory_space<hbm>>) target(%arg7 : memref<80x125xi32, #tpu.memory_space<vmem>>) target_semaphore(%run_scoped3A : memref<!tpu.dma_semaphore, #tpu.memory_space<semaphore_mem>>)
      %dma_wait3A_126 = arith.constant 0 : i32
      %dma_wait3A_127 = arith.constant 0 : i32
      %dma_wait3A_128 = tpu.memref_slice %arg3[%add3A, %dma_wait3A_126, %dma_wait3A_127] : memref<32x80x125xi32, #tpu.memory_space<hbm>> -> memref<1x80x125xi32, #tpu.memory_space<hbm>>
      %dma_wait3A_129 = tpu.memref_squeeze %dma_wait3A_128 : memref<1x80x125xi32, #tpu.memory_space<hbm>> -> memref<80x125xi32, #tpu.memory_space<hbm>>
      %dma_wait3A_130 = arith.constant 0 : i32
      %dma_wait3A_131 = arith.constant 0 : i32
      %dma_wait3A_132 = tpu.memref_slice %arg3[%add3A, %dma_wait3A_130, %dma_wait3A_131] : memref<32x80x125xi32, #tpu.memory_space<hbm>> -> memref<1x80x125xi32, #tpu.memory_space<hbm>>
      %dma_wait3A_133 = tpu.memref_squeeze %dma_wait3A_132 : memref<1x80x125xi32, #tpu.memory_space<hbm>> -> memref<80x125xi32, #tpu.memory_space<hbm>>
      tpu.wait_dma2 semaphore(%run_scoped3A : memref<!tpu.dma_semaphore, #tpu.memory_space<semaphore_mem>>) src(%dma_wait3A_133 : memref<80x125xi32, #tpu.memory_space<hbm>>) dst(%arg7 : memref<80x125xi32, #tpu.memory_space<vmem>>)
      tpu.yield
    }) : () -> ()
    "tpu.region"() ({
      %run_scoped3A = tpu.sem_alloc : memref<!tpu.dma_semaphore, #tpu.memory_space<semaphore_mem>>
      %dma_start3A_118 = arith.constant 0 : i32
      %dma_start3A_119 = arith.constant 0 : i32
      %dma_start3A_120 = tpu.memref_slice %arg4[%add3A, %dma_start3A_118, %dma_start3A_119] : memref<32x80x125xi32, #tpu.memory_space<hbm>> -> memref<1x80x125xi32, #tpu.memory_space<hbm>>
      %dma_start3A_121 = tpu.memref_squeeze %dma_start3A_120 : memref<1x80x125xi32, #tpu.memory_space<hbm>> -> memref<80x125xi32, #tpu.memory_space<hbm>>
      %dma_start3A_122 = arith.constant 0 : i32
      %dma_start3A_123 = arith.constant 0 : i32
      %dma_start3A_124 = tpu.memref_slice %arg4[%add3A, %dma_start3A_122, %dma_start3A_123] : memref<32x80x125xi32, #tpu.memory_space<hbm>> -> memref<1x80x125xi32, #tpu.memory_space<hbm>>
      %dma_start3A_125 = tpu.memref_squeeze %dma_start3A_124 : memref<1x80x125xi32, #tpu.memory_space<hbm>> -> memref<80x125xi32, #tpu.memory_space<hbm>>
      tpu.enqueue_dma source(%dma_start3A_125 : memref<80x125xi32, #tpu.memory_space<hbm>>) target(%arg8 : memref<80x125xi32, #tpu.memory_space<vmem>>) target_semaphore(%run_scoped3A : memref<!tpu.dma_semaphore, #tpu.memory_space<semaphore_mem>>)
      %dma_wait3A_126 = arith.constant 0 : i32
      %dma_wait3A_127 = arith.constant 0 : i32
      %dma_wait3A_128 = tpu.memref_slice %arg4[%add3A, %dma_wait3A_126, %dma_wait3A_127] : memref<32x80x125xi32, #tpu.memory_space<hbm>> -> memref<1x80x125xi32, #tpu.memory_space<hbm>>
      %dma_wait3A_129 = tpu.memref_squeeze %dma_wait3A_128 : memref<1x80x125xi32, #tpu.memory_space<hbm>> -> memref<80x125xi32, #tpu.memory_space<hbm>>
      %dma_wait3A_130 = arith.constant 0 : i32
      %dma_wait3A_131 = arith.constant 0 : i32
      %dma_wait3A_132 = tpu.memref_slice %arg4[%add3A, %dma_wait3A_130, %dma_wait3A_131] : memref<32x80x125xi32, #tpu.memory_space<hbm>> -> memref<1x80x125xi32, #tpu.memory_space<hbm>>
      %dma_wait3A_133 = tpu.memref_squeeze %dma_wait3A_132 : memref<1x80x125xi32, #tpu.memory_space<hbm>> -> memref<80x125xi32, #tpu.memory_space<hbm>>
      tpu.wait_dma2 semaphore(%run_scoped3A : memref<!tpu.dma_semaphore, #tpu.memory_space<semaphore_mem>>) src(%dma_wait3A_133 : memref<80x125xi32, #tpu.memory_space<hbm>>) dst(%arg8 : memref<80x125xi32, #tpu.memory_space<vmem>>)
      tpu.yield
    }) : () -> ()
    %barrier3A = arith.constant 0 : index
    tpu.barrier barrier_id(%barrier3A)
    %dma_start3A = arith.constant 0 : i32
    %dma_start3A_3 = arith.constant 0 : i32
    %dma_start3A_4 = tpu.memref_slice %arg7[%dma_start3A, %dma_start3A_3] : memref<80x125xi32, #tpu.memory_space<vmem>> -> memref<1x125xi32, #tpu.memory_space<vmem>>
    %dma_start3A_5 = tpu.memref_squeeze %dma_start3A_4 : memref<1x125xi32, #tpu.memory_space<vmem>> -> memref<125xi32, #tpu.memory_space<vmem>>
    %dma_start3A_6 = arith.constant 0 : i32
    %dma_start3A_7 = arith.constant 0 : i32
    %dma_start3A_8 = tpu.memref_slice %arg2[%dma_start3A_6, %dma_start3A_7] : memref<10240x64xf32, #tpu.memory_space<hbm>> -> memref<10240x64xf32, #tpu.memory_space<hbm>>
    tpu.enqueue_indirect_dma source(%dma_start3A_8 : memref<10240x64xf32, #tpu.memory_space<hbm>>) target(%arg9 : memref<125x64xf32, #tpu.memory_space<vmem>>) offsets(%dma_start3A_5 : memref<125xi32, #tpu.memory_space<vmem>>) semaphore(%arg18 : memref<!tpu.dma_semaphore, #tpu.memory_space<semaphore_mem>>)
    %dma_start3A_9 = arith.constant 4 : i32
    %dma_start3A_10 = arith.constant 0 : i32
    %dma_start3A_11 = tpu.memref_slice %arg7[%dma_start3A_9, %dma_start3A_10] : memref<80x125xi32, #tpu.memory_space<vmem>> -> memref<1x125xi32, #tpu.memory_space<vmem>>
    %dma_start3A_12 = tpu.memref_squeeze %dma_start3A_11 : memref<1x125xi32, #tpu.memory_space<vmem>> -> memref<125xi32, #tpu.memory_space<vmem>>
    %dma_start3A_13 = arith.constant 0 : i32
    %dma_start3A_14 = arith.constant 0 : i32
    %dma_start3A_15 = tpu.memref_slice %arg2[%dma_start3A_13, %dma_start3A_14] : memref<10240x64xf32, #tpu.memory_space<hbm>> -> memref<10240x64xf32, #tpu.memory_space<hbm>>
    tpu.enqueue_indirect_dma source(%dma_start3A_15 : memref<10240x64xf32, #tpu.memory_space<hbm>>) target(%arg13 : memref<125x64xf32, #tpu.memory_space<vmem>>) offsets(%dma_start3A_12 : memref<125xi32, #tpu.memory_space<vmem>>) semaphore(%arg22 : memref<!tpu.dma_semaphore, #tpu.memory_space<semaphore_mem>>)
    %dma_start3A_16 = arith.constant 1 : i32
    %dma_start3A_17 = arith.constant 0 : i32
    %dma_start3A_18 = tpu.memref_slice %arg7[%dma_start3A_16, %dma_start3A_17] : memref<80x125xi32, #tpu.memory_space<vmem>> -> memref<1x125xi32, #tpu.memory_space<vmem>>
    %dma_start3A_19 = tpu.memref_squeeze %dma_start3A_18 : memref<1x125xi32, #tpu.memory_space<vmem>> -> memref<125xi32, #tpu.memory_space<vmem>>
    %dma_start3A_20 = arith.constant 0 : i32
    %dma_start3A_21 = arith.constant 0 : i32
    %dma_start3A_22 = tpu.memref_slice %arg2[%dma_start3A_20, %dma_start3A_21] : memref<10240x64xf32, #tpu.memory_space<hbm>> -> memref<10240x64xf32, #tpu.memory_space<hbm>>
    tpu.enqueue_indirect_dma source(%dma_start3A_22 : memref<10240x64xf32, #tpu.memory_space<hbm>>) target(%arg10 : memref<125x64xf32, #tpu.memory_space<vmem>>) offsets(%dma_start3A_19 : memref<125xi32, #tpu.memory_space<vmem>>) semaphore(%arg19 : memref<!tpu.dma_semaphore, #tpu.memory_space<semaphore_mem>>)
    %dma_start3A_23 = arith.constant 5 : i32
    %dma_start3A_24 = arith.constant 0 : i32
    %dma_start3A_25 = tpu.memref_slice %arg7[%dma_start3A_23, %dma_start3A_24] : memref<80x125xi32, #tpu.memory_space<vmem>> -> memref<1x125xi32, #tpu.memory_space<vmem>>
    %dma_start3A_26 = tpu.memref_squeeze %dma_start3A_25 : memref<1x125xi32, #tpu.memory_space<vmem>> -> memref<125xi32, #tpu.memory_space<vmem>>
    %dma_start3A_27 = arith.constant 0 : i32
    %dma_start3A_28 = arith.constant 0 : i32
    %dma_start3A_29 = tpu.memref_slice %arg2[%dma_start3A_27, %dma_start3A_28] : memref<10240x64xf32, #tpu.memory_space<hbm>> -> memref<10240x64xf32, #tpu.memory_space<hbm>>
    tpu.enqueue_indirect_dma source(%dma_start3A_29 : memref<10240x64xf32, #tpu.memory_space<hbm>>) target(%arg14 : memref<125x64xf32, #tpu.memory_space<vmem>>) offsets(%dma_start3A_26 : memref<125xi32, #tpu.memory_space<vmem>>) semaphore(%arg23 : memref<!tpu.dma_semaphore, #tpu.memory_space<semaphore_mem>>)
    %dma_start3A_30 = arith.constant 2 : i32
    %dma_start3A_31 = arith.constant 0 : i32
    %dma_start3A_32 = tpu.memref_slice %arg7[%dma_start3A_30, %dma_start3A_31] : memref<80x125xi32, #tpu.memory_space<vmem>> -> memref<1x125xi32, #tpu.memory_space<vmem>>
    %dma_start3A_33 = tpu.memref_squeeze %dma_start3A_32 : memref<1x125xi32, #tpu.memory_space<vmem>> -> memref<125xi32, #tpu.memory_space<vmem>>
    %dma_start3A_34 = arith.constant 0 : i32
    %dma_start3A_35 = arith.constant 0 : i32
    %dma_start3A_36 = tpu.memref_slice %arg2[%dma_start3A_34, %dma_start3A_35] : memref<10240x64xf32, #tpu.memory_space<hbm>> -> memref<10240x64xf32, #tpu.memory_space<hbm>>
    tpu.enqueue_indirect_dma source(%dma_start3A_36 : memref<10240x64xf32, #tpu.memory_space<hbm>>) target(%arg11 : memref<125x64xf32, #tpu.memory_space<vmem>>) offsets(%dma_start3A_33 : memref<125xi32, #tpu.memory_space<vmem>>) semaphore(%arg20 : memref<!tpu.dma_semaphore, #tpu.memory_space<semaphore_mem>>)
    %dma_start3A_37 = arith.constant 6 : i32
    %dma_start3A_38 = arith.constant 0 : i32
    %dma_start3A_39 = tpu.memref_slice %arg7[%dma_start3A_37, %dma_start3A_38] : memref<80x125xi32, #tpu.memory_space<vmem>> -> memref<1x125xi32, #tpu.memory_space<vmem>>
    %dma_start3A_40 = tpu.memref_squeeze %dma_start3A_39 : memref<1x125xi32, #tpu.memory_space<vmem>> -> memref<125xi32, #tpu.memory_space<vmem>>
    %dma_start3A_41 = arith.constant 0 : i32
    %dma_start3A_42 = arith.constant 0 : i32
    %dma_start3A_43 = tpu.memref_slice %arg2[%dma_start3A_41, %dma_start3A_42] : memref<10240x64xf32, #tpu.memory_space<hbm>> -> memref<10240x64xf32, #tpu.memory_space<hbm>>
    tpu.enqueue_indirect_dma source(%dma_start3A_43 : memref<10240x64xf32, #tpu.memory_space<hbm>>) target(%arg15 : memref<125x64xf32, #tpu.memory_space<vmem>>) offsets(%dma_start3A_40 : memref<125xi32, #tpu.memory_space<vmem>>) semaphore(%arg24 : memref<!tpu.dma_semaphore, #tpu.memory_space<semaphore_mem>>)
    %dma_start3A_44 = arith.constant 3 : i32
    %dma_start3A_45 = arith.constant 0 : i32
    %dma_start3A_46 = tpu.memref_slice %arg7[%dma_start3A_44, %dma_start3A_45] : memref<80x125xi32, #tpu.memory_space<vmem>> -> memref<1x125xi32, #tpu.memory_space<vmem>>
    %dma_start3A_47 = tpu.memref_squeeze %dma_start3A_46 : memref<1x125xi32, #tpu.memory_space<vmem>> -> memref<125xi32, #tpu.memory_space<vmem>>
    %dma_start3A_48 = arith.constant 0 : i32
    %dma_start3A_49 = arith.constant 0 : i32
    %dma_start3A_50 = tpu.memref_slice %arg2[%dma_start3A_48, %dma_start3A_49] : memref<10240x64xf32, #tpu.memory_space<hbm>> -> memref<10240x64xf32, #tpu.memory_space<hbm>>
    tpu.enqueue_indirect_dma source(%dma_start3A_50 : memref<10240x64xf32, #tpu.memory_space<hbm>>) target(%arg12 : memref<125x64xf32, #tpu.memory_space<vmem>>) offsets(%dma_start3A_47 : memref<125xi32, #tpu.memory_space<vmem>>) semaphore(%arg21 : memref<!tpu.dma_semaphore, #tpu.memory_space<semaphore_mem>>)
    %dma_start3A_51 = arith.constant 7 : i32
    %dma_start3A_52 = arith.constant 0 : i32
    %dma_start3A_53 = tpu.memref_slice %arg7[%dma_start3A_51, %dma_start3A_52] : memref<80x125xi32, #tpu.memory_space<vmem>> -> memref<1x125xi32, #tpu.memory_space<vmem>>
    %dma_start3A_54 = tpu.memref_squeeze %dma_start3A_53 : memref<1x125xi32, #tpu.memory_space<vmem>> -> memref<125xi32, #tpu.memory_space<vmem>>
    %dma_start3A_55 = arith.constant 0 : i32
    %dma_start3A_56 = arith.constant 0 : i32
    %dma_start3A_57 = tpu.memref_slice %arg2[%dma_start3A_55, %dma_start3A_56] : memref<10240x64xf32, #tpu.memory_space<hbm>> -> memref<10240x64xf32, #tpu.memory_space<hbm>>
    tpu.enqueue_indirect_dma source(%dma_start3A_57 : memref<10240x64xf32, #tpu.memory_space<hbm>>) target(%arg16 : memref<125x64xf32, #tpu.memory_space<vmem>>) offsets(%dma_start3A_54 : memref<125xi32, #tpu.memory_space<vmem>>) semaphore(%arg25 : memref<!tpu.dma_semaphore, #tpu.memory_space<semaphore_mem>>)
    %scan3A = arith.constant 0 : i32
    %scan3A_58 = arith.constant 0 : i32
    %scan3A_59 = arith.constant 10 : i32
    %scan3A_60 = arith.addi %scan3A_58, %scan3A_59 : i32
    %scan3A_61 = arith.constant 1 : i32
    scf.for %scan3A_118 = %scan3A_58 to %scan3A_60 step %scan3A_61  : i32 {
      %dma_wait3A_119 = arith.constant 0 : i32
      %dma_wait3A_120 = arith.constant 0 : i32
      %dma_wait3A_121 = tpu.memref_slice %arg2[%dma_wait3A_119, %dma_wait3A_120] : memref<10240x64xf32, #tpu.memory_space<hbm>> -> memref<125x64xf32, #tpu.memory_space<hbm>>
      %dma_wait3A_122 = arith.constant 0 : i32
      %dma_wait3A_123 = arith.constant 0 : i32
      %dma_wait3A_124 = tpu.memref_slice %arg2[%dma_wait3A_122, %dma_wait3A_123] : memref<10240x64xf32, #tpu.memory_space<hbm>> -> memref<125x64xf32, #tpu.memory_space<hbm>>
      tpu.wait_dma2 semaphore(%arg18 : memref<!tpu.dma_semaphore, #tpu.memory_space<semaphore_mem>>) src(%dma_wait3A_124 : memref<125x64xf32, #tpu.memory_space<hbm>>) dst(%arg9 : memref<125x64xf32, #tpu.memory_space<vmem>>)
      %mul3A_125 = arith.constant 2 : i32
      %mul3A_126 = arith.muli %mul3A_125, %scan3A_118 : i32
      %mul3A_127 = arith.constant 4 : i32
      %mul3A_128 = arith.muli %mul3A_126, %mul3A_127 : i32
      %add3A_129 = arith.constant 0 : i32
      %add3A_130 = arith.addi %mul3A_128, %add3A_129 : i32
      %dma_start3A_131 = arith.constant 0 : i32
      %dma_start3A_132 = tpu.memref_slice %arg8[%add3A_130, %dma_start3A_131] : memref<80x125xi32, #tpu.memory_space<vmem>> -> memref<1x125xi32, #tpu.memory_space<vmem>>
      %dma_start3A_133 = tpu.memref_squeeze %dma_start3A_132 : memref<1x125xi32, #tpu.memory_space<vmem>> -> memref<125xi32, #tpu.memory_space<vmem>>
      %dma_start3A_134 = arith.constant 0 : i32
      %dma_start3A_135 = arith.constant 0 : i32
      %dma_start3A_136 = tpu.memref_slice %arg17[%dma_start3A_134, %dma_start3A_135] : memref<10240x64xf32, #tpu.memory_space<vmem_shared>> -> memref<10240x64xf32, #tpu.memory_space<vmem_shared>>
      tpu.enqueue_indirect_dma source(%arg9 : memref<125x64xf32, #tpu.memory_space<vmem>>) target(%dma_start3A_136 : memref<10240x64xf32, #tpu.memory_space<vmem_shared>>) offsets(%dma_start3A_133 : memref<125xi32, #tpu.memory_space<vmem>>) semaphore(%arg26 : memref<!tpu.dma_semaphore, #tpu.memory_space<semaphore_mem>>) {add = true}
      %dma_wait3A_137 = arith.constant 0 : i32
      %dma_wait3A_138 = arith.constant 0 : i32
      %dma_wait3A_139 = tpu.memref_slice %arg2[%dma_wait3A_137, %dma_wait3A_138] : memref<10240x64xf32, #tpu.memory_space<hbm>> -> memref<125x64xf32, #tpu.memory_space<hbm>>
      %dma_wait3A_140 = arith.constant 0 : i32
      %dma_wait3A_141 = arith.constant 0 : i32
      %dma_wait3A_142 = tpu.memref_slice %arg2[%dma_wait3A_140, %dma_wait3A_141] : memref<10240x64xf32, #tpu.memory_space<hbm>> -> memref<125x64xf32, #tpu.memory_space<hbm>>
      tpu.wait_dma2 semaphore(%arg19 : memref<!tpu.dma_semaphore, #tpu.memory_space<semaphore_mem>>) src(%dma_wait3A_142 : memref<125x64xf32, #tpu.memory_space<hbm>>) dst(%arg10 : memref<125x64xf32, #tpu.memory_space<vmem>>)
      %mul3A_143 = arith.constant 2 : i32
      %mul3A_144 = arith.muli %mul3A_143, %scan3A_118 : i32
      %mul3A_145 = arith.constant 4 : i32
      %mul3A_146 = arith.muli %mul3A_144, %mul3A_145 : i32
      %add3A_147 = arith.constant 1 : i32
      %add3A_148 = arith.addi %mul3A_146, %add3A_147 : i32
      %dma_start3A_149 = arith.constant 0 : i32
      %dma_start3A_150 = tpu.memref_slice %arg8[%add3A_148, %dma_start3A_149] : memref<80x125xi32, #tpu.memory_space<vmem>> -> memref<1x125xi32, #tpu.memory_space<vmem>>
      %dma_start3A_151 = tpu.memref_squeeze %dma_start3A_150 : memref<1x125xi32, #tpu.memory_space<vmem>> -> memref<125xi32, #tpu.memory_space<vmem>>
      %dma_start3A_152 = arith.constant 0 : i32
      %dma_start3A_153 = arith.constant 0 : i32
      %dma_start3A_154 = tpu.memref_slice %arg17[%dma_start3A_152, %dma_start3A_153] : memref<10240x64xf32, #tpu.memory_space<vmem_shared>> -> memref<10240x64xf32, #tpu.memory_space<vmem_shared>>
      tpu.enqueue_indirect_dma source(%arg10 : memref<125x64xf32, #tpu.memory_space<vmem>>) target(%dma_start3A_154 : memref<10240x64xf32, #tpu.memory_space<vmem_shared>>) offsets(%dma_start3A_151 : memref<125xi32, #tpu.memory_space<vmem>>) semaphore(%arg27 : memref<!tpu.dma_semaphore, #tpu.memory_space<semaphore_mem>>) {add = true}
      %dma_wait3A_155 = arith.constant 0 : i32
      %dma_wait3A_156 = arith.constant 0 : i32
      %dma_wait3A_157 = tpu.memref_slice %arg2[%dma_wait3A_155, %dma_wait3A_156] : memref<10240x64xf32, #tpu.memory_space<hbm>> -> memref<125x64xf32, #tpu.memory_space<hbm>>
      %dma_wait3A_158 = arith.constant 0 : i32
      %dma_wait3A_159 = arith.constant 0 : i32
      %dma_wait3A_160 = tpu.memref_slice %arg2[%dma_wait3A_158, %dma_wait3A_159] : memref<10240x64xf32, #tpu.memory_space<hbm>> -> memref<125x64xf32, #tpu.memory_space<hbm>>
      tpu.wait_dma2 semaphore(%arg20 : memref<!tpu.dma_semaphore, #tpu.memory_space<semaphore_mem>>) src(%dma_wait3A_160 : memref<125x64xf32, #tpu.memory_space<hbm>>) dst(%arg11 : memref<125x64xf32, #tpu.memory_space<vmem>>)
      %mul3A_161 = arith.constant 2 : i32
      %mul3A_162 = arith.muli %mul3A_161, %scan3A_118 : i32
      %mul3A_163 = arith.constant 4 : i32
      %mul3A_164 = arith.muli %mul3A_162, %mul3A_163 : i32
      %add3A_165 = arith.constant 2 : i32
      %add3A_166 = arith.addi %mul3A_164, %add3A_165 : i32
      %dma_start3A_167 = arith.constant 0 : i32
      %dma_start3A_168 = tpu.memref_slice %arg8[%add3A_166, %dma_start3A_167] : memref<80x125xi32, #tpu.memory_space<vmem>> -> memref<1x125xi32, #tpu.memory_space<vmem>>
      %dma_start3A_169 = tpu.memref_squeeze %dma_start3A_168 : memref<1x125xi32, #tpu.memory_space<vmem>> -> memref<125xi32, #tpu.memory_space<vmem>>
      %dma_start3A_170 = arith.constant 0 : i32
      %dma_start3A_171 = arith.constant 0 : i32
      %dma_start3A_172 = tpu.memref_slice %arg17[%dma_start3A_170, %dma_start3A_171] : memref<10240x64xf32, #tpu.memory_space<vmem_shared>> -> memref<10240x64xf32, #tpu.memory_space<vmem_shared>>
      tpu.enqueue_indirect_dma source(%arg11 : memref<125x64xf32, #tpu.memory_space<vmem>>) target(%dma_start3A_172 : memref<10240x64xf32, #tpu.memory_space<vmem_shared>>) offsets(%dma_start3A_169 : memref<125xi32, #tpu.memory_space<vmem>>) semaphore(%arg28 : memref<!tpu.dma_semaphore, #tpu.memory_space<semaphore_mem>>) {add = true}
      %dma_wait3A_173 = arith.constant 0 : i32
      %dma_wait3A_174 = arith.constant 0 : i32
      %dma_wait3A_175 = tpu.memref_slice %arg2[%dma_wait3A_173, %dma_wait3A_174] : memref<10240x64xf32, #tpu.memory_space<hbm>> -> memref<125x64xf32, #tpu.memory_space<hbm>>
      %dma_wait3A_176 = arith.constant 0 : i32
      %dma_wait3A_177 = arith.constant 0 : i32
      %dma_wait3A_178 = tpu.memref_slice %arg2[%dma_wait3A_176, %dma_wait3A_177] : memref<10240x64xf32, #tpu.memory_space<hbm>> -> memref<125x64xf32, #tpu.memory_space<hbm>>
      tpu.wait_dma2 semaphore(%arg21 : memref<!tpu.dma_semaphore, #tpu.memory_space<semaphore_mem>>) src(%dma_wait3A_178 : memref<125x64xf32, #tpu.memory_space<hbm>>) dst(%arg12 : memref<125x64xf32, #tpu.memory_space<vmem>>)
      %mul3A_179 = arith.constant 2 : i32
      %mul3A_180 = arith.muli %mul3A_179, %scan3A_118 : i32
      %mul3A_181 = arith.constant 4 : i32
      %mul3A_182 = arith.muli %mul3A_180, %mul3A_181 : i32
      %add3A_183 = arith.constant 3 : i32
      %add3A_184 = arith.addi %mul3A_182, %add3A_183 : i32
      %dma_start3A_185 = arith.constant 0 : i32
      %dma_start3A_186 = tpu.memref_slice %arg8[%add3A_184, %dma_start3A_185] : memref<80x125xi32, #tpu.memory_space<vmem>> -> memref<1x125xi32, #tpu.memory_space<vmem>>
      %dma_start3A_187 = tpu.memref_squeeze %dma_start3A_186 : memref<1x125xi32, #tpu.memory_space<vmem>> -> memref<125xi32, #tpu.memory_space<vmem>>
      %dma_start3A_188 = arith.constant 0 : i32
      %dma_start3A_189 = arith.constant 0 : i32
      %dma_start3A_190 = tpu.memref_slice %arg17[%dma_start3A_188, %dma_start3A_189] : memref<10240x64xf32, #tpu.memory_space<vmem_shared>> -> memref<10240x64xf32, #tpu.memory_space<vmem_shared>>
      tpu.enqueue_indirect_dma source(%arg12 : memref<125x64xf32, #tpu.memory_space<vmem>>) target(%dma_start3A_190 : memref<10240x64xf32, #tpu.memory_space<vmem_shared>>) offsets(%dma_start3A_187 : memref<125xi32, #tpu.memory_space<vmem>>) semaphore(%arg29 : memref<!tpu.dma_semaphore, #tpu.memory_space<semaphore_mem>>) {add = true}
      %lt3A = arith.constant 9 : i32
      %lt3A_191 = arith.cmpi slt, %scan3A_118, %lt3A : i32
      %convert_element_type3A = arith.extui %lt3A_191 : i1 to i32
      %cond3A = arith.constant 0 : i32
      %cond3A_192 = arith.cmpi ne, %convert_element_type3A, %cond3A : i32
      scf.if %cond3A_192 {
        %dma_wait3A_278 = arith.constant 0 : i32
        %dma_wait3A_279 = arith.constant 0 : i32
        %dma_wait3A_280 = tpu.memref_slice %arg2[%dma_wait3A_278, %dma_wait3A_279] : memref<10240x64xf32, #tpu.memory_space<hbm>> -> memref<125x64xf32, #tpu.memory_space<hbm>>
        %dma_wait3A_281 = arith.constant 0 : i32
        %dma_wait3A_282 = arith.constant 0 : i32
        %dma_wait3A_283 = tpu.memref_slice %arg2[%dma_wait3A_281, %dma_wait3A_282] : memref<10240x64xf32, #tpu.memory_space<hbm>> -> memref<125x64xf32, #tpu.memory_space<hbm>>
        tpu.wait_dma2 semaphore(%arg26 : memref<!tpu.dma_semaphore, #tpu.memory_space<semaphore_mem>>) src(%dma_wait3A_283 : memref<125x64xf32, #tpu.memory_space<hbm>>) dst(%arg9 : memref<125x64xf32, #tpu.memory_space<vmem>>)
        %mul3A_284 = arith.constant 2 : i32
        %mul3A_285 = arith.muli %mul3A_284, %scan3A_118 : i32
        %add3A_286 = arith.constant 2 : i32
        %add3A_287 = arith.addi %mul3A_285, %add3A_286 : i32
        %mul3A_288 = arith.constant 4 : i32
        %mul3A_289 = arith.muli %add3A_287, %mul3A_288 : i32
        %add3A_290 = arith.constant 0 : i32
        %add3A_291 = arith.addi %mul3A_289, %add3A_290 : i32
        %dma_start3A_292 = arith.constant 0 : i32
        %dma_start3A_293 = tpu.memref_slice %arg7[%add3A_291, %dma_start3A_292] : memref<80x125xi32, #tpu.memory_space<vmem>> -> memref<1x125xi32, #tpu.memory_space<vmem>>
        %dma_start3A_294 = tpu.memref_squeeze %dma_start3A_293 : memref<1x125xi32, #tpu.memory_space<vmem>> -> memref<125xi32, #tpu.memory_space<vmem>>
        %dma_start3A_295 = arith.constant 0 : i32
        %dma_start3A_296 = arith.constant 0 : i32
        %dma_start3A_297 = tpu.memref_slice %arg2[%dma_start3A_295, %dma_start3A_296] : memref<10240x64xf32, #tpu.memory_space<hbm>> -> memref<10240x64xf32, #tpu.memory_space<hbm>>
        tpu.enqueue_indirect_dma source(%dma_start3A_297 : memref<10240x64xf32, #tpu.memory_space<hbm>>) target(%arg9 : memref<125x64xf32, #tpu.memory_space<vmem>>) offsets(%dma_start3A_294 : memref<125xi32, #tpu.memory_space<vmem>>) semaphore(%arg18 : memref<!tpu.dma_semaphore, #tpu.memory_space<semaphore_mem>>)
        %dma_wait3A_298 = arith.constant 0 : i32
        %dma_wait3A_299 = arith.constant 0 : i32
        %dma_wait3A_300 = tpu.memref_slice %arg2[%dma_wait3A_298, %dma_wait3A_299] : memref<10240x64xf32, #tpu.memory_space<hbm>> -> memref<125x64xf32, #tpu.memory_space<hbm>>
        %dma_wait3A_301 = arith.constant 0 : i32
        %dma_wait3A_302 = arith.constant 0 : i32
        %dma_wait3A_303 = tpu.memref_slice %arg2[%dma_wait3A_301, %dma_wait3A_302] : memref<10240x64xf32, #tpu.memory_space<hbm>> -> memref<125x64xf32, #tpu.memory_space<hbm>>
        tpu.wait_dma2 semaphore(%arg27 : memref<!tpu.dma_semaphore, #tpu.memory_space<semaphore_mem>>) src(%dma_wait3A_303 : memref<125x64xf32, #tpu.memory_space<hbm>>) dst(%arg10 : memref<125x64xf32, #tpu.memory_space<vmem>>)
        %mul3A_304 = arith.constant 2 : i32
        %mul3A_305 = arith.muli %mul3A_304, %scan3A_118 : i32
        %add3A_306 = arith.constant 2 : i32
        %add3A_307 = arith.addi %mul3A_305, %add3A_306 : i32
        %mul3A_308 = arith.constant 4 : i32
        %mul3A_309 = arith.muli %add3A_307, %mul3A_308 : i32
        %add3A_310 = arith.constant 1 : i32
        %add3A_311 = arith.addi %mul3A_309, %add3A_310 : i32
        %dma_start3A_312 = arith.constant 0 : i32
        %dma_start3A_313 = tpu.memref_slice %arg7[%add3A_311, %dma_start3A_312] : memref<80x125xi32, #tpu.memory_space<vmem>> -> memref<1x125xi32, #tpu.memory_space<vmem>>
        %dma_start3A_314 = tpu.memref_squeeze %dma_start3A_313 : memref<1x125xi32, #tpu.memory_space<vmem>> -> memref<125xi32, #tpu.memory_space<vmem>>
        %dma_start3A_315 = arith.constant 0 : i32
        %dma_start3A_316 = arith.constant 0 : i32
        %dma_start3A_317 = tpu.memref_slice %arg2[%dma_start3A_315, %dma_start3A_316] : memref<10240x64xf32, #tpu.memory_space<hbm>> -> memref<10240x64xf32, #tpu.memory_space<hbm>>
        tpu.enqueue_indirect_dma source(%dma_start3A_317 : memref<10240x64xf32, #tpu.memory_space<hbm>>) target(%arg10 : memref<125x64xf32, #tpu.memory_space<vmem>>) offsets(%dma_start3A_314 : memref<125xi32, #tpu.memory_space<vmem>>) semaphore(%arg19 : memref<!tpu.dma_semaphore, #tpu.memory_space<semaphore_mem>>)
        %dma_wait3A_318 = arith.constant 0 : i32
        %dma_wait3A_319 = arith.constant 0 : i32
        %dma_wait3A_320 = tpu.memref_slice %arg2[%dma_wait3A_318, %dma_wait3A_319] : memref<10240x64xf32, #tpu.memory_space<hbm>> -> memref<125x64xf32, #tpu.memory_space<hbm>>
        %dma_wait3A_321 = arith.constant 0 : i32
        %dma_wait3A_322 = arith.constant 0 : i32
        %dma_wait3A_323 = tpu.memref_slice %arg2[%dma_wait3A_321, %dma_wait3A_322] : memref<10240x64xf32, #tpu.memory_space<hbm>> -> memref<125x64xf32, #tpu.memory_space<hbm>>
        tpu.wait_dma2 semaphore(%arg28 : memref<!tpu.dma_semaphore, #tpu.memory_space<semaphore_mem>>) src(%dma_wait3A_323 : memref<125x64xf32, #tpu.memory_space<hbm>>) dst(%arg11 : memref<125x64xf32, #tpu.memory_space<vmem>>)
        %mul3A_324 = arith.constant 2 : i32
        %mul3A_325 = arith.muli %mul3A_324, %scan3A_118 : i32
        %add3A_326 = arith.constant 2 : i32
        %add3A_327 = arith.addi %mul3A_325, %add3A_326 : i32
        %mul3A_328 = arith.constant 4 : i32
        %mul3A_329 = arith.muli %add3A_327, %mul3A_328 : i32
        %add3A_330 = arith.constant 2 : i32
        %add3A_331 = arith.addi %mul3A_329, %add3A_330 : i32
        %dma_start3A_332 = arith.constant 0 : i32
        %dma_start3A_333 = tpu.memref_slice %arg7[%add3A_331, %dma_start3A_332] : memref<80x125xi32, #tpu.memory_space<vmem>> -> memref<1x125xi32, #tpu.memory_space<vmem>>
        %dma_start3A_334 = tpu.memref_squeeze %dma_start3A_333 : memref<1x125xi32, #tpu.memory_space<vmem>> -> memref<125xi32, #tpu.memory_space<vmem>>
        %dma_start3A_335 = arith.constant 0 : i32
        %dma_start3A_336 = arith.constant 0 : i32
        %dma_start3A_337 = tpu.memref_slice %arg2[%dma_start3A_335, %dma_start3A_336] : memref<10240x64xf32, #tpu.memory_space<hbm>> -> memref<10240x64xf32, #tpu.memory_space<hbm>>
        tpu.enqueue_indirect_dma source(%dma_start3A_337 : memref<10240x64xf32, #tpu.memory_space<hbm>>) target(%arg11 : memref<125x64xf32, #tpu.memory_space<vmem>>) offsets(%dma_start3A_334 : memref<125xi32, #tpu.memory_space<vmem>>) semaphore(%arg20 : memref<!tpu.dma_semaphore, #tpu.memory_space<semaphore_mem>>)
        %dma_wait3A_338 = arith.constant 0 : i32
        %dma_wait3A_339 = arith.constant 0 : i32
        %dma_wait3A_340 = tpu.memref_slice %arg2[%dma_wait3A_338, %dma_wait3A_339] : memref<10240x64xf32, #tpu.memory_space<hbm>> -> memref<125x64xf32, #tpu.memory_space<hbm>>
        %dma_wait3A_341 = arith.constant 0 : i32
        %dma_wait3A_342 = arith.constant 0 : i32
        %dma_wait3A_343 = tpu.memref_slice %arg2[%dma_wait3A_341, %dma_wait3A_342] : memref<10240x64xf32, #tpu.memory_space<hbm>> -> memref<125x64xf32, #tpu.memory_space<hbm>>
        tpu.wait_dma2 semaphore(%arg29 : memref<!tpu.dma_semaphore, #tpu.memory_space<semaphore_mem>>) src(%dma_wait3A_343 : memref<125x64xf32, #tpu.memory_space<hbm>>) dst(%arg12 : memref<125x64xf32, #tpu.memory_space<vmem>>)
        %mul3A_344 = arith.constant 2 : i32
        %mul3A_345 = arith.muli %mul3A_344, %scan3A_118 : i32
        %add3A_346 = arith.constant 2 : i32
        %add3A_347 = arith.addi %mul3A_345, %add3A_346 : i32
        %mul3A_348 = arith.constant 4 : i32
        %mul3A_349 = arith.muli %add3A_347, %mul3A_348 : i32
        %add3A_350 = arith.constant 3 : i32
        %add3A_351 = arith.addi %mul3A_349, %add3A_350 : i32
        %dma_start3A_352 = arith.constant 0 : i32
        %dma_start3A_353 = tpu.memref_slice %arg7[%add3A_351, %dma_start3A_352] : memref<80x125xi32, #tpu.memory_space<vmem>> -> memref<1x125xi32, #tpu.memory_space<vmem>>
        %dma_start3A_354 = tpu.memref_squeeze %dma_start3A_353 : memref<1x125xi32, #tpu.memory_space<vmem>> -> memref<125xi32, #tpu.memory_space<vmem>>
        %dma_start3A_355 = arith.constant 0 : i32
        %dma_start3A_356 = arith.constant 0 : i32
        %dma_start3A_357 = tpu.memref_slice %arg2[%dma_start3A_355, %dma_start3A_356] : memref<10240x64xf32, #tpu.memory_space<hbm>> -> memref<10240x64xf32, #tpu.memory_space<hbm>>
        tpu.enqueue_indirect_dma source(%dma_start3A_357 : memref<10240x64xf32, #tpu.memory_space<hbm>>) target(%arg12 : memref<125x64xf32, #tpu.memory_space<vmem>>) offsets(%dma_start3A_354 : memref<125xi32, #tpu.memory_space<vmem>>) semaphore(%arg21 : memref<!tpu.dma_semaphore, #tpu.memory_space<semaphore_mem>>)
      } else {
      }
      %dma_wait3A_193 = arith.constant 0 : i32
      %dma_wait3A_194 = arith.constant 0 : i32
      %dma_wait3A_195 = tpu.memref_slice %arg2[%dma_wait3A_193, %dma_wait3A_194] : memref<10240x64xf32, #tpu.memory_space<hbm>> -> memref<125x64xf32, #tpu.memory_space<hbm>>
      %dma_wait3A_196 = arith.constant 0 : i32
      %dma_wait3A_197 = arith.constant 0 : i32
      %dma_wait3A_198 = tpu.memref_slice %arg2[%dma_wait3A_196, %dma_wait3A_197] : memref<10240x64xf32, #tpu.memory_space<hbm>> -> memref<125x64xf32, #tpu.memory_space<hbm>>
      tpu.wait_dma2 semaphore(%arg22 : memref<!tpu.dma_semaphore, #tpu.memory_space<semaphore_mem>>) src(%dma_wait3A_198 : memref<125x64xf32, #tpu.memory_space<hbm>>) dst(%arg13 : memref<125x64xf32, #tpu.memory_space<vmem>>)
      %mul3A_199 = arith.constant 2 : i32
      %mul3A_200 = arith.muli %mul3A_199, %scan3A_118 : i32
      %add3A_201 = arith.constant 1 : i32
      %add3A_202 = arith.addi %mul3A_200, %add3A_201 : i32
      %mul3A_203 = arith.constant 4 : i32
      %mul3A_204 = arith.muli %add3A_202, %mul3A_203 : i32
      %add3A_205 = arith.constant 0 : i32
      %add3A_206 = arith.addi %mul3A_204, %add3A_205 : i32
      %dma_start3A_207 = arith.constant 0 : i32
      %dma_start3A_208 = tpu.memref_slice %arg8[%add3A_206, %dma_start3A_207] : memref<80x125xi32, #tpu.memory_space<vmem>> -> memref<1x125xi32, #tpu.memory_space<vmem>>
      %dma_start3A_209 = tpu.memref_squeeze %dma_start3A_208 : memref<1x125xi32, #tpu.memory_space<vmem>> -> memref<125xi32, #tpu.memory_space<vmem>>
      %dma_start3A_210 = arith.constant 0 : i32
      %dma_start3A_211 = arith.constant 0 : i32
      %dma_start3A_212 = tpu.memref_slice %arg17[%dma_start3A_210, %dma_start3A_211] : memref<10240x64xf32, #tpu.memory_space<vmem_shared>> -> memref<10240x64xf32, #tpu.memory_space<vmem_shared>>
      tpu.enqueue_indirect_dma source(%arg13 : memref<125x64xf32, #tpu.memory_space<vmem>>) target(%dma_start3A_212 : memref<10240x64xf32, #tpu.memory_space<vmem_shared>>) offsets(%dma_start3A_209 : memref<125xi32, #tpu.memory_space<vmem>>) semaphore(%arg30 : memref<!tpu.dma_semaphore, #tpu.memory_space<semaphore_mem>>) {add = true}
      %dma_wait3A_213 = arith.constant 0 : i32
      %dma_wait3A_214 = arith.constant 0 : i32
      %dma_wait3A_215 = tpu.memref_slice %arg2[%dma_wait3A_213, %dma_wait3A_214] : memref<10240x64xf32, #tpu.memory_space<hbm>> -> memref<125x64xf32, #tpu.memory_space<hbm>>
      %dma_wait3A_216 = arith.constant 0 : i32
      %dma_wait3A_217 = arith.constant 0 : i32
      %dma_wait3A_218 = tpu.memref_slice %arg2[%dma_wait3A_216, %dma_wait3A_217] : memref<10240x64xf32, #tpu.memory_space<hbm>> -> memref<125x64xf32, #tpu.memory_space<hbm>>
      tpu.wait_dma2 semaphore(%arg23 : memref<!tpu.dma_semaphore, #tpu.memory_space<semaphore_mem>>) src(%dma_wait3A_218 : memref<125x64xf32, #tpu.memory_space<hbm>>) dst(%arg14 : memref<125x64xf32, #tpu.memory_space<vmem>>)
      %mul3A_219 = arith.constant 2 : i32
      %mul3A_220 = arith.muli %mul3A_219, %scan3A_118 : i32
      %add3A_221 = arith.constant 1 : i32
      %add3A_222 = arith.addi %mul3A_220, %add3A_221 : i32
      %mul3A_223 = arith.constant 4 : i32
      %mul3A_224 = arith.muli %add3A_222, %mul3A_223 : i32
      %add3A_225 = arith.constant 1 : i32
      %add3A_226 = arith.addi %mul3A_224, %add3A_225 : i32
      %dma_start3A_227 = arith.constant 0 : i32
      %dma_start3A_228 = tpu.memref_slice %arg8[%add3A_226, %dma_start3A_227] : memref<80x125xi32, #tpu.memory_space<vmem>> -> memref<1x125xi32, #tpu.memory_space<vmem>>
      %dma_start3A_229 = tpu.memref_squeeze %dma_start3A_228 : memref<1x125xi32, #tpu.memory_space<vmem>> -> memref<125xi32, #tpu.memory_space<vmem>>
      %dma_start3A_230 = arith.constant 0 : i32
      %dma_start3A_231 = arith.constant 0 : i32
      %dma_start3A_232 = tpu.memref_slice %arg17[%dma_start3A_230, %dma_start3A_231] : memref<10240x64xf32, #tpu.memory_space<vmem_shared>> -> memref<10240x64xf32, #tpu.memory_space<vmem_shared>>
      tpu.enqueue_indirect_dma source(%arg14 : memref<125x64xf32, #tpu.memory_space<vmem>>) target(%dma_start3A_232 : memref<10240x64xf32, #tpu.memory_space<vmem_shared>>) offsets(%dma_start3A_229 : memref<125xi32, #tpu.memory_space<vmem>>) semaphore(%arg31 : memref<!tpu.dma_semaphore, #tpu.memory_space<semaphore_mem>>) {add = true}
      %dma_wait3A_233 = arith.constant 0 : i32
      %dma_wait3A_234 = arith.constant 0 : i32
      %dma_wait3A_235 = tpu.memref_slice %arg2[%dma_wait3A_233, %dma_wait3A_234] : memref<10240x64xf32, #tpu.memory_space<hbm>> -> memref<125x64xf32, #tpu.memory_space<hbm>>
      %dma_wait3A_236 = arith.constant 0 : i32
      %dma_wait3A_237 = arith.constant 0 : i32
      %dma_wait3A_238 = tpu.memref_slice %arg2[%dma_wait3A_236, %dma_wait3A_237] : memref<10240x64xf32, #tpu.memory_space<hbm>> -> memref<125x64xf32, #tpu.memory_space<hbm>>
      tpu.wait_dma2 semaphore(%arg24 : memref<!tpu.dma_semaphore, #tpu.memory_space<semaphore_mem>>) src(%dma_wait3A_238 : memref<125x64xf32, #tpu.memory_space<hbm>>) dst(%arg15 : memref<125x64xf32, #tpu.memory_space<vmem>>)
      %mul3A_239 = arith.constant 2 : i32
      %mul3A_240 = arith.muli %mul3A_239, %scan3A_118 : i32
      %add3A_241 = arith.constant 1 : i32
      %add3A_242 = arith.addi %mul3A_240, %add3A_241 : i32
      %mul3A_243 = arith.constant 4 : i32
      %mul3A_244 = arith.muli %add3A_242, %mul3A_243 : i32
      %add3A_245 = arith.constant 2 : i32
      %add3A_246 = arith.addi %mul3A_244, %add3A_245 : i32
      %dma_start3A_247 = arith.constant 0 : i32
      %dma_start3A_248 = tpu.memref_slice %arg8[%add3A_246, %dma_start3A_247] : memref<80x125xi32, #tpu.memory_space<vmem>> -> memref<1x125xi32, #tpu.memory_space<vmem>>
      %dma_start3A_249 = tpu.memref_squeeze %dma_start3A_248 : memref<1x125xi32, #tpu.memory_space<vmem>> -> memref<125xi32, #tpu.memory_space<vmem>>
      %dma_start3A_250 = arith.constant 0 : i32
      %dma_start3A_251 = arith.constant 0 : i32
      %dma_start3A_252 = tpu.memref_slice %arg17[%dma_start3A_250, %dma_start3A_251] : memref<10240x64xf32, #tpu.memory_space<vmem_shared>> -> memref<10240x64xf32, #tpu.memory_space<vmem_shared>>
      tpu.enqueue_indirect_dma source(%arg15 : memref<125x64xf32, #tpu.memory_space<vmem>>) target(%dma_start3A_252 : memref<10240x64xf32, #tpu.memory_space<vmem_shared>>) offsets(%dma_start3A_249 : memref<125xi32, #tpu.memory_space<vmem>>) semaphore(%arg32 : memref<!tpu.dma_semaphore, #tpu.memory_space<semaphore_mem>>) {add = true}
      %dma_wait3A_253 = arith.constant 0 : i32
      %dma_wait3A_254 = arith.constant 0 : i32
      %dma_wait3A_255 = tpu.memref_slice %arg2[%dma_wait3A_253, %dma_wait3A_254] : memref<10240x64xf32, #tpu.memory_space<hbm>> -> memref<125x64xf32, #tpu.memory_space<hbm>>
      %dma_wait3A_256 = arith.constant 0 : i32
      %dma_wait3A_257 = arith.constant 0 : i32
      %dma_wait3A_258 = tpu.memref_slice %arg2[%dma_wait3A_256, %dma_wait3A_257] : memref<10240x64xf32, #tpu.memory_space<hbm>> -> memref<125x64xf32, #tpu.memory_space<hbm>>
      tpu.wait_dma2 semaphore(%arg25 : memref<!tpu.dma_semaphore, #tpu.memory_space<semaphore_mem>>) src(%dma_wait3A_258 : memref<125x64xf32, #tpu.memory_space<hbm>>) dst(%arg16 : memref<125x64xf32, #tpu.memory_space<vmem>>)
      %mul3A_259 = arith.constant 2 : i32
      %mul3A_260 = arith.muli %mul3A_259, %scan3A_118 : i32
      %add3A_261 = arith.constant 1 : i32
      %add3A_262 = arith.addi %mul3A_260, %add3A_261 : i32
      %mul3A_263 = arith.constant 4 : i32
      %mul3A_264 = arith.muli %add3A_262, %mul3A_263 : i32
      %add3A_265 = arith.constant 3 : i32
      %add3A_266 = arith.addi %mul3A_264, %add3A_265 : i32
      %dma_start3A_267 = arith.constant 0 : i32
      %dma_start3A_268 = tpu.memref_slice %arg8[%add3A_266, %dma_start3A_267] : memref<80x125xi32, #tpu.memory_space<vmem>> -> memref<1x125xi32, #tpu.memory_space<vmem>>
      %dma_start3A_269 = tpu.memref_squeeze %dma_start3A_268 : memref<1x125xi32, #tpu.memory_space<vmem>> -> memref<125xi32, #tpu.memory_space<vmem>>
      %dma_start3A_270 = arith.constant 0 : i32
      %dma_start3A_271 = arith.constant 0 : i32
      %dma_start3A_272 = tpu.memref_slice %arg17[%dma_start3A_270, %dma_start3A_271] : memref<10240x64xf32, #tpu.memory_space<vmem_shared>> -> memref<10240x64xf32, #tpu.memory_space<vmem_shared>>
      tpu.enqueue_indirect_dma source(%arg16 : memref<125x64xf32, #tpu.memory_space<vmem>>) target(%dma_start3A_272 : memref<10240x64xf32, #tpu.memory_space<vmem_shared>>) offsets(%dma_start3A_269 : memref<125xi32, #tpu.memory_space<vmem>>) semaphore(%arg33 : memref<!tpu.dma_semaphore, #tpu.memory_space<semaphore_mem>>) {add = true}
      %lt3A_273 = arith.constant 9 : i32
      %lt3A_274 = arith.cmpi slt, %scan3A_118, %lt3A_273 : i32
      %convert_element_type3A_275 = arith.extui %lt3A_274 : i1 to i32
      %cond3A_276 = arith.constant 0 : i32
      %cond3A_277 = arith.cmpi ne, %convert_element_type3A_275, %cond3A_276 : i32
      scf.if %cond3A_277 {
        %dma_wait3A_278 = arith.constant 0 : i32
        %dma_wait3A_279 = arith.constant 0 : i32
        %dma_wait3A_280 = tpu.memref_slice %arg2[%dma_wait3A_278, %dma_wait3A_279] : memref<10240x64xf32, #tpu.memory_space<hbm>> -> memref<125x64xf32, #tpu.memory_space<hbm>>
        %dma_wait3A_281 = arith.constant 0 : i32
        %dma_wait3A_282 = arith.constant 0 : i32
        %dma_wait3A_283 = tpu.memref_slice %arg2[%dma_wait3A_281, %dma_wait3A_282] : memref<10240x64xf32, #tpu.memory_space<hbm>> -> memref<125x64xf32, #tpu.memory_space<hbm>>
        tpu.wait_dma2 semaphore(%arg30 : memref<!tpu.dma_semaphore, #tpu.memory_space<semaphore_mem>>) src(%dma_wait3A_283 : memref<125x64xf32, #tpu.memory_space<hbm>>) dst(%arg13 : memref<125x64xf32, #tpu.memory_space<vmem>>)
        %mul3A_284 = arith.constant 2 : i32
        %mul3A_285 = arith.muli %mul3A_284, %scan3A_118 : i32
        %add3A_286 = arith.constant 3 : i32
        %add3A_287 = arith.addi %mul3A_285, %add3A_286 : i32
        %mul3A_288 = arith.constant 4 : i32
        %mul3A_289 = arith.muli %add3A_287, %mul3A_288 : i32
        %add3A_290 = arith.constant 0 : i32
        %add3A_291 = arith.addi %mul3A_289, %add3A_290 : i32
        %dma_start3A_292 = arith.constant 0 : i32
        %dma_start3A_293 = tpu.memref_slice %arg7[%add3A_291, %dma_start3A_292] : memref<80x125xi32, #tpu.memory_space<vmem>> -> memref<1x125xi32, #tpu.memory_space<vmem>>
        %dma_start3A_294 = tpu.memref_squeeze %dma_start3A_293 : memref<1x125xi32, #tpu.memory_space<vmem>> -> memref<125xi32, #tpu.memory_space<vmem>>
        %dma_start3A_295 = arith.constant 0 : i32
        %dma_start3A_296 = arith.constant 0 : i32
        %dma_start3A_297 = tpu.memref_slice %arg2[%dma_start3A_295, %dma_start3A_296] : memref<10240x64xf32, #tpu.memory_space<hbm>> -> memref<10240x64xf32, #tpu.memory_space<hbm>>
        tpu.enqueue_indirect_dma source(%dma_start3A_297 : memref<10240x64xf32, #tpu.memory_space<hbm>>) target(%arg13 : memref<125x64xf32, #tpu.memory_space<vmem>>) offsets(%dma_start3A_294 : memref<125xi32, #tpu.memory_space<vmem>>) semaphore(%arg22 : memref<!tpu.dma_semaphore, #tpu.memory_space<semaphore_mem>>)
        %dma_wait3A_298 = arith.constant 0 : i32
        %dma_wait3A_299 = arith.constant 0 : i32
        %dma_wait3A_300 = tpu.memref_slice %arg2[%dma_wait3A_298, %dma_wait3A_299] : memref<10240x64xf32, #tpu.memory_space<hbm>> -> memref<125x64xf32, #tpu.memory_space<hbm>>
        %dma_wait3A_301 = arith.constant 0 : i32
        %dma_wait3A_302 = arith.constant 0 : i32
        %dma_wait3A_303 = tpu.memref_slice %arg2[%dma_wait3A_301, %dma_wait3A_302] : memref<10240x64xf32, #tpu.memory_space<hbm>> -> memref<125x64xf32, #tpu.memory_space<hbm>>
        tpu.wait_dma2 semaphore(%arg31 : memref<!tpu.dma_semaphore, #tpu.memory_space<semaphore_mem>>) src(%dma_wait3A_303 : memref<125x64xf32, #tpu.memory_space<hbm>>) dst(%arg14 : memref<125x64xf32, #tpu.memory_space<vmem>>)
        %mul3A_304 = arith.constant 2 : i32
        %mul3A_305 = arith.muli %mul3A_304, %scan3A_118 : i32
        %add3A_306 = arith.constant 3 : i32
        %add3A_307 = arith.addi %mul3A_305, %add3A_306 : i32
        %mul3A_308 = arith.constant 4 : i32
        %mul3A_309 = arith.muli %add3A_307, %mul3A_308 : i32
        %add3A_310 = arith.constant 1 : i32
        %add3A_311 = arith.addi %mul3A_309, %add3A_310 : i32
        %dma_start3A_312 = arith.constant 0 : i32
        %dma_start3A_313 = tpu.memref_slice %arg7[%add3A_311, %dma_start3A_312] : memref<80x125xi32, #tpu.memory_space<vmem>> -> memref<1x125xi32, #tpu.memory_space<vmem>>
        %dma_start3A_314 = tpu.memref_squeeze %dma_start3A_313 : memref<1x125xi32, #tpu.memory_space<vmem>> -> memref<125xi32, #tpu.memory_space<vmem>>
        %dma_start3A_315 = arith.constant 0 : i32
        %dma_start3A_316 = arith.constant 0 : i32
        %dma_start3A_317 = tpu.memref_slice %arg2[%dma_start3A_315, %dma_start3A_316] : memref<10240x64xf32, #tpu.memory_space<hbm>> -> memref<10240x64xf32, #tpu.memory_space<hbm>>
        tpu.enqueue_indirect_dma source(%dma_start3A_317 : memref<10240x64xf32, #tpu.memory_space<hbm>>) target(%arg14 : memref<125x64xf32, #tpu.memory_space<vmem>>) offsets(%dma_start3A_314 : memref<125xi32, #tpu.memory_space<vmem>>) semaphore(%arg23 : memref<!tpu.dma_semaphore, #tpu.memory_space<semaphore_mem>>)
        %dma_wait3A_318 = arith.constant 0 : i32
        %dma_wait3A_319 = arith.constant 0 : i32
        %dma_wait3A_320 = tpu.memref_slice %arg2[%dma_wait3A_318, %dma_wait3A_319] : memref<10240x64xf32, #tpu.memory_space<hbm>> -> memref<125x64xf32, #tpu.memory_space<hbm>>
        %dma_wait3A_321 = arith.constant 0 : i32
        %dma_wait3A_322 = arith.constant 0 : i32
        %dma_wait3A_323 = tpu.memref_slice %arg2[%dma_wait3A_321, %dma_wait3A_322] : memref<10240x64xf32, #tpu.memory_space<hbm>> -> memref<125x64xf32, #tpu.memory_space<hbm>>
        tpu.wait_dma2 semaphore(%arg32 : memref<!tpu.dma_semaphore, #tpu.memory_space<semaphore_mem>>) src(%dma_wait3A_323 : memref<125x64xf32, #tpu.memory_space<hbm>>) dst(%arg15 : memref<125x64xf32, #tpu.memory_space<vmem>>)
        %mul3A_324 = arith.constant 2 : i32
        %mul3A_325 = arith.muli %mul3A_324, %scan3A_118 : i32
        %add3A_326 = arith.constant 3 : i32
        %add3A_327 = arith.addi %mul3A_325, %add3A_326 : i32
        %mul3A_328 = arith.constant 4 : i32
        %mul3A_329 = arith.muli %add3A_327, %mul3A_328 : i32
        %add3A_330 = arith.constant 2 : i32
        %add3A_331 = arith.addi %mul3A_329, %add3A_330 : i32
        %dma_start3A_332 = arith.constant 0 : i32
        %dma_start3A_333 = tpu.memref_slice %arg7[%add3A_331, %dma_start3A_332] : memref<80x125xi32, #tpu.memory_space<vmem>> -> memref<1x125xi32, #tpu.memory_space<vmem>>
        %dma_start3A_334 = tpu.memref_squeeze %dma_start3A_333 : memref<1x125xi32, #tpu.memory_space<vmem>> -> memref<125xi32, #tpu.memory_space<vmem>>
        %dma_start3A_335 = arith.constant 0 : i32
        %dma_start3A_336 = arith.constant 0 : i32
        %dma_start3A_337 = tpu.memref_slice %arg2[%dma_start3A_335, %dma_start3A_336] : memref<10240x64xf32, #tpu.memory_space<hbm>> -> memref<10240x64xf32, #tpu.memory_space<hbm>>
        tpu.enqueue_indirect_dma source(%dma_start3A_337 : memref<10240x64xf32, #tpu.memory_space<hbm>>) target(%arg15 : memref<125x64xf32, #tpu.memory_space<vmem>>) offsets(%dma_start3A_334 : memref<125xi32, #tpu.memory_space<vmem>>) semaphore(%arg24 : memref<!tpu.dma_semaphore, #tpu.memory_space<semaphore_mem>>)
        %dma_wait3A_338 = arith.constant 0 : i32
        %dma_wait3A_339 = arith.constant 0 : i32
        %dma_wait3A_340 = tpu.memref_slice %arg2[%dma_wait3A_338, %dma_wait3A_339] : memref<10240x64xf32, #tpu.memory_space<hbm>> -> memref<125x64xf32, #tpu.memory_space<hbm>>
        %dma_wait3A_341 = arith.constant 0 : i32
        %dma_wait3A_342 = arith.constant 0 : i32
        %dma_wait3A_343 = tpu.memref_slice %arg2[%dma_wait3A_341, %dma_wait3A_342] : memref<10240x64xf32, #tpu.memory_space<hbm>> -> memref<125x64xf32, #tpu.memory_space<hbm>>
        tpu.wait_dma2 semaphore(%arg33 : memref<!tpu.dma_semaphore, #tpu.memory_space<semaphore_mem>>) src(%dma_wait3A_343 : memref<125x64xf32, #tpu.memory_space<hbm>>) dst(%arg16 : memref<125x64xf32, #tpu.memory_space<vmem>>)
        %mul3A_344 = arith.constant 2 : i32
        %mul3A_345 = arith.muli %mul3A_344, %scan3A_118 : i32
        %add3A_346 = arith.constant 3 : i32
        %add3A_347 = arith.addi %mul3A_345, %add3A_346 : i32
        %mul3A_348 = arith.constant 4 : i32
        %mul3A_349 = arith.muli %add3A_347, %mul3A_348 : i32
        %add3A_350 = arith.constant 3 : i32
        %add3A_351 = arith.addi %mul3A_349, %add3A_350 : i32
        %dma_start3A_352 = arith.constant 0 : i32
        %dma_start3A_353 = tpu.memref_slice %arg7[%add3A_351, %dma_start3A_352] : memref<80x125xi32, #tpu.memory_space<vmem>> -> memref<1x125xi32, #tpu.memory_space<vmem>>
        %dma_start3A_354 = tpu.memref_squeeze %dma_start3A_353 : memref<1x125xi32, #tpu.memory_space<vmem>> -> memref<125xi32, #tpu.memory_space<vmem>>
        %dma_start3A_355 = arith.constant 0 : i32
        %dma_start3A_356 = arith.constant 0 : i32
        %dma_start3A_357 = tpu.memref_slice %arg2[%dma_start3A_355, %dma_start3A_356] : memref<10240x64xf32, #tpu.memory_space<hbm>> -> memref<10240x64xf32, #tpu.memory_space<hbm>>
        tpu.enqueue_indirect_dma source(%dma_start3A_357 : memref<10240x64xf32, #tpu.memory_space<hbm>>) target(%arg16 : memref<125x64xf32, #tpu.memory_space<vmem>>) offsets(%dma_start3A_354 : memref<125xi32, #tpu.memory_space<vmem>>) semaphore(%arg25 : memref<!tpu.dma_semaphore, #tpu.memory_space<semaphore_mem>>)
      } else {
      }
    }
    %scan3A_62 = arith.constant 10 : i32
    %dma_wait3A = arith.constant 0 : i32
    %dma_wait3A_63 = arith.constant 0 : i32
    %dma_wait3A_64 = tpu.memref_slice %arg2[%dma_wait3A, %dma_wait3A_63] : memref<10240x64xf32, #tpu.memory_space<hbm>> -> memref<125x64xf32, #tpu.memory_space<hbm>>
    %dma_wait3A_65 = arith.constant 0 : i32
    %dma_wait3A_66 = arith.constant 0 : i32
    %dma_wait3A_67 = tpu.memref_slice %arg2[%dma_wait3A_65, %dma_wait3A_66] : memref<10240x64xf32, #tpu.memory_space<hbm>> -> memref<125x64xf32, #tpu.memory_space<hbm>>
    tpu.wait_dma2 semaphore(%arg26 : memref<!tpu.dma_semaphore, #tpu.memory_space<semaphore_mem>>) src(%dma_wait3A_67 : memref<125x64xf32, #tpu.memory_space<hbm>>) dst(%arg9 : memref<125x64xf32, #tpu.memory_space<vmem>>)
    %dma_wait3A_68 = arith.constant 0 : i32
    %dma_wait3A_69 = arith.constant 0 : i32
    %dma_wait3A_70 = tpu.memref_slice %arg2[%dma_wait3A_68, %dma_wait3A_69] : memref<10240x64xf32, #tpu.memory_space<hbm>> -> memref<125x64xf32, #tpu.memory_space<hbm>>
    %dma_wait3A_71 = arith.constant 0 : i32
    %dma_wait3A_72 = arith.constant 0 : i32
    %dma_wait3A_73 = tpu.memref_slice %arg2[%dma_wait3A_71, %dma_wait3A_72] : memref<10240x64xf32, #tpu.memory_space<hbm>> -> memref<125x64xf32, #tpu.memory_space<hbm>>
    tpu.wait_dma2 semaphore(%arg27 : memref<!tpu.dma_semaphore, #tpu.memory_space<semaphore_mem>>) src(%dma_wait3A_73 : memref<125x64xf32, #tpu.memory_space<hbm>>) dst(%arg10 : memref<125x64xf32, #tpu.memory_space<vmem>>)
    %dma_wait3A_74 = arith.constant 0 : i32
    %dma_wait3A_75 = arith.constant 0 : i32
    %dma_wait3A_76 = tpu.memref_slice %arg2[%dma_wait3A_74, %dma_wait3A_75] : memref<10240x64xf32, #tpu.memory_space<hbm>> -> memref<125x64xf32, #tpu.memory_space<hbm>>
    %dma_wait3A_77 = arith.constant 0 : i32
    %dma_wait3A_78 = arith.constant 0 : i32
    %dma_wait3A_79 = tpu.memref_slice %arg2[%dma_wait3A_77, %dma_wait3A_78] : memref<10240x64xf32, #tpu.memory_space<hbm>> -> memref<125x64xf32, #tpu.memory_space<hbm>>
    tpu.wait_dma2 semaphore(%arg28 : memref<!tpu.dma_semaphore, #tpu.memory_space<semaphore_mem>>) src(%dma_wait3A_79 : memref<125x64xf32, #tpu.memory_space<hbm>>) dst(%arg11 : memref<125x64xf32, #tpu.memory_space<vmem>>)
    %dma_wait3A_80 = arith.constant 0 : i32
    %dma_wait3A_81 = arith.constant 0 : i32
    %dma_wait3A_82 = tpu.memref_slice %arg2[%dma_wait3A_80, %dma_wait3A_81] : memref<10240x64xf32, #tpu.memory_space<hbm>> -> memref<125x64xf32, #tpu.memory_space<hbm>>
    %dma_wait3A_83 = arith.constant 0 : i32
    %dma_wait3A_84 = arith.constant 0 : i32
    %dma_wait3A_85 = tpu.memref_slice %arg2[%dma_wait3A_83, %dma_wait3A_84] : memref<10240x64xf32, #tpu.memory_space<hbm>> -> memref<125x64xf32, #tpu.memory_space<hbm>>
    tpu.wait_dma2 semaphore(%arg29 : memref<!tpu.dma_semaphore, #tpu.memory_space<semaphore_mem>>) src(%dma_wait3A_85 : memref<125x64xf32, #tpu.memory_space<hbm>>) dst(%arg12 : memref<125x64xf32, #tpu.memory_space<vmem>>)
    %dma_wait3A_86 = arith.constant 0 : i32
    %dma_wait3A_87 = arith.constant 0 : i32
    %dma_wait3A_88 = tpu.memref_slice %arg2[%dma_wait3A_86, %dma_wait3A_87] : memref<10240x64xf32, #tpu.memory_space<hbm>> -> memref<125x64xf32, #tpu.memory_space<hbm>>
    %dma_wait3A_89 = arith.constant 0 : i32
    %dma_wait3A_90 = arith.constant 0 : i32
    %dma_wait3A_91 = tpu.memref_slice %arg2[%dma_wait3A_89, %dma_wait3A_90] : memref<10240x64xf32, #tpu.memory_space<hbm>> -> memref<125x64xf32, #tpu.memory_space<hbm>>
    tpu.wait_dma2 semaphore(%arg30 : memref<!tpu.dma_semaphore, #tpu.memory_space<semaphore_mem>>) src(%dma_wait3A_91 : memref<125x64xf32, #tpu.memory_space<hbm>>) dst(%arg13 : memref<125x64xf32, #tpu.memory_space<vmem>>)
    %dma_wait3A_92 = arith.constant 0 : i32
    %dma_wait3A_93 = arith.constant 0 : i32
    %dma_wait3A_94 = tpu.memref_slice %arg2[%dma_wait3A_92, %dma_wait3A_93] : memref<10240x64xf32, #tpu.memory_space<hbm>> -> memref<125x64xf32, #tpu.memory_space<hbm>>
    %dma_wait3A_95 = arith.constant 0 : i32
    %dma_wait3A_96 = arith.constant 0 : i32
    %dma_wait3A_97 = tpu.memref_slice %arg2[%dma_wait3A_95, %dma_wait3A_96] : memref<10240x64xf32, #tpu.memory_space<hbm>> -> memref<125x64xf32, #tpu.memory_space<hbm>>
    tpu.wait_dma2 semaphore(%arg31 : memref<!tpu.dma_semaphore, #tpu.memory_space<semaphore_mem>>) src(%dma_wait3A_97 : memref<125x64xf32, #tpu.memory_space<hbm>>) dst(%arg14 : memref<125x64xf32, #tpu.memory_space<vmem>>)
    %dma_wait3A_98 = arith.constant 0 : i32
    %dma_wait3A_99 = arith.constant 0 : i32
    %dma_wait3A_100 = tpu.memref_slice %arg2[%dma_wait3A_98, %dma_wait3A_99] : memref<10240x64xf32, #tpu.memory_space<hbm>> -> memref<125x64xf32, #tpu.memory_space<hbm>>
    %dma_wait3A_101 = arith.constant 0 : i32
    %dma_wait3A_102 = arith.constant 0 : i32
    %dma_wait3A_103 = tpu.memref_slice %arg2[%dma_wait3A_101, %dma_wait3A_102] : memref<10240x64xf32, #tpu.memory_space<hbm>> -> memref<125x64xf32, #tpu.memory_space<hbm>>
    tpu.wait_dma2 semaphore(%arg32 : memref<!tpu.dma_semaphore, #tpu.memory_space<semaphore_mem>>) src(%dma_wait3A_103 : memref<125x64xf32, #tpu.memory_space<hbm>>) dst(%arg15 : memref<125x64xf32, #tpu.memory_space<vmem>>)
    %dma_wait3A_104 = arith.constant 0 : i32
    %dma_wait3A_105 = arith.constant 0 : i32
    %dma_wait3A_106 = tpu.memref_slice %arg2[%dma_wait3A_104, %dma_wait3A_105] : memref<10240x64xf32, #tpu.memory_space<hbm>> -> memref<125x64xf32, #tpu.memory_space<hbm>>
    %dma_wait3A_107 = arith.constant 0 : i32
    %dma_wait3A_108 = arith.constant 0 : i32
    %dma_wait3A_109 = tpu.memref_slice %arg2[%dma_wait3A_107, %dma_wait3A_108] : memref<10240x64xf32, #tpu.memory_space<hbm>> -> memref<125x64xf32, #tpu.memory_space<hbm>>
    tpu.wait_dma2 semaphore(%arg33 : memref<!tpu.dma_semaphore, #tpu.memory_space<semaphore_mem>>) src(%dma_wait3A_109 : memref<125x64xf32, #tpu.memory_space<hbm>>) dst(%arg16 : memref<125x64xf32, #tpu.memory_space<vmem>>)
    %barrier3A_110 = arith.constant 0 : index
    tpu.barrier barrier_id(%barrier3A_110)
    %mul3A_111 = arith.constant 640 : i32
    %mul3A_112 = arith.muli %arg1, %mul3A_111 : i32
    %mul3A_113 = arith.constant 10240 : i32
    %mul3A_114 = arith.muli %arg0, %mul3A_113 : i32
    %mul3A_115 = arith.constant 640 : i32
    %mul3A_116 = arith.muli %arg1, %mul3A_115 : i32
    %add3A_117 = arith.addi %mul3A_114, %mul3A_116 : i32
    "tpu.region"() ({
      %run_scoped3A = tpu.sem_alloc : memref<!tpu.dma_semaphore, #tpu.memory_space<semaphore_mem>>
      %dma_start3A_118 = arith.constant 0 : i32
      %dma_start3A_119 = tpu.memref_slice %arg6[%add3A_117, %dma_start3A_118] : memref<20480x64xf32, #tpu.memory_space<hbm>> -> memref<640x64xf32, #tpu.memory_space<hbm>>
      %dma_start3A_120 = arith.constant 0 : i32
      %dma_start3A_121 = tpu.memref_slice %arg17[%mul3A_112, %dma_start3A_120] : memref<10240x64xf32, #tpu.memory_space<vmem_shared>> -> memref<640x64xf32, #tpu.memory_space<vmem_shared>>
      tpu.enqueue_dma source(%dma_start3A_121 : memref<640x64xf32, #tpu.memory_space<vmem_shared>>) target(%dma_start3A_119 : memref<640x64xf32, #tpu.memory_space<hbm>>) target_semaphore(%run_scoped3A : memref<!tpu.dma_semaphore, #tpu.memory_space<semaphore_mem>>)
      %dma_wait3A_122 = arith.constant 0 : i32
      %dma_wait3A_123 = tpu.memref_slice %arg6[%add3A_117, %dma_wait3A_122] : memref<20480x64xf32, #tpu.memory_space<hbm>> -> memref<640x64xf32, #tpu.memory_space<hbm>>
      %dma_wait3A_124 = arith.constant 0 : i32
      %dma_wait3A_125 = tpu.memref_slice %arg17[%mul3A_112, %dma_wait3A_124] : memref<10240x64xf32, #tpu.memory_space<vmem_shared>> -> memref<640x64xf32, #tpu.memory_space<vmem_shared>>
      tpu.wait_dma2 semaphore(%run_scoped3A : memref<!tpu.dma_semaphore, #tpu.memory_space<semaphore_mem>>) src(%dma_wait3A_125 : memref<640x64xf32, #tpu.memory_space<vmem_shared>>) dst(%dma_wait3A_123 : memref<640x64xf32, #tpu.memory_space<hbm>>)
      tpu.yield
    }) : () -> ()
    return
  }
}

#map = affine_map<(d0, d1) -> (0, 0, 0)>
#map1 = affine_map<(d0, d1) -> (0, 0)>
module attributes {stable_mosaic.version = 14 : i64} {
  func.func @_sc_count(%arg0: i32, %arg1: i32, %arg2: memref<32x80x125xi32, #tpu.memory_space<hbm>>, %arg3: memref<125x16xf32, #tpu.memory_space<hbm>>, %arg4: memref<640x16xf32, #tpu.memory_space<hbm>>, %arg5: memref<20480x16xf32, #tpu.memory_space<hbm>>, %arg6: memref<80x125xi32, #tpu.memory_space<vmem>>, %arg7: memref<125x16xf32, #tpu.memory_space<vmem>>, %arg8: memref<10240x16xf32, #tpu.memory_space<vmem_shared>>, %arg9: memref<!tpu.dma_semaphore, #tpu.memory_space<semaphore_mem>>, %arg10: memref<!tpu.dma_semaphore, #tpu.memory_space<semaphore_mem>>) attributes {dimension_semantics = [#tpu.dimension_semantics<core_parallel>, #tpu.dimension_semantics<subcore_parallel>], iteration_bounds = array<i64: 2, 16>, scalar_prefetch = 0 : i64, scratch_operands = 5 : i64, tpu.core_type = #tpu.core_type<sc_vector_subcore>, window_params = [{transform_indices = #map}, {transform_indices = #map1}, {transform_indices = #map1}, {transform_indices = #map1}]} {
    %mul3A = arith.constant 16 : i32
    %mul3A_0 = arith.muli %arg0, %mul3A : i32
    %add3A = arith.addi %mul3A_0, %arg1 : i32
    %mul3A_1 = arith.constant 640 : i32
    %mul3A_2 = arith.muli %arg1, %mul3A_1 : i32
    "tpu.region"() ({
      %run_scoped3A = tpu.sem_alloc : memref<!tpu.dma_semaphore, #tpu.memory_space<semaphore_mem>>
      %dma_start3A_71 = arith.constant 0 : i32
      %dma_start3A_72 = tpu.memref_slice %arg8[%mul3A_2, %dma_start3A_71] : memref<10240x16xf32, #tpu.memory_space<vmem_shared>> -> memref<640x16xf32, #tpu.memory_space<vmem_shared>>
      tpu.enqueue_dma source(%arg4 : memref<640x16xf32, #tpu.memory_space<hbm>>) target(%dma_start3A_72 : memref<640x16xf32, #tpu.memory_space<vmem_shared>>) target_semaphore(%run_scoped3A : memref<!tpu.dma_semaphore, #tpu.memory_space<semaphore_mem>>)
      %dma_wait3A = arith.constant 0 : i32
      %dma_wait3A_73 = tpu.memref_slice %arg8[%mul3A_2, %dma_wait3A] : memref<10240x16xf32, #tpu.memory_space<vmem_shared>> -> memref<640x16xf32, #tpu.memory_space<vmem_shared>>
      tpu.wait_dma2 semaphore(%run_scoped3A : memref<!tpu.dma_semaphore, #tpu.memory_space<semaphore_mem>>) src(%arg4 : memref<640x16xf32, #tpu.memory_space<hbm>>) dst(%dma_wait3A_73 : memref<640x16xf32, #tpu.memory_space<vmem_shared>>)
      tpu.yield
    }) : () -> ()
    "tpu.region"() ({
      %run_scoped3A = tpu.sem_alloc : memref<!tpu.dma_semaphore, #tpu.memory_space<semaphore_mem>>
      tpu.enqueue_dma source(%arg3 : memref<125x16xf32, #tpu.memory_space<hbm>>) target(%arg7 : memref<125x16xf32, #tpu.memory_space<vmem>>) target_semaphore(%run_scoped3A : memref<!tpu.dma_semaphore, #tpu.memory_space<semaphore_mem>>)
      tpu.wait_dma2 semaphore(%run_scoped3A : memref<!tpu.dma_semaphore, #tpu.memory_space<semaphore_mem>>) src(%arg3 : memref<125x16xf32, #tpu.memory_space<hbm>>) dst(%arg7 : memref<125x16xf32, #tpu.memory_space<vmem>>)
      tpu.yield
    }) : () -> ()
    "tpu.region"() ({
      %run_scoped3A = tpu.sem_alloc : memref<!tpu.dma_semaphore, #tpu.memory_space<semaphore_mem>>
      %dma_start3A_71 = arith.constant 0 : i32
      %dma_start3A_72 = arith.constant 0 : i32
      %dma_start3A_73 = tpu.memref_slice %arg2[%add3A, %dma_start3A_71, %dma_start3A_72] : memref<32x80x125xi32, #tpu.memory_space<hbm>> -> memref<1x80x125xi32, #tpu.memory_space<hbm>>
      %dma_start3A_74 = tpu.memref_squeeze %dma_start3A_73 : memref<1x80x125xi32, #tpu.memory_space<hbm>> -> memref<80x125xi32, #tpu.memory_space<hbm>>
      %dma_start3A_75 = arith.constant 0 : i32
      %dma_start3A_76 = arith.constant 0 : i32
      %dma_start3A_77 = tpu.memref_slice %arg2[%add3A, %dma_start3A_75, %dma_start3A_76] : memref<32x80x125xi32, #tpu.memory_space<hbm>> -> memref<1x80x125xi32, #tpu.memory_space<hbm>>
      %dma_start3A_78 = tpu.memref_squeeze %dma_start3A_77 : memref<1x80x125xi32, #tpu.memory_space<hbm>> -> memref<80x125xi32, #tpu.memory_space<hbm>>
      tpu.enqueue_dma source(%dma_start3A_78 : memref<80x125xi32, #tpu.memory_space<hbm>>) target(%arg6 : memref<80x125xi32, #tpu.memory_space<vmem>>) target_semaphore(%run_scoped3A : memref<!tpu.dma_semaphore, #tpu.memory_space<semaphore_mem>>)
      %dma_wait3A = arith.constant 0 : i32
      %dma_wait3A_79 = arith.constant 0 : i32
      %dma_wait3A_80 = tpu.memref_slice %arg2[%add3A, %dma_wait3A, %dma_wait3A_79] : memref<32x80x125xi32, #tpu.memory_space<hbm>> -> memref<1x80x125xi32, #tpu.memory_space<hbm>>
      %dma_wait3A_81 = tpu.memref_squeeze %dma_wait3A_80 : memref<1x80x125xi32, #tpu.memory_space<hbm>> -> memref<80x125xi32, #tpu.memory_space<hbm>>
      %dma_wait3A_82 = arith.constant 0 : i32
      %dma_wait3A_83 = arith.constant 0 : i32
      %dma_wait3A_84 = tpu.memref_slice %arg2[%add3A, %dma_wait3A_82, %dma_wait3A_83] : memref<32x80x125xi32, #tpu.memory_space<hbm>> -> memref<1x80x125xi32, #tpu.memory_space<hbm>>
      %dma_wait3A_85 = tpu.memref_squeeze %dma_wait3A_84 : memref<1x80x125xi32, #tpu.memory_space<hbm>> -> memref<80x125xi32, #tpu.memory_space<hbm>>
      tpu.wait_dma2 semaphore(%run_scoped3A : memref<!tpu.dma_semaphore, #tpu.memory_space<semaphore_mem>>) src(%dma_wait3A_85 : memref<80x125xi32, #tpu.memory_space<hbm>>) dst(%arg6 : memref<80x125xi32, #tpu.memory_space<vmem>>)
      tpu.yield
    }) : () -> ()
    %barrier3A = arith.constant 0 : index
    tpu.barrier barrier_id(%barrier3A)
    %dma_start3A = arith.constant 0 : i32
    %dma_start3A_3 = arith.constant 0 : i32
    %dma_start3A_4 = tpu.memref_slice %arg6[%dma_start3A, %dma_start3A_3] : memref<80x125xi32, #tpu.memory_space<vmem>> -> memref<1x125xi32, #tpu.memory_space<vmem>>
    %dma_start3A_5 = tpu.memref_squeeze %dma_start3A_4 : memref<1x125xi32, #tpu.memory_space<vmem>> -> memref<125xi32, #tpu.memory_space<vmem>>
    %dma_start3A_6 = arith.constant 0 : i32
    %dma_start3A_7 = arith.constant 0 : i32
    %dma_start3A_8 = tpu.memref_slice %arg8[%dma_start3A_6, %dma_start3A_7] : memref<10240x16xf32, #tpu.memory_space<vmem_shared>> -> memref<10240x16xf32, #tpu.memory_space<vmem_shared>>
    tpu.enqueue_indirect_dma source(%arg7 : memref<125x16xf32, #tpu.memory_space<vmem>>) target(%dma_start3A_8 : memref<10240x16xf32, #tpu.memory_space<vmem_shared>>) offsets(%dma_start3A_5 : memref<125xi32, #tpu.memory_space<vmem>>) semaphore(%arg9 : memref<!tpu.dma_semaphore, #tpu.memory_space<semaphore_mem>>) {add = true}
    %dma_start3A_9 = arith.constant 1 : i32
    %dma_start3A_10 = arith.constant 0 : i32
    %dma_start3A_11 = tpu.memref_slice %arg6[%dma_start3A_9, %dma_start3A_10] : memref<80x125xi32, #tpu.memory_space<vmem>> -> memref<1x125xi32, #tpu.memory_space<vmem>>
    %dma_start3A_12 = tpu.memref_squeeze %dma_start3A_11 : memref<1x125xi32, #tpu.memory_space<vmem>> -> memref<125xi32, #tpu.memory_space<vmem>>
    %dma_start3A_13 = arith.constant 0 : i32
    %dma_start3A_14 = arith.constant 0 : i32
    %dma_start3A_15 = tpu.memref_slice %arg8[%dma_start3A_13, %dma_start3A_14] : memref<10240x16xf32, #tpu.memory_space<vmem_shared>> -> memref<10240x16xf32, #tpu.memory_space<vmem_shared>>
    tpu.enqueue_indirect_dma source(%arg7 : memref<125x16xf32, #tpu.memory_space<vmem>>) target(%dma_start3A_15 : memref<10240x16xf32, #tpu.memory_space<vmem_shared>>) offsets(%dma_start3A_12 : memref<125xi32, #tpu.memory_space<vmem>>) semaphore(%arg9 : memref<!tpu.dma_semaphore, #tpu.memory_space<semaphore_mem>>) {add = true}
    %dma_start3A_16 = arith.constant 2 : i32
    %dma_start3A_17 = arith.constant 0 : i32
    %dma_start3A_18 = tpu.memref_slice %arg6[%dma_start3A_16, %dma_start3A_17] : memref<80x125xi32, #tpu.memory_space<vmem>> -> memref<1x125xi32, #tpu.memory_space<vmem>>
    %dma_start3A_19 = tpu.memref_squeeze %dma_start3A_18 : memref<1x125xi32, #tpu.memory_space<vmem>> -> memref<125xi32, #tpu.memory_space<vmem>>
    %dma_start3A_20 = arith.constant 0 : i32
    %dma_start3A_21 = arith.constant 0 : i32
    %dma_start3A_22 = tpu.memref_slice %arg8[%dma_start3A_20, %dma_start3A_21] : memref<10240x16xf32, #tpu.memory_space<vmem_shared>> -> memref<10240x16xf32, #tpu.memory_space<vmem_shared>>
    tpu.enqueue_indirect_dma source(%arg7 : memref<125x16xf32, #tpu.memory_space<vmem>>) target(%dma_start3A_22 : memref<10240x16xf32, #tpu.memory_space<vmem_shared>>) offsets(%dma_start3A_19 : memref<125xi32, #tpu.memory_space<vmem>>) semaphore(%arg9 : memref<!tpu.dma_semaphore, #tpu.memory_space<semaphore_mem>>) {add = true}
    %dma_start3A_23 = arith.constant 3 : i32
    %dma_start3A_24 = arith.constant 0 : i32
    %dma_start3A_25 = tpu.memref_slice %arg6[%dma_start3A_23, %dma_start3A_24] : memref<80x125xi32, #tpu.memory_space<vmem>> -> memref<1x125xi32, #tpu.memory_space<vmem>>
    %dma_start3A_26 = tpu.memref_squeeze %dma_start3A_25 : memref<1x125xi32, #tpu.memory_space<vmem>> -> memref<125xi32, #tpu.memory_space<vmem>>
    %dma_start3A_27 = arith.constant 0 : i32
    %dma_start3A_28 = arith.constant 0 : i32
    %dma_start3A_29 = tpu.memref_slice %arg8[%dma_start3A_27, %dma_start3A_28] : memref<10240x16xf32, #tpu.memory_space<vmem_shared>> -> memref<10240x16xf32, #tpu.memory_space<vmem_shared>>
    tpu.enqueue_indirect_dma source(%arg7 : memref<125x16xf32, #tpu.memory_space<vmem>>) target(%dma_start3A_29 : memref<10240x16xf32, #tpu.memory_space<vmem_shared>>) offsets(%dma_start3A_26 : memref<125xi32, #tpu.memory_space<vmem>>) semaphore(%arg9 : memref<!tpu.dma_semaphore, #tpu.memory_space<semaphore_mem>>) {add = true}
    %dma_start3A_30 = arith.constant 4 : i32
    %dma_start3A_31 = arith.constant 0 : i32
    %dma_start3A_32 = tpu.memref_slice %arg6[%dma_start3A_30, %dma_start3A_31] : memref<80x125xi32, #tpu.memory_space<vmem>> -> memref<1x125xi32, #tpu.memory_space<vmem>>
    %dma_start3A_33 = tpu.memref_squeeze %dma_start3A_32 : memref<1x125xi32, #tpu.memory_space<vmem>> -> memref<125xi32, #tpu.memory_space<vmem>>
    %dma_start3A_34 = arith.constant 0 : i32
    %dma_start3A_35 = arith.constant 0 : i32
    %dma_start3A_36 = tpu.memref_slice %arg8[%dma_start3A_34, %dma_start3A_35] : memref<10240x16xf32, #tpu.memory_space<vmem_shared>> -> memref<10240x16xf32, #tpu.memory_space<vmem_shared>>
    tpu.enqueue_indirect_dma source(%arg7 : memref<125x16xf32, #tpu.memory_space<vmem>>) target(%dma_start3A_36 : memref<10240x16xf32, #tpu.memory_space<vmem_shared>>) offsets(%dma_start3A_33 : memref<125xi32, #tpu.memory_space<vmem>>) semaphore(%arg9 : memref<!tpu.dma_semaphore, #tpu.memory_space<semaphore_mem>>) {add = true}
    %dma_start3A_37 = arith.constant 5 : i32
    %dma_start3A_38 = arith.constant 0 : i32
    %dma_start3A_39 = tpu.memref_slice %arg6[%dma_start3A_37, %dma_start3A_38] : memref<80x125xi32, #tpu.memory_space<vmem>> -> memref<1x125xi32, #tpu.memory_space<vmem>>
    %dma_start3A_40 = tpu.memref_squeeze %dma_start3A_39 : memref<1x125xi32, #tpu.memory_space<vmem>> -> memref<125xi32, #tpu.memory_space<vmem>>
    %dma_start3A_41 = arith.constant 0 : i32
    %dma_start3A_42 = arith.constant 0 : i32
    %dma_start3A_43 = tpu.memref_slice %arg8[%dma_start3A_41, %dma_start3A_42] : memref<10240x16xf32, #tpu.memory_space<vmem_shared>> -> memref<10240x16xf32, #tpu.memory_space<vmem_shared>>
    tpu.enqueue_indirect_dma source(%arg7 : memref<125x16xf32, #tpu.memory_space<vmem>>) target(%dma_start3A_43 : memref<10240x16xf32, #tpu.memory_space<vmem_shared>>) offsets(%dma_start3A_40 : memref<125xi32, #tpu.memory_space<vmem>>) semaphore(%arg9 : memref<!tpu.dma_semaphore, #tpu.memory_space<semaphore_mem>>) {add = true}
    %dma_start3A_44 = arith.constant 6 : i32
    %dma_start3A_45 = arith.constant 0 : i32
    %dma_start3A_46 = tpu.memref_slice %arg6[%dma_start3A_44, %dma_start3A_45] : memref<80x125xi32, #tpu.memory_space<vmem>> -> memref<1x125xi32, #tpu.memory_space<vmem>>
    %dma_start3A_47 = tpu.memref_squeeze %dma_start3A_46 : memref<1x125xi32, #tpu.memory_space<vmem>> -> memref<125xi32, #tpu.memory_space<vmem>>
    %dma_start3A_48 = arith.constant 0 : i32
    %dma_start3A_49 = arith.constant 0 : i32
    %dma_start3A_50 = tpu.memref_slice %arg8[%dma_start3A_48, %dma_start3A_49] : memref<10240x16xf32, #tpu.memory_space<vmem_shared>> -> memref<10240x16xf32, #tpu.memory_space<vmem_shared>>
    tpu.enqueue_indirect_dma source(%arg7 : memref<125x16xf32, #tpu.memory_space<vmem>>) target(%dma_start3A_50 : memref<10240x16xf32, #tpu.memory_space<vmem_shared>>) offsets(%dma_start3A_47 : memref<125xi32, #tpu.memory_space<vmem>>) semaphore(%arg9 : memref<!tpu.dma_semaphore, #tpu.memory_space<semaphore_mem>>) {add = true}
    %dma_start3A_51 = arith.constant 7 : i32
    %dma_start3A_52 = arith.constant 0 : i32
    %dma_start3A_53 = tpu.memref_slice %arg6[%dma_start3A_51, %dma_start3A_52] : memref<80x125xi32, #tpu.memory_space<vmem>> -> memref<1x125xi32, #tpu.memory_space<vmem>>
    %dma_start3A_54 = tpu.memref_squeeze %dma_start3A_53 : memref<1x125xi32, #tpu.memory_space<vmem>> -> memref<125xi32, #tpu.memory_space<vmem>>
    %dma_start3A_55 = arith.constant 0 : i32
    %dma_start3A_56 = arith.constant 0 : i32
    %dma_start3A_57 = tpu.memref_slice %arg8[%dma_start3A_55, %dma_start3A_56] : memref<10240x16xf32, #tpu.memory_space<vmem_shared>> -> memref<10240x16xf32, #tpu.memory_space<vmem_shared>>
    tpu.enqueue_indirect_dma source(%arg7 : memref<125x16xf32, #tpu.memory_space<vmem>>) target(%dma_start3A_57 : memref<10240x16xf32, #tpu.memory_space<vmem_shared>>) offsets(%dma_start3A_54 : memref<125xi32, #tpu.memory_space<vmem>>) semaphore(%arg9 : memref<!tpu.dma_semaphore, #tpu.memory_space<semaphore_mem>>) {add = true}
    %scan3A = arith.constant 0 : i32
    %scan3A_58 = arith.constant 0 : i32
    %scan3A_59 = arith.constant 5 : i32
    %scan3A_60 = arith.addi %scan3A_58, %scan3A_59 : i32
    %scan3A_61 = arith.constant 1 : i32
    scf.for %scan3A_71 = %scan3A_58 to %scan3A_60 step %scan3A_61  : i32 {
      %mul3A_72 = arith.constant 2 : i32
      %mul3A_73 = arith.muli %mul3A_72, %scan3A_71 : i32
      %add3A_74 = arith.constant 1 : i32
      %add3A_75 = arith.addi %mul3A_73, %add3A_74 : i32
      %mul3A_76 = arith.constant 8 : i32
      %mul3A_77 = arith.muli %mul3A_76, %add3A_75 : i32
      %add3A_78 = arith.constant 0 : i32
      %add3A_79 = arith.addi %mul3A_77, %add3A_78 : i32
      %dma_start3A_80 = arith.constant 0 : i32
      %dma_start3A_81 = tpu.memref_slice %arg6[%add3A_79, %dma_start3A_80] : memref<80x125xi32, #tpu.memory_space<vmem>> -> memref<1x125xi32, #tpu.memory_space<vmem>>
      %dma_start3A_82 = tpu.memref_squeeze %dma_start3A_81 : memref<1x125xi32, #tpu.memory_space<vmem>> -> memref<125xi32, #tpu.memory_space<vmem>>
      %dma_start3A_83 = arith.constant 0 : i32
      %dma_start3A_84 = arith.constant 0 : i32
      %dma_start3A_85 = tpu.memref_slice %arg8[%dma_start3A_83, %dma_start3A_84] : memref<10240x16xf32, #tpu.memory_space<vmem_shared>> -> memref<10240x16xf32, #tpu.memory_space<vmem_shared>>
      tpu.enqueue_indirect_dma source(%arg7 : memref<125x16xf32, #tpu.memory_space<vmem>>) target(%dma_start3A_85 : memref<10240x16xf32, #tpu.memory_space<vmem_shared>>) offsets(%dma_start3A_82 : memref<125xi32, #tpu.memory_space<vmem>>) semaphore(%arg10 : memref<!tpu.dma_semaphore, #tpu.memory_space<semaphore_mem>>) {add = true}
      %mul3A_86 = arith.constant 2 : i32
      %mul3A_87 = arith.muli %mul3A_86, %scan3A_71 : i32
      %add3A_88 = arith.constant 1 : i32
      %add3A_89 = arith.addi %mul3A_87, %add3A_88 : i32
      %mul3A_90 = arith.constant 8 : i32
      %mul3A_91 = arith.muli %mul3A_90, %add3A_89 : i32
      %add3A_92 = arith.constant 1 : i32
      %add3A_93 = arith.addi %mul3A_91, %add3A_92 : i32
      %dma_start3A_94 = arith.constant 0 : i32
      %dma_start3A_95 = tpu.memref_slice %arg6[%add3A_93, %dma_start3A_94] : memref<80x125xi32, #tpu.memory_space<vmem>> -> memref<1x125xi32, #tpu.memory_space<vmem>>
      %dma_start3A_96 = tpu.memref_squeeze %dma_start3A_95 : memref<1x125xi32, #tpu.memory_space<vmem>> -> memref<125xi32, #tpu.memory_space<vmem>>
      %dma_start3A_97 = arith.constant 0 : i32
      %dma_start3A_98 = arith.constant 0 : i32
      %dma_start3A_99 = tpu.memref_slice %arg8[%dma_start3A_97, %dma_start3A_98] : memref<10240x16xf32, #tpu.memory_space<vmem_shared>> -> memref<10240x16xf32, #tpu.memory_space<vmem_shared>>
      tpu.enqueue_indirect_dma source(%arg7 : memref<125x16xf32, #tpu.memory_space<vmem>>) target(%dma_start3A_99 : memref<10240x16xf32, #tpu.memory_space<vmem_shared>>) offsets(%dma_start3A_96 : memref<125xi32, #tpu.memory_space<vmem>>) semaphore(%arg10 : memref<!tpu.dma_semaphore, #tpu.memory_space<semaphore_mem>>) {add = true}
      %mul3A_100 = arith.constant 2 : i32
      %mul3A_101 = arith.muli %mul3A_100, %scan3A_71 : i32
      %add3A_102 = arith.constant 1 : i32
      %add3A_103 = arith.addi %mul3A_101, %add3A_102 : i32
      %mul3A_104 = arith.constant 8 : i32
      %mul3A_105 = arith.muli %mul3A_104, %add3A_103 : i32
      %add3A_106 = arith.constant 2 : i32
      %add3A_107 = arith.addi %mul3A_105, %add3A_106 : i32
      %dma_start3A_108 = arith.constant 0 : i32
      %dma_start3A_109 = tpu.memref_slice %arg6[%add3A_107, %dma_start3A_108] : memref<80x125xi32, #tpu.memory_space<vmem>> -> memref<1x125xi32, #tpu.memory_space<vmem>>
      %dma_start3A_110 = tpu.memref_squeeze %dma_start3A_109 : memref<1x125xi32, #tpu.memory_space<vmem>> -> memref<125xi32, #tpu.memory_space<vmem>>
      %dma_start3A_111 = arith.constant 0 : i32
      %dma_start3A_112 = arith.constant 0 : i32
      %dma_start3A_113 = tpu.memref_slice %arg8[%dma_start3A_111, %dma_start3A_112] : memref<10240x16xf32, #tpu.memory_space<vmem_shared>> -> memref<10240x16xf32, #tpu.memory_space<vmem_shared>>
      tpu.enqueue_indirect_dma source(%arg7 : memref<125x16xf32, #tpu.memory_space<vmem>>) target(%dma_start3A_113 : memref<10240x16xf32, #tpu.memory_space<vmem_shared>>) offsets(%dma_start3A_110 : memref<125xi32, #tpu.memory_space<vmem>>) semaphore(%arg10 : memref<!tpu.dma_semaphore, #tpu.memory_space<semaphore_mem>>) {add = true}
      %mul3A_114 = arith.constant 2 : i32
      %mul3A_115 = arith.muli %mul3A_114, %scan3A_71 : i32
      %add3A_116 = arith.constant 1 : i32
      %add3A_117 = arith.addi %mul3A_115, %add3A_116 : i32
      %mul3A_118 = arith.constant 8 : i32
      %mul3A_119 = arith.muli %mul3A_118, %add3A_117 : i32
      %add3A_120 = arith.constant 3 : i32
      %add3A_121 = arith.addi %mul3A_119, %add3A_120 : i32
      %dma_start3A_122 = arith.constant 0 : i32
      %dma_start3A_123 = tpu.memref_slice %arg6[%add3A_121, %dma_start3A_122] : memref<80x125xi32, #tpu.memory_space<vmem>> -> memref<1x125xi32, #tpu.memory_space<vmem>>
      %dma_start3A_124 = tpu.memref_squeeze %dma_start3A_123 : memref<1x125xi32, #tpu.memory_space<vmem>> -> memref<125xi32, #tpu.memory_space<vmem>>
      %dma_start3A_125 = arith.constant 0 : i32
      %dma_start3A_126 = arith.constant 0 : i32
      %dma_start3A_127 = tpu.memref_slice %arg8[%dma_start3A_125, %dma_start3A_126] : memref<10240x16xf32, #tpu.memory_space<vmem_shared>> -> memref<10240x16xf32, #tpu.memory_space<vmem_shared>>
      tpu.enqueue_indirect_dma source(%arg7 : memref<125x16xf32, #tpu.memory_space<vmem>>) target(%dma_start3A_127 : memref<10240x16xf32, #tpu.memory_space<vmem_shared>>) offsets(%dma_start3A_124 : memref<125xi32, #tpu.memory_space<vmem>>) semaphore(%arg10 : memref<!tpu.dma_semaphore, #tpu.memory_space<semaphore_mem>>) {add = true}
      %mul3A_128 = arith.constant 2 : i32
      %mul3A_129 = arith.muli %mul3A_128, %scan3A_71 : i32
      %add3A_130 = arith.constant 1 : i32
      %add3A_131 = arith.addi %mul3A_129, %add3A_130 : i32
      %mul3A_132 = arith.constant 8 : i32
      %mul3A_133 = arith.muli %mul3A_132, %add3A_131 : i32
      %add3A_134 = arith.constant 4 : i32
      %add3A_135 = arith.addi %mul3A_133, %add3A_134 : i32
      %dma_start3A_136 = arith.constant 0 : i32
      %dma_start3A_137 = tpu.memref_slice %arg6[%add3A_135, %dma_start3A_136] : memref<80x125xi32, #tpu.memory_space<vmem>> -> memref<1x125xi32, #tpu.memory_space<vmem>>
      %dma_start3A_138 = tpu.memref_squeeze %dma_start3A_137 : memref<1x125xi32, #tpu.memory_space<vmem>> -> memref<125xi32, #tpu.memory_space<vmem>>
      %dma_start3A_139 = arith.constant 0 : i32
      %dma_start3A_140 = arith.constant 0 : i32
      %dma_start3A_141 = tpu.memref_slice %arg8[%dma_start3A_139, %dma_start3A_140] : memref<10240x16xf32, #tpu.memory_space<vmem_shared>> -> memref<10240x16xf32, #tpu.memory_space<vmem_shared>>
      tpu.enqueue_indirect_dma source(%arg7 : memref<125x16xf32, #tpu.memory_space<vmem>>) target(%dma_start3A_141 : memref<10240x16xf32, #tpu.memory_space<vmem_shared>>) offsets(%dma_start3A_138 : memref<125xi32, #tpu.memory_space<vmem>>) semaphore(%arg10 : memref<!tpu.dma_semaphore, #tpu.memory_space<semaphore_mem>>) {add = true}
      %mul3A_142 = arith.constant 2 : i32
      %mul3A_143 = arith.muli %mul3A_142, %scan3A_71 : i32
      %add3A_144 = arith.constant 1 : i32
      %add3A_145 = arith.addi %mul3A_143, %add3A_144 : i32
      %mul3A_146 = arith.constant 8 : i32
      %mul3A_147 = arith.muli %mul3A_146, %add3A_145 : i32
      %add3A_148 = arith.constant 5 : i32
      %add3A_149 = arith.addi %mul3A_147, %add3A_148 : i32
      %dma_start3A_150 = arith.constant 0 : i32
      %dma_start3A_151 = tpu.memref_slice %arg6[%add3A_149, %dma_start3A_150] : memref<80x125xi32, #tpu.memory_space<vmem>> -> memref<1x125xi32, #tpu.memory_space<vmem>>
      %dma_start3A_152 = tpu.memref_squeeze %dma_start3A_151 : memref<1x125xi32, #tpu.memory_space<vmem>> -> memref<125xi32, #tpu.memory_space<vmem>>
      %dma_start3A_153 = arith.constant 0 : i32
      %dma_start3A_154 = arith.constant 0 : i32
      %dma_start3A_155 = tpu.memref_slice %arg8[%dma_start3A_153, %dma_start3A_154] : memref<10240x16xf32, #tpu.memory_space<vmem_shared>> -> memref<10240x16xf32, #tpu.memory_space<vmem_shared>>
      tpu.enqueue_indirect_dma source(%arg7 : memref<125x16xf32, #tpu.memory_space<vmem>>) target(%dma_start3A_155 : memref<10240x16xf32, #tpu.memory_space<vmem_shared>>) offsets(%dma_start3A_152 : memref<125xi32, #tpu.memory_space<vmem>>) semaphore(%arg10 : memref<!tpu.dma_semaphore, #tpu.memory_space<semaphore_mem>>) {add = true}
      %mul3A_156 = arith.constant 2 : i32
      %mul3A_157 = arith.muli %mul3A_156, %scan3A_71 : i32
      %add3A_158 = arith.constant 1 : i32
      %add3A_159 = arith.addi %mul3A_157, %add3A_158 : i32
      %mul3A_160 = arith.constant 8 : i32
      %mul3A_161 = arith.muli %mul3A_160, %add3A_159 : i32
      %add3A_162 = arith.constant 6 : i32
      %add3A_163 = arith.addi %mul3A_161, %add3A_162 : i32
      %dma_start3A_164 = arith.constant 0 : i32
      %dma_start3A_165 = tpu.memref_slice %arg6[%add3A_163, %dma_start3A_164] : memref<80x125xi32, #tpu.memory_space<vmem>> -> memref<1x125xi32, #tpu.memory_space<vmem>>
      %dma_start3A_166 = tpu.memref_squeeze %dma_start3A_165 : memref<1x125xi32, #tpu.memory_space<vmem>> -> memref<125xi32, #tpu.memory_space<vmem>>
      %dma_start3A_167 = arith.constant 0 : i32
      %dma_start3A_168 = arith.constant 0 : i32
      %dma_start3A_169 = tpu.memref_slice %arg8[%dma_start3A_167, %dma_start3A_168] : memref<10240x16xf32, #tpu.memory_space<vmem_shared>> -> memref<10240x16xf32, #tpu.memory_space<vmem_shared>>
      tpu.enqueue_indirect_dma source(%arg7 : memref<125x16xf32, #tpu.memory_space<vmem>>) target(%dma_start3A_169 : memref<10240x16xf32, #tpu.memory_space<vmem_shared>>) offsets(%dma_start3A_166 : memref<125xi32, #tpu.memory_space<vmem>>) semaphore(%arg10 : memref<!tpu.dma_semaphore, #tpu.memory_space<semaphore_mem>>) {add = true}
      %mul3A_170 = arith.constant 2 : i32
      %mul3A_171 = arith.muli %mul3A_170, %scan3A_71 : i32
      %add3A_172 = arith.constant 1 : i32
      %add3A_173 = arith.addi %mul3A_171, %add3A_172 : i32
      %mul3A_174 = arith.constant 8 : i32
      %mul3A_175 = arith.muli %mul3A_174, %add3A_173 : i32
      %add3A_176 = arith.constant 7 : i32
      %add3A_177 = arith.addi %mul3A_175, %add3A_176 : i32
      %dma_start3A_178 = arith.constant 0 : i32
      %dma_start3A_179 = tpu.memref_slice %arg6[%add3A_177, %dma_start3A_178] : memref<80x125xi32, #tpu.memory_space<vmem>> -> memref<1x125xi32, #tpu.memory_space<vmem>>
      %dma_start3A_180 = tpu.memref_squeeze %dma_start3A_179 : memref<1x125xi32, #tpu.memory_space<vmem>> -> memref<125xi32, #tpu.memory_space<vmem>>
      %dma_start3A_181 = arith.constant 0 : i32
      %dma_start3A_182 = arith.constant 0 : i32
      %dma_start3A_183 = tpu.memref_slice %arg8[%dma_start3A_181, %dma_start3A_182] : memref<10240x16xf32, #tpu.memory_space<vmem_shared>> -> memref<10240x16xf32, #tpu.memory_space<vmem_shared>>
      tpu.enqueue_indirect_dma source(%arg7 : memref<125x16xf32, #tpu.memory_space<vmem>>) target(%dma_start3A_183 : memref<10240x16xf32, #tpu.memory_space<vmem_shared>>) offsets(%dma_start3A_180 : memref<125xi32, #tpu.memory_space<vmem>>) semaphore(%arg10 : memref<!tpu.dma_semaphore, #tpu.memory_space<semaphore_mem>>) {add = true}
      tpu.wait_dma2 semaphore(%arg9 : memref<!tpu.dma_semaphore, #tpu.memory_space<semaphore_mem>>) src(%arg3 : memref<125x16xf32, #tpu.memory_space<hbm>>) dst(%arg7 : memref<125x16xf32, #tpu.memory_space<vmem>>)
      tpu.wait_dma2 semaphore(%arg9 : memref<!tpu.dma_semaphore, #tpu.memory_space<semaphore_mem>>) src(%arg3 : memref<125x16xf32, #tpu.memory_space<hbm>>) dst(%arg7 : memref<125x16xf32, #tpu.memory_space<vmem>>)
      tpu.wait_dma2 semaphore(%arg9 : memref<!tpu.dma_semaphore, #tpu.memory_space<semaphore_mem>>) src(%arg3 : memref<125x16xf32, #tpu.memory_space<hbm>>) dst(%arg7 : memref<125x16xf32, #tpu.memory_space<vmem>>)
      tpu.wait_dma2 semaphore(%arg9 : memref<!tpu.dma_semaphore, #tpu.memory_space<semaphore_mem>>) src(%arg3 : memref<125x16xf32, #tpu.memory_space<hbm>>) dst(%arg7 : memref<125x16xf32, #tpu.memory_space<vmem>>)
      tpu.wait_dma2 semaphore(%arg9 : memref<!tpu.dma_semaphore, #tpu.memory_space<semaphore_mem>>) src(%arg3 : memref<125x16xf32, #tpu.memory_space<hbm>>) dst(%arg7 : memref<125x16xf32, #tpu.memory_space<vmem>>)
      tpu.wait_dma2 semaphore(%arg9 : memref<!tpu.dma_semaphore, #tpu.memory_space<semaphore_mem>>) src(%arg3 : memref<125x16xf32, #tpu.memory_space<hbm>>) dst(%arg7 : memref<125x16xf32, #tpu.memory_space<vmem>>)
      tpu.wait_dma2 semaphore(%arg9 : memref<!tpu.dma_semaphore, #tpu.memory_space<semaphore_mem>>) src(%arg3 : memref<125x16xf32, #tpu.memory_space<hbm>>) dst(%arg7 : memref<125x16xf32, #tpu.memory_space<vmem>>)
      tpu.wait_dma2 semaphore(%arg9 : memref<!tpu.dma_semaphore, #tpu.memory_space<semaphore_mem>>) src(%arg3 : memref<125x16xf32, #tpu.memory_space<hbm>>) dst(%arg7 : memref<125x16xf32, #tpu.memory_space<vmem>>)
      %lt3A = arith.constant 4 : i32
      %lt3A_184 = arith.cmpi slt, %scan3A_71, %lt3A : i32
      %convert_element_type3A = arith.extui %lt3A_184 : i1 to i32
      %cond3A = arith.constant 0 : i32
      %cond3A_185 = arith.cmpi ne, %convert_element_type3A, %cond3A : i32
      scf.if %cond3A_185 {
        %mul3A_186 = arith.constant 2 : i32
        %mul3A_187 = arith.muli %mul3A_186, %scan3A_71 : i32
        %add3A_188 = arith.constant 2 : i32
        %add3A_189 = arith.addi %mul3A_187, %add3A_188 : i32
        %mul3A_190 = arith.constant 8 : i32
        %mul3A_191 = arith.muli %mul3A_190, %add3A_189 : i32
        %add3A_192 = arith.constant 0 : i32
        %add3A_193 = arith.addi %mul3A_191, %add3A_192 : i32
        %dma_start3A_194 = arith.constant 0 : i32
        %dma_start3A_195 = tpu.memref_slice %arg6[%add3A_193, %dma_start3A_194] : memref<80x125xi32, #tpu.memory_space<vmem>> -> memref<1x125xi32, #tpu.memory_space<vmem>>
        %dma_start3A_196 = tpu.memref_squeeze %dma_start3A_195 : memref<1x125xi32, #tpu.memory_space<vmem>> -> memref<125xi32, #tpu.memory_space<vmem>>
        %dma_start3A_197 = arith.constant 0 : i32
        %dma_start3A_198 = arith.constant 0 : i32
        %dma_start3A_199 = tpu.memref_slice %arg8[%dma_start3A_197, %dma_start3A_198] : memref<10240x16xf32, #tpu.memory_space<vmem_shared>> -> memref<10240x16xf32, #tpu.memory_space<vmem_shared>>
        tpu.enqueue_indirect_dma source(%arg7 : memref<125x16xf32, #tpu.memory_space<vmem>>) target(%dma_start3A_199 : memref<10240x16xf32, #tpu.memory_space<vmem_shared>>) offsets(%dma_start3A_196 : memref<125xi32, #tpu.memory_space<vmem>>) semaphore(%arg9 : memref<!tpu.dma_semaphore, #tpu.memory_space<semaphore_mem>>) {add = true}
        %mul3A_200 = arith.constant 2 : i32
        %mul3A_201 = arith.muli %mul3A_200, %scan3A_71 : i32
        %add3A_202 = arith.constant 2 : i32
        %add3A_203 = arith.addi %mul3A_201, %add3A_202 : i32
        %mul3A_204 = arith.constant 8 : i32
        %mul3A_205 = arith.muli %mul3A_204, %add3A_203 : i32
        %add3A_206 = arith.constant 1 : i32
        %add3A_207 = arith.addi %mul3A_205, %add3A_206 : i32
        %dma_start3A_208 = arith.constant 0 : i32
        %dma_start3A_209 = tpu.memref_slice %arg6[%add3A_207, %dma_start3A_208] : memref<80x125xi32, #tpu.memory_space<vmem>> -> memref<1x125xi32, #tpu.memory_space<vmem>>
        %dma_start3A_210 = tpu.memref_squeeze %dma_start3A_209 : memref<1x125xi32, #tpu.memory_space<vmem>> -> memref<125xi32, #tpu.memory_space<vmem>>
        %dma_start3A_211 = arith.constant 0 : i32
        %dma_start3A_212 = arith.constant 0 : i32
        %dma_start3A_213 = tpu.memref_slice %arg8[%dma_start3A_211, %dma_start3A_212] : memref<10240x16xf32, #tpu.memory_space<vmem_shared>> -> memref<10240x16xf32, #tpu.memory_space<vmem_shared>>
        tpu.enqueue_indirect_dma source(%arg7 : memref<125x16xf32, #tpu.memory_space<vmem>>) target(%dma_start3A_213 : memref<10240x16xf32, #tpu.memory_space<vmem_shared>>) offsets(%dma_start3A_210 : memref<125xi32, #tpu.memory_space<vmem>>) semaphore(%arg9 : memref<!tpu.dma_semaphore, #tpu.memory_space<semaphore_mem>>) {add = true}
        %mul3A_214 = arith.constant 2 : i32
        %mul3A_215 = arith.muli %mul3A_214, %scan3A_71 : i32
        %add3A_216 = arith.constant 2 : i32
        %add3A_217 = arith.addi %mul3A_215, %add3A_216 : i32
        %mul3A_218 = arith.constant 8 : i32
        %mul3A_219 = arith.muli %mul3A_218, %add3A_217 : i32
        %add3A_220 = arith.constant 2 : i32
        %add3A_221 = arith.addi %mul3A_219, %add3A_220 : i32
        %dma_start3A_222 = arith.constant 0 : i32
        %dma_start3A_223 = tpu.memref_slice %arg6[%add3A_221, %dma_start3A_222] : memref<80x125xi32, #tpu.memory_space<vmem>> -> memref<1x125xi32, #tpu.memory_space<vmem>>
        %dma_start3A_224 = tpu.memref_squeeze %dma_start3A_223 : memref<1x125xi32, #tpu.memory_space<vmem>> -> memref<125xi32, #tpu.memory_space<vmem>>
        %dma_start3A_225 = arith.constant 0 : i32
        %dma_start3A_226 = arith.constant 0 : i32
        %dma_start3A_227 = tpu.memref_slice %arg8[%dma_start3A_225, %dma_start3A_226] : memref<10240x16xf32, #tpu.memory_space<vmem_shared>> -> memref<10240x16xf32, #tpu.memory_space<vmem_shared>>
        tpu.enqueue_indirect_dma source(%arg7 : memref<125x16xf32, #tpu.memory_space<vmem>>) target(%dma_start3A_227 : memref<10240x16xf32, #tpu.memory_space<vmem_shared>>) offsets(%dma_start3A_224 : memref<125xi32, #tpu.memory_space<vmem>>) semaphore(%arg9 : memref<!tpu.dma_semaphore, #tpu.memory_space<semaphore_mem>>) {add = true}
        %mul3A_228 = arith.constant 2 : i32
        %mul3A_229 = arith.muli %mul3A_228, %scan3A_71 : i32
        %add3A_230 = arith.constant 2 : i32
        %add3A_231 = arith.addi %mul3A_229, %add3A_230 : i32
        %mul3A_232 = arith.constant 8 : i32
        %mul3A_233 = arith.muli %mul3A_232, %add3A_231 : i32
        %add3A_234 = arith.constant 3 : i32
        %add3A_235 = arith.addi %mul3A_233, %add3A_234 : i32
        %dma_start3A_236 = arith.constant 0 : i32
        %dma_start3A_237 = tpu.memref_slice %arg6[%add3A_235, %dma_start3A_236] : memref<80x125xi32, #tpu.memory_space<vmem>> -> memref<1x125xi32, #tpu.memory_space<vmem>>
        %dma_start3A_238 = tpu.memref_squeeze %dma_start3A_237 : memref<1x125xi32, #tpu.memory_space<vmem>> -> memref<125xi32, #tpu.memory_space<vmem>>
        %dma_start3A_239 = arith.constant 0 : i32
        %dma_start3A_240 = arith.constant 0 : i32
        %dma_start3A_241 = tpu.memref_slice %arg8[%dma_start3A_239, %dma_start3A_240] : memref<10240x16xf32, #tpu.memory_space<vmem_shared>> -> memref<10240x16xf32, #tpu.memory_space<vmem_shared>>
        tpu.enqueue_indirect_dma source(%arg7 : memref<125x16xf32, #tpu.memory_space<vmem>>) target(%dma_start3A_241 : memref<10240x16xf32, #tpu.memory_space<vmem_shared>>) offsets(%dma_start3A_238 : memref<125xi32, #tpu.memory_space<vmem>>) semaphore(%arg9 : memref<!tpu.dma_semaphore, #tpu.memory_space<semaphore_mem>>) {add = true}
        %mul3A_242 = arith.constant 2 : i32
        %mul3A_243 = arith.muli %mul3A_242, %scan3A_71 : i32
        %add3A_244 = arith.constant 2 : i32
        %add3A_245 = arith.addi %mul3A_243, %add3A_244 : i32
        %mul3A_246 = arith.constant 8 : i32
        %mul3A_247 = arith.muli %mul3A_246, %add3A_245 : i32
        %add3A_248 = arith.constant 4 : i32
        %add3A_249 = arith.addi %mul3A_247, %add3A_248 : i32
        %dma_start3A_250 = arith.constant 0 : i32
        %dma_start3A_251 = tpu.memref_slice %arg6[%add3A_249, %dma_start3A_250] : memref<80x125xi32, #tpu.memory_space<vmem>> -> memref<1x125xi32, #tpu.memory_space<vmem>>
        %dma_start3A_252 = tpu.memref_squeeze %dma_start3A_251 : memref<1x125xi32, #tpu.memory_space<vmem>> -> memref<125xi32, #tpu.memory_space<vmem>>
        %dma_start3A_253 = arith.constant 0 : i32
        %dma_start3A_254 = arith.constant 0 : i32
        %dma_start3A_255 = tpu.memref_slice %arg8[%dma_start3A_253, %dma_start3A_254] : memref<10240x16xf32, #tpu.memory_space<vmem_shared>> -> memref<10240x16xf32, #tpu.memory_space<vmem_shared>>
        tpu.enqueue_indirect_dma source(%arg7 : memref<125x16xf32, #tpu.memory_space<vmem>>) target(%dma_start3A_255 : memref<10240x16xf32, #tpu.memory_space<vmem_shared>>) offsets(%dma_start3A_252 : memref<125xi32, #tpu.memory_space<vmem>>) semaphore(%arg9 : memref<!tpu.dma_semaphore, #tpu.memory_space<semaphore_mem>>) {add = true}
        %mul3A_256 = arith.constant 2 : i32
        %mul3A_257 = arith.muli %mul3A_256, %scan3A_71 : i32
        %add3A_258 = arith.constant 2 : i32
        %add3A_259 = arith.addi %mul3A_257, %add3A_258 : i32
        %mul3A_260 = arith.constant 8 : i32
        %mul3A_261 = arith.muli %mul3A_260, %add3A_259 : i32
        %add3A_262 = arith.constant 5 : i32
        %add3A_263 = arith.addi %mul3A_261, %add3A_262 : i32
        %dma_start3A_264 = arith.constant 0 : i32
        %dma_start3A_265 = tpu.memref_slice %arg6[%add3A_263, %dma_start3A_264] : memref<80x125xi32, #tpu.memory_space<vmem>> -> memref<1x125xi32, #tpu.memory_space<vmem>>
        %dma_start3A_266 = tpu.memref_squeeze %dma_start3A_265 : memref<1x125xi32, #tpu.memory_space<vmem>> -> memref<125xi32, #tpu.memory_space<vmem>>
        %dma_start3A_267 = arith.constant 0 : i32
        %dma_start3A_268 = arith.constant 0 : i32
        %dma_start3A_269 = tpu.memref_slice %arg8[%dma_start3A_267, %dma_start3A_268] : memref<10240x16xf32, #tpu.memory_space<vmem_shared>> -> memref<10240x16xf32, #tpu.memory_space<vmem_shared>>
        tpu.enqueue_indirect_dma source(%arg7 : memref<125x16xf32, #tpu.memory_space<vmem>>) target(%dma_start3A_269 : memref<10240x16xf32, #tpu.memory_space<vmem_shared>>) offsets(%dma_start3A_266 : memref<125xi32, #tpu.memory_space<vmem>>) semaphore(%arg9 : memref<!tpu.dma_semaphore, #tpu.memory_space<semaphore_mem>>) {add = true}
        %mul3A_270 = arith.constant 2 : i32
        %mul3A_271 = arith.muli %mul3A_270, %scan3A_71 : i32
        %add3A_272 = arith.constant 2 : i32
        %add3A_273 = arith.addi %mul3A_271, %add3A_272 : i32
        %mul3A_274 = arith.constant 8 : i32
        %mul3A_275 = arith.muli %mul3A_274, %add3A_273 : i32
        %add3A_276 = arith.constant 6 : i32
        %add3A_277 = arith.addi %mul3A_275, %add3A_276 : i32
        %dma_start3A_278 = arith.constant 0 : i32
        %dma_start3A_279 = tpu.memref_slice %arg6[%add3A_277, %dma_start3A_278] : memref<80x125xi32, #tpu.memory_space<vmem>> -> memref<1x125xi32, #tpu.memory_space<vmem>>
        %dma_start3A_280 = tpu.memref_squeeze %dma_start3A_279 : memref<1x125xi32, #tpu.memory_space<vmem>> -> memref<125xi32, #tpu.memory_space<vmem>>
        %dma_start3A_281 = arith.constant 0 : i32
        %dma_start3A_282 = arith.constant 0 : i32
        %dma_start3A_283 = tpu.memref_slice %arg8[%dma_start3A_281, %dma_start3A_282] : memref<10240x16xf32, #tpu.memory_space<vmem_shared>> -> memref<10240x16xf32, #tpu.memory_space<vmem_shared>>
        tpu.enqueue_indirect_dma source(%arg7 : memref<125x16xf32, #tpu.memory_space<vmem>>) target(%dma_start3A_283 : memref<10240x16xf32, #tpu.memory_space<vmem_shared>>) offsets(%dma_start3A_280 : memref<125xi32, #tpu.memory_space<vmem>>) semaphore(%arg9 : memref<!tpu.dma_semaphore, #tpu.memory_space<semaphore_mem>>) {add = true}
        %mul3A_284 = arith.constant 2 : i32
        %mul3A_285 = arith.muli %mul3A_284, %scan3A_71 : i32
        %add3A_286 = arith.constant 2 : i32
        %add3A_287 = arith.addi %mul3A_285, %add3A_286 : i32
        %mul3A_288 = arith.constant 8 : i32
        %mul3A_289 = arith.muli %mul3A_288, %add3A_287 : i32
        %add3A_290 = arith.constant 7 : i32
        %add3A_291 = arith.addi %mul3A_289, %add3A_290 : i32
        %dma_start3A_292 = arith.constant 0 : i32
        %dma_start3A_293 = tpu.memref_slice %arg6[%add3A_291, %dma_start3A_292] : memref<80x125xi32, #tpu.memory_space<vmem>> -> memref<1x125xi32, #tpu.memory_space<vmem>>
        %dma_start3A_294 = tpu.memref_squeeze %dma_start3A_293 : memref<1x125xi32, #tpu.memory_space<vmem>> -> memref<125xi32, #tpu.memory_space<vmem>>
        %dma_start3A_295 = arith.constant 0 : i32
        %dma_start3A_296 = arith.constant 0 : i32
        %dma_start3A_297 = tpu.memref_slice %arg8[%dma_start3A_295, %dma_start3A_296] : memref<10240x16xf32, #tpu.memory_space<vmem_shared>> -> memref<10240x16xf32, #tpu.memory_space<vmem_shared>>
        tpu.enqueue_indirect_dma source(%arg7 : memref<125x16xf32, #tpu.memory_space<vmem>>) target(%dma_start3A_297 : memref<10240x16xf32, #tpu.memory_space<vmem_shared>>) offsets(%dma_start3A_294 : memref<125xi32, #tpu.memory_space<vmem>>) semaphore(%arg9 : memref<!tpu.dma_semaphore, #tpu.memory_space<semaphore_mem>>) {add = true}
      } else {
      }
      tpu.wait_dma2 semaphore(%arg10 : memref<!tpu.dma_semaphore, #tpu.memory_space<semaphore_mem>>) src(%arg3 : memref<125x16xf32, #tpu.memory_space<hbm>>) dst(%arg7 : memref<125x16xf32, #tpu.memory_space<vmem>>)
      tpu.wait_dma2 semaphore(%arg10 : memref<!tpu.dma_semaphore, #tpu.memory_space<semaphore_mem>>) src(%arg3 : memref<125x16xf32, #tpu.memory_space<hbm>>) dst(%arg7 : memref<125x16xf32, #tpu.memory_space<vmem>>)
      tpu.wait_dma2 semaphore(%arg10 : memref<!tpu.dma_semaphore, #tpu.memory_space<semaphore_mem>>) src(%arg3 : memref<125x16xf32, #tpu.memory_space<hbm>>) dst(%arg7 : memref<125x16xf32, #tpu.memory_space<vmem>>)
      tpu.wait_dma2 semaphore(%arg10 : memref<!tpu.dma_semaphore, #tpu.memory_space<semaphore_mem>>) src(%arg3 : memref<125x16xf32, #tpu.memory_space<hbm>>) dst(%arg7 : memref<125x16xf32, #tpu.memory_space<vmem>>)
      tpu.wait_dma2 semaphore(%arg10 : memref<!tpu.dma_semaphore, #tpu.memory_space<semaphore_mem>>) src(%arg3 : memref<125x16xf32, #tpu.memory_space<hbm>>) dst(%arg7 : memref<125x16xf32, #tpu.memory_space<vmem>>)
      tpu.wait_dma2 semaphore(%arg10 : memref<!tpu.dma_semaphore, #tpu.memory_space<semaphore_mem>>) src(%arg3 : memref<125x16xf32, #tpu.memory_space<hbm>>) dst(%arg7 : memref<125x16xf32, #tpu.memory_space<vmem>>)
      tpu.wait_dma2 semaphore(%arg10 : memref<!tpu.dma_semaphore, #tpu.memory_space<semaphore_mem>>) src(%arg3 : memref<125x16xf32, #tpu.memory_space<hbm>>) dst(%arg7 : memref<125x16xf32, #tpu.memory_space<vmem>>)
      tpu.wait_dma2 semaphore(%arg10 : memref<!tpu.dma_semaphore, #tpu.memory_space<semaphore_mem>>) src(%arg3 : memref<125x16xf32, #tpu.memory_space<hbm>>) dst(%arg7 : memref<125x16xf32, #tpu.memory_space<vmem>>)
    }
    %scan3A_62 = arith.constant 5 : i32
    %barrier3A_63 = arith.constant 0 : index
    tpu.barrier barrier_id(%barrier3A_63)
    %mul3A_64 = arith.constant 640 : i32
    %mul3A_65 = arith.muli %arg1, %mul3A_64 : i32
    %mul3A_66 = arith.constant 10240 : i32
    %mul3A_67 = arith.muli %arg0, %mul3A_66 : i32
    %mul3A_68 = arith.constant 640 : i32
    %mul3A_69 = arith.muli %arg1, %mul3A_68 : i32
    %add3A_70 = arith.addi %mul3A_67, %mul3A_69 : i32
    "tpu.region"() ({
      %run_scoped3A = tpu.sem_alloc : memref<!tpu.dma_semaphore, #tpu.memory_space<semaphore_mem>>
      %dma_start3A_71 = arith.constant 0 : i32
      %dma_start3A_72 = tpu.memref_slice %arg5[%add3A_70, %dma_start3A_71] : memref<20480x16xf32, #tpu.memory_space<hbm>> -> memref<640x16xf32, #tpu.memory_space<hbm>>
      %dma_start3A_73 = arith.constant 0 : i32
      %dma_start3A_74 = tpu.memref_slice %arg8[%mul3A_65, %dma_start3A_73] : memref<10240x16xf32, #tpu.memory_space<vmem_shared>> -> memref<640x16xf32, #tpu.memory_space<vmem_shared>>
      tpu.enqueue_dma source(%dma_start3A_74 : memref<640x16xf32, #tpu.memory_space<vmem_shared>>) target(%dma_start3A_72 : memref<640x16xf32, #tpu.memory_space<hbm>>) target_semaphore(%run_scoped3A : memref<!tpu.dma_semaphore, #tpu.memory_space<semaphore_mem>>)
      %dma_wait3A = arith.constant 0 : i32
      %dma_wait3A_75 = tpu.memref_slice %arg5[%add3A_70, %dma_wait3A] : memref<20480x16xf32, #tpu.memory_space<hbm>> -> memref<640x16xf32, #tpu.memory_space<hbm>>
      %dma_wait3A_76 = arith.constant 0 : i32
      %dma_wait3A_77 = tpu.memref_slice %arg8[%mul3A_65, %dma_wait3A_76] : memref<10240x16xf32, #tpu.memory_space<vmem_shared>> -> memref<640x16xf32, #tpu.memory_space<vmem_shared>>
      tpu.wait_dma2 semaphore(%run_scoped3A : memref<!tpu.dma_semaphore, #tpu.memory_space<semaphore_mem>>) src(%dma_wait3A_77 : memref<640x16xf32, #tpu.memory_space<vmem_shared>>) dst(%dma_wait3A_75 : memref<640x16xf32, #tpu.memory_space<hbm>>)
      tpu.yield
    }) : () -> ()
    return
  }
}

#map = affine_map<(d0, d1) -> (0, 0)>
#map1 = affine_map<(d0, d1) -> (0, 0, 0)>
module attributes {stable_mosaic.version = 14 : i64} {
  func.func @prop(%arg0: i32, %arg1: i32, %arg2: memref<10240x16xf32, #tpu.memory_space<hbm>>, %arg3: memref<32x80x125xi32, #tpu.memory_space<hbm>>, %arg4: memref<32x80x125xi32, #tpu.memory_space<hbm>>, %arg5: memref<640x16xf32, #tpu.memory_space<hbm>>, %arg6: memref<20480x16xf32, #tpu.memory_space<hbm>>, %arg7: memref<80x125xi32, #tpu.memory_space<vmem>>, %arg8: memref<80x125xi32, #tpu.memory_space<vmem>>, %arg9: memref<125x16xf32, #tpu.memory_space<vmem>>, %arg10: memref<125x16xf32, #tpu.memory_space<vmem>>, %arg11: memref<125x16xf32, #tpu.memory_space<vmem>>, %arg12: memref<125x16xf32, #tpu.memory_space<vmem>>, %arg13: memref<125x16xf32, #tpu.memory_space<vmem>>, %arg14: memref<125x16xf32, #tpu.memory_space<vmem>>, %arg15: memref<125x16xf32, #tpu.memory_space<vmem>>, %arg16: memref<125x16xf32, #tpu.memory_space<vmem>>, %arg17: memref<10240x16xf32, #tpu.memory_space<vmem_shared>>, %arg18: memref<!tpu.dma_semaphore, #tpu.memory_space<semaphore_mem>>, %arg19: memref<!tpu.dma_semaphore, #tpu.memory_space<semaphore_mem>>, %arg20: memref<!tpu.dma_semaphore, #tpu.memory_space<semaphore_mem>>, %arg21: memref<!tpu.dma_semaphore, #tpu.memory_space<semaphore_mem>>, %arg22: memref<!tpu.dma_semaphore, #tpu.memory_space<semaphore_mem>>, %arg23: memref<!tpu.dma_semaphore, #tpu.memory_space<semaphore_mem>>, %arg24: memref<!tpu.dma_semaphore, #tpu.memory_space<semaphore_mem>>, %arg25: memref<!tpu.dma_semaphore, #tpu.memory_space<semaphore_mem>>, %arg26: memref<!tpu.dma_semaphore, #tpu.memory_space<semaphore_mem>>, %arg27: memref<!tpu.dma_semaphore, #tpu.memory_space<semaphore_mem>>, %arg28: memref<!tpu.dma_semaphore, #tpu.memory_space<semaphore_mem>>, %arg29: memref<!tpu.dma_semaphore, #tpu.memory_space<semaphore_mem>>, %arg30: memref<!tpu.dma_semaphore, #tpu.memory_space<semaphore_mem>>, %arg31: memref<!tpu.dma_semaphore, #tpu.memory_space<semaphore_mem>>, %arg32: memref<!tpu.dma_semaphore, #tpu.memory_space<semaphore_mem>>, %arg33: memref<!tpu.dma_semaphore, #tpu.memory_space<semaphore_mem>>) attributes {dimension_semantics = [#tpu.dimension_semantics<core_parallel>, #tpu.dimension_semantics<subcore_parallel>], iteration_bounds = array<i64: 2, 16>, scalar_prefetch = 0 : i64, scratch_operands = 27 : i64, tpu.core_type = #tpu.core_type<sc_vector_subcore>, window_params = [{transform_indices = #map}, {transform_indices = #map1}, {transform_indices = #map1}, {transform_indices = #map}, {transform_indices = #map}]} {
    %mul3A = arith.constant 16 : i32
    %mul3A_0 = arith.muli %arg0, %mul3A : i32
    %add3A = arith.addi %mul3A_0, %arg1 : i32
    %mul3A_1 = arith.constant 640 : i32
    %mul3A_2 = arith.muli %arg1, %mul3A_1 : i32
    "tpu.region"() ({
      %run_scoped3A = tpu.sem_alloc : memref<!tpu.dma_semaphore, #tpu.memory_space<semaphore_mem>>
      %dma_start3A_118 = arith.constant 0 : i32
      %dma_start3A_119 = tpu.memref_slice %arg17[%mul3A_2, %dma_start3A_118] : memref<10240x16xf32, #tpu.memory_space<vmem_shared>> -> memref<640x16xf32, #tpu.memory_space<vmem_shared>>
      tpu.enqueue_dma source(%arg5 : memref<640x16xf32, #tpu.memory_space<hbm>>) target(%dma_start3A_119 : memref<640x16xf32, #tpu.memory_space<vmem_shared>>) target_semaphore(%run_scoped3A : memref<!tpu.dma_semaphore, #tpu.memory_space<semaphore_mem>>)
      %dma_wait3A_120 = arith.constant 0 : i32
      %dma_wait3A_121 = tpu.memref_slice %arg17[%mul3A_2, %dma_wait3A_120] : memref<10240x16xf32, #tpu.memory_space<vmem_shared>> -> memref<640x16xf32, #tpu.memory_space<vmem_shared>>
      tpu.wait_dma2 semaphore(%run_scoped3A : memref<!tpu.dma_semaphore, #tpu.memory_space<semaphore_mem>>) src(%arg5 : memref<640x16xf32, #tpu.memory_space<hbm>>) dst(%dma_wait3A_121 : memref<640x16xf32, #tpu.memory_space<vmem_shared>>)
      tpu.yield
    }) : () -> ()
    "tpu.region"() ({
      %run_scoped3A = tpu.sem_alloc : memref<!tpu.dma_semaphore, #tpu.memory_space<semaphore_mem>>
      %dma_start3A_118 = arith.constant 0 : i32
      %dma_start3A_119 = arith.constant 0 : i32
      %dma_start3A_120 = tpu.memref_slice %arg3[%add3A, %dma_start3A_118, %dma_start3A_119] : memref<32x80x125xi32, #tpu.memory_space<hbm>> -> memref<1x80x125xi32, #tpu.memory_space<hbm>>
      %dma_start3A_121 = tpu.memref_squeeze %dma_start3A_120 : memref<1x80x125xi32, #tpu.memory_space<hbm>> -> memref<80x125xi32, #tpu.memory_space<hbm>>
      %dma_start3A_122 = arith.constant 0 : i32
      %dma_start3A_123 = arith.constant 0 : i32
      %dma_start3A_124 = tpu.memref_slice %arg3[%add3A, %dma_start3A_122, %dma_start3A_123] : memref<32x80x125xi32, #tpu.memory_space<hbm>> -> memref<1x80x125xi32, #tpu.memory_space<hbm>>
      %dma_start3A_125 = tpu.memref_squeeze %dma_start3A_124 : memref<1x80x125xi32, #tpu.memory_space<hbm>> -> memref<80x125xi32, #tpu.memory_space<hbm>>
      tpu.enqueue_dma source(%dma_start3A_125 : memref<80x125xi32, #tpu.memory_space<hbm>>) target(%arg7 : memref<80x125xi32, #tpu.memory_space<vmem>>) target_semaphore(%run_scoped3A : memref<!tpu.dma_semaphore, #tpu.memory_space<semaphore_mem>>)
      %dma_wait3A_126 = arith.constant 0 : i32
      %dma_wait3A_127 = arith.constant 0 : i32
      %dma_wait3A_128 = tpu.memref_slice %arg3[%add3A, %dma_wait3A_126, %dma_wait3A_127] : memref<32x80x125xi32, #tpu.memory_space<hbm>> -> memref<1x80x125xi32, #tpu.memory_space<hbm>>
      %dma_wait3A_129 = tpu.memref_squeeze %dma_wait3A_128 : memref<1x80x125xi32, #tpu.memory_space<hbm>> -> memref<80x125xi32, #tpu.memory_space<hbm>>
      %dma_wait3A_130 = arith.constant 0 : i32
      %dma_wait3A_131 = arith.constant 0 : i32
      %dma_wait3A_132 = tpu.memref_slice %arg3[%add3A, %dma_wait3A_130, %dma_wait3A_131] : memref<32x80x125xi32, #tpu.memory_space<hbm>> -> memref<1x80x125xi32, #tpu.memory_space<hbm>>
      %dma_wait3A_133 = tpu.memref_squeeze %dma_wait3A_132 : memref<1x80x125xi32, #tpu.memory_space<hbm>> -> memref<80x125xi32, #tpu.memory_space<hbm>>
      tpu.wait_dma2 semaphore(%run_scoped3A : memref<!tpu.dma_semaphore, #tpu.memory_space<semaphore_mem>>) src(%dma_wait3A_133 : memref<80x125xi32, #tpu.memory_space<hbm>>) dst(%arg7 : memref<80x125xi32, #tpu.memory_space<vmem>>)
      tpu.yield
    }) : () -> ()
    "tpu.region"() ({
      %run_scoped3A = tpu.sem_alloc : memref<!tpu.dma_semaphore, #tpu.memory_space<semaphore_mem>>
      %dma_start3A_118 = arith.constant 0 : i32
      %dma_start3A_119 = arith.constant 0 : i32
      %dma_start3A_120 = tpu.memref_slice %arg4[%add3A, %dma_start3A_118, %dma_start3A_119] : memref<32x80x125xi32, #tpu.memory_space<hbm>> -> memref<1x80x125xi32, #tpu.memory_space<hbm>>
      %dma_start3A_121 = tpu.memref_squeeze %dma_start3A_120 : memref<1x80x125xi32, #tpu.memory_space<hbm>> -> memref<80x125xi32, #tpu.memory_space<hbm>>
      %dma_start3A_122 = arith.constant 0 : i32
      %dma_start3A_123 = arith.constant 0 : i32
      %dma_start3A_124 = tpu.memref_slice %arg4[%add3A, %dma_start3A_122, %dma_start3A_123] : memref<32x80x125xi32, #tpu.memory_space<hbm>> -> memref<1x80x125xi32, #tpu.memory_space<hbm>>
      %dma_start3A_125 = tpu.memref_squeeze %dma_start3A_124 : memref<1x80x125xi32, #tpu.memory_space<hbm>> -> memref<80x125xi32, #tpu.memory_space<hbm>>
      tpu.enqueue_dma source(%dma_start3A_125 : memref<80x125xi32, #tpu.memory_space<hbm>>) target(%arg8 : memref<80x125xi32, #tpu.memory_space<vmem>>) target_semaphore(%run_scoped3A : memref<!tpu.dma_semaphore, #tpu.memory_space<semaphore_mem>>)
      %dma_wait3A_126 = arith.constant 0 : i32
      %dma_wait3A_127 = arith.constant 0 : i32
      %dma_wait3A_128 = tpu.memref_slice %arg4[%add3A, %dma_wait3A_126, %dma_wait3A_127] : memref<32x80x125xi32, #tpu.memory_space<hbm>> -> memref<1x80x125xi32, #tpu.memory_space<hbm>>
      %dma_wait3A_129 = tpu.memref_squeeze %dma_wait3A_128 : memref<1x80x125xi32, #tpu.memory_space<hbm>> -> memref<80x125xi32, #tpu.memory_space<hbm>>
      %dma_wait3A_130 = arith.constant 0 : i32
      %dma_wait3A_131 = arith.constant 0 : i32
      %dma_wait3A_132 = tpu.memref_slice %arg4[%add3A, %dma_wait3A_130, %dma_wait3A_131] : memref<32x80x125xi32, #tpu.memory_space<hbm>> -> memref<1x80x125xi32, #tpu.memory_space<hbm>>
      %dma_wait3A_133 = tpu.memref_squeeze %dma_wait3A_132 : memref<1x80x125xi32, #tpu.memory_space<hbm>> -> memref<80x125xi32, #tpu.memory_space<hbm>>
      tpu.wait_dma2 semaphore(%run_scoped3A : memref<!tpu.dma_semaphore, #tpu.memory_space<semaphore_mem>>) src(%dma_wait3A_133 : memref<80x125xi32, #tpu.memory_space<hbm>>) dst(%arg8 : memref<80x125xi32, #tpu.memory_space<vmem>>)
      tpu.yield
    }) : () -> ()
    %barrier3A = arith.constant 0 : index
    tpu.barrier barrier_id(%barrier3A)
    %dma_start3A = arith.constant 0 : i32
    %dma_start3A_3 = arith.constant 0 : i32
    %dma_start3A_4 = tpu.memref_slice %arg7[%dma_start3A, %dma_start3A_3] : memref<80x125xi32, #tpu.memory_space<vmem>> -> memref<1x125xi32, #tpu.memory_space<vmem>>
    %dma_start3A_5 = tpu.memref_squeeze %dma_start3A_4 : memref<1x125xi32, #tpu.memory_space<vmem>> -> memref<125xi32, #tpu.memory_space<vmem>>
    %dma_start3A_6 = arith.constant 0 : i32
    %dma_start3A_7 = arith.constant 0 : i32
    %dma_start3A_8 = tpu.memref_slice %arg2[%dma_start3A_6, %dma_start3A_7] : memref<10240x16xf32, #tpu.memory_space<hbm>> -> memref<10240x16xf32, #tpu.memory_space<hbm>>
    tpu.enqueue_indirect_dma source(%dma_start3A_8 : memref<10240x16xf32, #tpu.memory_space<hbm>>) target(%arg9 : memref<125x16xf32, #tpu.memory_space<vmem>>) offsets(%dma_start3A_5 : memref<125xi32, #tpu.memory_space<vmem>>) semaphore(%arg18 : memref<!tpu.dma_semaphore, #tpu.memory_space<semaphore_mem>>)
    %dma_start3A_9 = arith.constant 4 : i32
    %dma_start3A_10 = arith.constant 0 : i32
    %dma_start3A_11 = tpu.memref_slice %arg7[%dma_start3A_9, %dma_start3A_10] : memref<80x125xi32, #tpu.memory_space<vmem>> -> memref<1x125xi32, #tpu.memory_space<vmem>>
    %dma_start3A_12 = tpu.memref_squeeze %dma_start3A_11 : memref<1x125xi32, #tpu.memory_space<vmem>> -> memref<125xi32, #tpu.memory_space<vmem>>
    %dma_start3A_13 = arith.constant 0 : i32
    %dma_start3A_14 = arith.constant 0 : i32
    %dma_start3A_15 = tpu.memref_slice %arg2[%dma_start3A_13, %dma_start3A_14] : memref<10240x16xf32, #tpu.memory_space<hbm>> -> memref<10240x16xf32, #tpu.memory_space<hbm>>
    tpu.enqueue_indirect_dma source(%dma_start3A_15 : memref<10240x16xf32, #tpu.memory_space<hbm>>) target(%arg13 : memref<125x16xf32, #tpu.memory_space<vmem>>) offsets(%dma_start3A_12 : memref<125xi32, #tpu.memory_space<vmem>>) semaphore(%arg22 : memref<!tpu.dma_semaphore, #tpu.memory_space<semaphore_mem>>)
    %dma_start3A_16 = arith.constant 1 : i32
    %dma_start3A_17 = arith.constant 0 : i32
    %dma_start3A_18 = tpu.memref_slice %arg7[%dma_start3A_16, %dma_start3A_17] : memref<80x125xi32, #tpu.memory_space<vmem>> -> memref<1x125xi32, #tpu.memory_space<vmem>>
    %dma_start3A_19 = tpu.memref_squeeze %dma_start3A_18 : memref<1x125xi32, #tpu.memory_space<vmem>> -> memref<125xi32, #tpu.memory_space<vmem>>
    %dma_start3A_20 = arith.constant 0 : i32
    %dma_start3A_21 = arith.constant 0 : i32
    %dma_start3A_22 = tpu.memref_slice %arg2[%dma_start3A_20, %dma_start3A_21] : memref<10240x16xf32, #tpu.memory_space<hbm>> -> memref<10240x16xf32, #tpu.memory_space<hbm>>
    tpu.enqueue_indirect_dma source(%dma_start3A_22 : memref<10240x16xf32, #tpu.memory_space<hbm>>) target(%arg10 : memref<125x16xf32, #tpu.memory_space<vmem>>) offsets(%dma_start3A_19 : memref<125xi32, #tpu.memory_space<vmem>>) semaphore(%arg19 : memref<!tpu.dma_semaphore, #tpu.memory_space<semaphore_mem>>)
    %dma_start3A_23 = arith.constant 5 : i32
    %dma_start3A_24 = arith.constant 0 : i32
    %dma_start3A_25 = tpu.memref_slice %arg7[%dma_start3A_23, %dma_start3A_24] : memref<80x125xi32, #tpu.memory_space<vmem>> -> memref<1x125xi32, #tpu.memory_space<vmem>>
    %dma_start3A_26 = tpu.memref_squeeze %dma_start3A_25 : memref<1x125xi32, #tpu.memory_space<vmem>> -> memref<125xi32, #tpu.memory_space<vmem>>
    %dma_start3A_27 = arith.constant 0 : i32
    %dma_start3A_28 = arith.constant 0 : i32
    %dma_start3A_29 = tpu.memref_slice %arg2[%dma_start3A_27, %dma_start3A_28] : memref<10240x16xf32, #tpu.memory_space<hbm>> -> memref<10240x16xf32, #tpu.memory_space<hbm>>
    tpu.enqueue_indirect_dma source(%dma_start3A_29 : memref<10240x16xf32, #tpu.memory_space<hbm>>) target(%arg14 : memref<125x16xf32, #tpu.memory_space<vmem>>) offsets(%dma_start3A_26 : memref<125xi32, #tpu.memory_space<vmem>>) semaphore(%arg23 : memref<!tpu.dma_semaphore, #tpu.memory_space<semaphore_mem>>)
    %dma_start3A_30 = arith.constant 2 : i32
    %dma_start3A_31 = arith.constant 0 : i32
    %dma_start3A_32 = tpu.memref_slice %arg7[%dma_start3A_30, %dma_start3A_31] : memref<80x125xi32, #tpu.memory_space<vmem>> -> memref<1x125xi32, #tpu.memory_space<vmem>>
    %dma_start3A_33 = tpu.memref_squeeze %dma_start3A_32 : memref<1x125xi32, #tpu.memory_space<vmem>> -> memref<125xi32, #tpu.memory_space<vmem>>
    %dma_start3A_34 = arith.constant 0 : i32
    %dma_start3A_35 = arith.constant 0 : i32
    %dma_start3A_36 = tpu.memref_slice %arg2[%dma_start3A_34, %dma_start3A_35] : memref<10240x16xf32, #tpu.memory_space<hbm>> -> memref<10240x16xf32, #tpu.memory_space<hbm>>
    tpu.enqueue_indirect_dma source(%dma_start3A_36 : memref<10240x16xf32, #tpu.memory_space<hbm>>) target(%arg11 : memref<125x16xf32, #tpu.memory_space<vmem>>) offsets(%dma_start3A_33 : memref<125xi32, #tpu.memory_space<vmem>>) semaphore(%arg20 : memref<!tpu.dma_semaphore, #tpu.memory_space<semaphore_mem>>)
    %dma_start3A_37 = arith.constant 6 : i32
    %dma_start3A_38 = arith.constant 0 : i32
    %dma_start3A_39 = tpu.memref_slice %arg7[%dma_start3A_37, %dma_start3A_38] : memref<80x125xi32, #tpu.memory_space<vmem>> -> memref<1x125xi32, #tpu.memory_space<vmem>>
    %dma_start3A_40 = tpu.memref_squeeze %dma_start3A_39 : memref<1x125xi32, #tpu.memory_space<vmem>> -> memref<125xi32, #tpu.memory_space<vmem>>
    %dma_start3A_41 = arith.constant 0 : i32
    %dma_start3A_42 = arith.constant 0 : i32
    %dma_start3A_43 = tpu.memref_slice %arg2[%dma_start3A_41, %dma_start3A_42] : memref<10240x16xf32, #tpu.memory_space<hbm>> -> memref<10240x16xf32, #tpu.memory_space<hbm>>
    tpu.enqueue_indirect_dma source(%dma_start3A_43 : memref<10240x16xf32, #tpu.memory_space<hbm>>) target(%arg15 : memref<125x16xf32, #tpu.memory_space<vmem>>) offsets(%dma_start3A_40 : memref<125xi32, #tpu.memory_space<vmem>>) semaphore(%arg24 : memref<!tpu.dma_semaphore, #tpu.memory_space<semaphore_mem>>)
    %dma_start3A_44 = arith.constant 3 : i32
    %dma_start3A_45 = arith.constant 0 : i32
    %dma_start3A_46 = tpu.memref_slice %arg7[%dma_start3A_44, %dma_start3A_45] : memref<80x125xi32, #tpu.memory_space<vmem>> -> memref<1x125xi32, #tpu.memory_space<vmem>>
    %dma_start3A_47 = tpu.memref_squeeze %dma_start3A_46 : memref<1x125xi32, #tpu.memory_space<vmem>> -> memref<125xi32, #tpu.memory_space<vmem>>
    %dma_start3A_48 = arith.constant 0 : i32
    %dma_start3A_49 = arith.constant 0 : i32
    %dma_start3A_50 = tpu.memref_slice %arg2[%dma_start3A_48, %dma_start3A_49] : memref<10240x16xf32, #tpu.memory_space<hbm>> -> memref<10240x16xf32, #tpu.memory_space<hbm>>
    tpu.enqueue_indirect_dma source(%dma_start3A_50 : memref<10240x16xf32, #tpu.memory_space<hbm>>) target(%arg12 : memref<125x16xf32, #tpu.memory_space<vmem>>) offsets(%dma_start3A_47 : memref<125xi32, #tpu.memory_space<vmem>>) semaphore(%arg21 : memref<!tpu.dma_semaphore, #tpu.memory_space<semaphore_mem>>)
    %dma_start3A_51 = arith.constant 7 : i32
    %dma_start3A_52 = arith.constant 0 : i32
    %dma_start3A_53 = tpu.memref_slice %arg7[%dma_start3A_51, %dma_start3A_52] : memref<80x125xi32, #tpu.memory_space<vmem>> -> memref<1x125xi32, #tpu.memory_space<vmem>>
    %dma_start3A_54 = tpu.memref_squeeze %dma_start3A_53 : memref<1x125xi32, #tpu.memory_space<vmem>> -> memref<125xi32, #tpu.memory_space<vmem>>
    %dma_start3A_55 = arith.constant 0 : i32
    %dma_start3A_56 = arith.constant 0 : i32
    %dma_start3A_57 = tpu.memref_slice %arg2[%dma_start3A_55, %dma_start3A_56] : memref<10240x16xf32, #tpu.memory_space<hbm>> -> memref<10240x16xf32, #tpu.memory_space<hbm>>
    tpu.enqueue_indirect_dma source(%dma_start3A_57 : memref<10240x16xf32, #tpu.memory_space<hbm>>) target(%arg16 : memref<125x16xf32, #tpu.memory_space<vmem>>) offsets(%dma_start3A_54 : memref<125xi32, #tpu.memory_space<vmem>>) semaphore(%arg25 : memref<!tpu.dma_semaphore, #tpu.memory_space<semaphore_mem>>)
    %scan3A = arith.constant 0 : i32
    %scan3A_58 = arith.constant 0 : i32
    %scan3A_59 = arith.constant 10 : i32
    %scan3A_60 = arith.addi %scan3A_58, %scan3A_59 : i32
    %scan3A_61 = arith.constant 1 : i32
    scf.for %scan3A_118 = %scan3A_58 to %scan3A_60 step %scan3A_61  : i32 {
      %dma_wait3A_119 = arith.constant 0 : i32
      %dma_wait3A_120 = arith.constant 0 : i32
      %dma_wait3A_121 = tpu.memref_slice %arg2[%dma_wait3A_119, %dma_wait3A_120] : memref<10240x16xf32, #tpu.memory_space<hbm>> -> memref<125x16xf32, #tpu.memory_space<hbm>>
      %dma_wait3A_122 = arith.constant 0 : i32
      %dma_wait3A_123 = arith.constant 0 : i32
      %dma_wait3A_124 = tpu.memref_slice %arg2[%dma_wait3A_122, %dma_wait3A_123] : memref<10240x16xf32, #tpu.memory_space<hbm>> -> memref<125x16xf32, #tpu.memory_space<hbm>>
      tpu.wait_dma2 semaphore(%arg18 : memref<!tpu.dma_semaphore, #tpu.memory_space<semaphore_mem>>) src(%dma_wait3A_124 : memref<125x16xf32, #tpu.memory_space<hbm>>) dst(%arg9 : memref<125x16xf32, #tpu.memory_space<vmem>>)
      %mul3A_125 = arith.constant 2 : i32
      %mul3A_126 = arith.muli %mul3A_125, %scan3A_118 : i32
      %mul3A_127 = arith.constant 4 : i32
      %mul3A_128 = arith.muli %mul3A_126, %mul3A_127 : i32
      %add3A_129 = arith.constant 0 : i32
      %add3A_130 = arith.addi %mul3A_128, %add3A_129 : i32
      %dma_start3A_131 = arith.constant 0 : i32
      %dma_start3A_132 = tpu.memref_slice %arg8[%add3A_130, %dma_start3A_131] : memref<80x125xi32, #tpu.memory_space<vmem>> -> memref<1x125xi32, #tpu.memory_space<vmem>>
      %dma_start3A_133 = tpu.memref_squeeze %dma_start3A_132 : memref<1x125xi32, #tpu.memory_space<vmem>> -> memref<125xi32, #tpu.memory_space<vmem>>
      %dma_start3A_134 = arith.constant 0 : i32
      %dma_start3A_135 = arith.constant 0 : i32
      %dma_start3A_136 = tpu.memref_slice %arg17[%dma_start3A_134, %dma_start3A_135] : memref<10240x16xf32, #tpu.memory_space<vmem_shared>> -> memref<10240x16xf32, #tpu.memory_space<vmem_shared>>
      tpu.enqueue_indirect_dma source(%arg9 : memref<125x16xf32, #tpu.memory_space<vmem>>) target(%dma_start3A_136 : memref<10240x16xf32, #tpu.memory_space<vmem_shared>>) offsets(%dma_start3A_133 : memref<125xi32, #tpu.memory_space<vmem>>) semaphore(%arg26 : memref<!tpu.dma_semaphore, #tpu.memory_space<semaphore_mem>>) {add = true}
      %dma_wait3A_137 = arith.constant 0 : i32
      %dma_wait3A_138 = arith.constant 0 : i32
      %dma_wait3A_139 = tpu.memref_slice %arg2[%dma_wait3A_137, %dma_wait3A_138] : memref<10240x16xf32, #tpu.memory_space<hbm>> -> memref<125x16xf32, #tpu.memory_space<hbm>>
      %dma_wait3A_140 = arith.constant 0 : i32
      %dma_wait3A_141 = arith.constant 0 : i32
      %dma_wait3A_142 = tpu.memref_slice %arg2[%dma_wait3A_140, %dma_wait3A_141] : memref<10240x16xf32, #tpu.memory_space<hbm>> -> memref<125x16xf32, #tpu.memory_space<hbm>>
      tpu.wait_dma2 semaphore(%arg19 : memref<!tpu.dma_semaphore, #tpu.memory_space<semaphore_mem>>) src(%dma_wait3A_142 : memref<125x16xf32, #tpu.memory_space<hbm>>) dst(%arg10 : memref<125x16xf32, #tpu.memory_space<vmem>>)
      %mul3A_143 = arith.constant 2 : i32
      %mul3A_144 = arith.muli %mul3A_143, %scan3A_118 : i32
      %mul3A_145 = arith.constant 4 : i32
      %mul3A_146 = arith.muli %mul3A_144, %mul3A_145 : i32
      %add3A_147 = arith.constant 1 : i32
      %add3A_148 = arith.addi %mul3A_146, %add3A_147 : i32
      %dma_start3A_149 = arith.constant 0 : i32
      %dma_start3A_150 = tpu.memref_slice %arg8[%add3A_148, %dma_start3A_149] : memref<80x125xi32, #tpu.memory_space<vmem>> -> memref<1x125xi32, #tpu.memory_space<vmem>>
      %dma_start3A_151 = tpu.memref_squeeze %dma_start3A_150 : memref<1x125xi32, #tpu.memory_space<vmem>> -> memref<125xi32, #tpu.memory_space<vmem>>
      %dma_start3A_152 = arith.constant 0 : i32
      %dma_start3A_153 = arith.constant 0 : i32
      %dma_start3A_154 = tpu.memref_slice %arg17[%dma_start3A_152, %dma_start3A_153] : memref<10240x16xf32, #tpu.memory_space<vmem_shared>> -> memref<10240x16xf32, #tpu.memory_space<vmem_shared>>
      tpu.enqueue_indirect_dma source(%arg10 : memref<125x16xf32, #tpu.memory_space<vmem>>) target(%dma_start3A_154 : memref<10240x16xf32, #tpu.memory_space<vmem_shared>>) offsets(%dma_start3A_151 : memref<125xi32, #tpu.memory_space<vmem>>) semaphore(%arg27 : memref<!tpu.dma_semaphore, #tpu.memory_space<semaphore_mem>>) {add = true}
      %dma_wait3A_155 = arith.constant 0 : i32
      %dma_wait3A_156 = arith.constant 0 : i32
      %dma_wait3A_157 = tpu.memref_slice %arg2[%dma_wait3A_155, %dma_wait3A_156] : memref<10240x16xf32, #tpu.memory_space<hbm>> -> memref<125x16xf32, #tpu.memory_space<hbm>>
      %dma_wait3A_158 = arith.constant 0 : i32
      %dma_wait3A_159 = arith.constant 0 : i32
      %dma_wait3A_160 = tpu.memref_slice %arg2[%dma_wait3A_158, %dma_wait3A_159] : memref<10240x16xf32, #tpu.memory_space<hbm>> -> memref<125x16xf32, #tpu.memory_space<hbm>>
      tpu.wait_dma2 semaphore(%arg20 : memref<!tpu.dma_semaphore, #tpu.memory_space<semaphore_mem>>) src(%dma_wait3A_160 : memref<125x16xf32, #tpu.memory_space<hbm>>) dst(%arg11 : memref<125x16xf32, #tpu.memory_space<vmem>>)
      %mul3A_161 = arith.constant 2 : i32
      %mul3A_162 = arith.muli %mul3A_161, %scan3A_118 : i32
      %mul3A_163 = arith.constant 4 : i32
      %mul3A_164 = arith.muli %mul3A_162, %mul3A_163 : i32
      %add3A_165 = arith.constant 2 : i32
      %add3A_166 = arith.addi %mul3A_164, %add3A_165 : i32
      %dma_start3A_167 = arith.constant 0 : i32
      %dma_start3A_168 = tpu.memref_slice %arg8[%add3A_166, %dma_start3A_167] : memref<80x125xi32, #tpu.memory_space<vmem>> -> memref<1x125xi32, #tpu.memory_space<vmem>>
      %dma_start3A_169 = tpu.memref_squeeze %dma_start3A_168 : memref<1x125xi32, #tpu.memory_space<vmem>> -> memref<125xi32, #tpu.memory_space<vmem>>
      %dma_start3A_170 = arith.constant 0 : i32
      %dma_start3A_171 = arith.constant 0 : i32
      %dma_start3A_172 = tpu.memref_slice %arg17[%dma_start3A_170, %dma_start3A_171] : memref<10240x16xf32, #tpu.memory_space<vmem_shared>> -> memref<10240x16xf32, #tpu.memory_space<vmem_shared>>
      tpu.enqueue_indirect_dma source(%arg11 : memref<125x16xf32, #tpu.memory_space<vmem>>) target(%dma_start3A_172 : memref<10240x16xf32, #tpu.memory_space<vmem_shared>>) offsets(%dma_start3A_169 : memref<125xi32, #tpu.memory_space<vmem>>) semaphore(%arg28 : memref<!tpu.dma_semaphore, #tpu.memory_space<semaphore_mem>>) {add = true}
      %dma_wait3A_173 = arith.constant 0 : i32
      %dma_wait3A_174 = arith.constant 0 : i32
      %dma_wait3A_175 = tpu.memref_slice %arg2[%dma_wait3A_173, %dma_wait3A_174] : memref<10240x16xf32, #tpu.memory_space<hbm>> -> memref<125x16xf32, #tpu.memory_space<hbm>>
      %dma_wait3A_176 = arith.constant 0 : i32
      %dma_wait3A_177 = arith.constant 0 : i32
      %dma_wait3A_178 = tpu.memref_slice %arg2[%dma_wait3A_176, %dma_wait3A_177] : memref<10240x16xf32, #tpu.memory_space<hbm>> -> memref<125x16xf32, #tpu.memory_space<hbm>>
      tpu.wait_dma2 semaphore(%arg21 : memref<!tpu.dma_semaphore, #tpu.memory_space<semaphore_mem>>) src(%dma_wait3A_178 : memref<125x16xf32, #tpu.memory_space<hbm>>) dst(%arg12 : memref<125x16xf32, #tpu.memory_space<vmem>>)
      %mul3A_179 = arith.constant 2 : i32
      %mul3A_180 = arith.muli %mul3A_179, %scan3A_118 : i32
      %mul3A_181 = arith.constant 4 : i32
      %mul3A_182 = arith.muli %mul3A_180, %mul3A_181 : i32
      %add3A_183 = arith.constant 3 : i32
      %add3A_184 = arith.addi %mul3A_182, %add3A_183 : i32
      %dma_start3A_185 = arith.constant 0 : i32
      %dma_start3A_186 = tpu.memref_slice %arg8[%add3A_184, %dma_start3A_185] : memref<80x125xi32, #tpu.memory_space<vmem>> -> memref<1x125xi32, #tpu.memory_space<vmem>>
      %dma_start3A_187 = tpu.memref_squeeze %dma_start3A_186 : memref<1x125xi32, #tpu.memory_space<vmem>> -> memref<125xi32, #tpu.memory_space<vmem>>
      %dma_start3A_188 = arith.constant 0 : i32
      %dma_start3A_189 = arith.constant 0 : i32
      %dma_start3A_190 = tpu.memref_slice %arg17[%dma_start3A_188, %dma_start3A_189] : memref<10240x16xf32, #tpu.memory_space<vmem_shared>> -> memref<10240x16xf32, #tpu.memory_space<vmem_shared>>
      tpu.enqueue_indirect_dma source(%arg12 : memref<125x16xf32, #tpu.memory_space<vmem>>) target(%dma_start3A_190 : memref<10240x16xf32, #tpu.memory_space<vmem_shared>>) offsets(%dma_start3A_187 : memref<125xi32, #tpu.memory_space<vmem>>) semaphore(%arg29 : memref<!tpu.dma_semaphore, #tpu.memory_space<semaphore_mem>>) {add = true}
      %lt3A = arith.constant 9 : i32
      %lt3A_191 = arith.cmpi slt, %scan3A_118, %lt3A : i32
      %convert_element_type3A = arith.extui %lt3A_191 : i1 to i32
      %cond3A = arith.constant 0 : i32
      %cond3A_192 = arith.cmpi ne, %convert_element_type3A, %cond3A : i32
      scf.if %cond3A_192 {
        %dma_wait3A_278 = arith.constant 0 : i32
        %dma_wait3A_279 = arith.constant 0 : i32
        %dma_wait3A_280 = tpu.memref_slice %arg2[%dma_wait3A_278, %dma_wait3A_279] : memref<10240x16xf32, #tpu.memory_space<hbm>> -> memref<125x16xf32, #tpu.memory_space<hbm>>
        %dma_wait3A_281 = arith.constant 0 : i32
        %dma_wait3A_282 = arith.constant 0 : i32
        %dma_wait3A_283 = tpu.memref_slice %arg2[%dma_wait3A_281, %dma_wait3A_282] : memref<10240x16xf32, #tpu.memory_space<hbm>> -> memref<125x16xf32, #tpu.memory_space<hbm>>
        tpu.wait_dma2 semaphore(%arg26 : memref<!tpu.dma_semaphore, #tpu.memory_space<semaphore_mem>>) src(%dma_wait3A_283 : memref<125x16xf32, #tpu.memory_space<hbm>>) dst(%arg9 : memref<125x16xf32, #tpu.memory_space<vmem>>)
        %mul3A_284 = arith.constant 2 : i32
        %mul3A_285 = arith.muli %mul3A_284, %scan3A_118 : i32
        %add3A_286 = arith.constant 2 : i32
        %add3A_287 = arith.addi %mul3A_285, %add3A_286 : i32
        %mul3A_288 = arith.constant 4 : i32
        %mul3A_289 = arith.muli %add3A_287, %mul3A_288 : i32
        %add3A_290 = arith.constant 0 : i32
        %add3A_291 = arith.addi %mul3A_289, %add3A_290 : i32
        %dma_start3A_292 = arith.constant 0 : i32
        %dma_start3A_293 = tpu.memref_slice %arg7[%add3A_291, %dma_start3A_292] : memref<80x125xi32, #tpu.memory_space<vmem>> -> memref<1x125xi32, #tpu.memory_space<vmem>>
        %dma_start3A_294 = tpu.memref_squeeze %dma_start3A_293 : memref<1x125xi32, #tpu.memory_space<vmem>> -> memref<125xi32, #tpu.memory_space<vmem>>
        %dma_start3A_295 = arith.constant 0 : i32
        %dma_start3A_296 = arith.constant 0 : i32
        %dma_start3A_297 = tpu.memref_slice %arg2[%dma_start3A_295, %dma_start3A_296] : memref<10240x16xf32, #tpu.memory_space<hbm>> -> memref<10240x16xf32, #tpu.memory_space<hbm>>
        tpu.enqueue_indirect_dma source(%dma_start3A_297 : memref<10240x16xf32, #tpu.memory_space<hbm>>) target(%arg9 : memref<125x16xf32, #tpu.memory_space<vmem>>) offsets(%dma_start3A_294 : memref<125xi32, #tpu.memory_space<vmem>>) semaphore(%arg18 : memref<!tpu.dma_semaphore, #tpu.memory_space<semaphore_mem>>)
        %dma_wait3A_298 = arith.constant 0 : i32
        %dma_wait3A_299 = arith.constant 0 : i32
        %dma_wait3A_300 = tpu.memref_slice %arg2[%dma_wait3A_298, %dma_wait3A_299] : memref<10240x16xf32, #tpu.memory_space<hbm>> -> memref<125x16xf32, #tpu.memory_space<hbm>>
        %dma_wait3A_301 = arith.constant 0 : i32
        %dma_wait3A_302 = arith.constant 0 : i32
        %dma_wait3A_303 = tpu.memref_slice %arg2[%dma_wait3A_301, %dma_wait3A_302] : memref<10240x16xf32, #tpu.memory_space<hbm>> -> memref<125x16xf32, #tpu.memory_space<hbm>>
        tpu.wait_dma2 semaphore(%arg27 : memref<!tpu.dma_semaphore, #tpu.memory_space<semaphore_mem>>) src(%dma_wait3A_303 : memref<125x16xf32, #tpu.memory_space<hbm>>) dst(%arg10 : memref<125x16xf32, #tpu.memory_space<vmem>>)
        %mul3A_304 = arith.constant 2 : i32
        %mul3A_305 = arith.muli %mul3A_304, %scan3A_118 : i32
        %add3A_306 = arith.constant 2 : i32
        %add3A_307 = arith.addi %mul3A_305, %add3A_306 : i32
        %mul3A_308 = arith.constant 4 : i32
        %mul3A_309 = arith.muli %add3A_307, %mul3A_308 : i32
        %add3A_310 = arith.constant 1 : i32
        %add3A_311 = arith.addi %mul3A_309, %add3A_310 : i32
        %dma_start3A_312 = arith.constant 0 : i32
        %dma_start3A_313 = tpu.memref_slice %arg7[%add3A_311, %dma_start3A_312] : memref<80x125xi32, #tpu.memory_space<vmem>> -> memref<1x125xi32, #tpu.memory_space<vmem>>
        %dma_start3A_314 = tpu.memref_squeeze %dma_start3A_313 : memref<1x125xi32, #tpu.memory_space<vmem>> -> memref<125xi32, #tpu.memory_space<vmem>>
        %dma_start3A_315 = arith.constant 0 : i32
        %dma_start3A_316 = arith.constant 0 : i32
        %dma_start3A_317 = tpu.memref_slice %arg2[%dma_start3A_315, %dma_start3A_316] : memref<10240x16xf32, #tpu.memory_space<hbm>> -> memref<10240x16xf32, #tpu.memory_space<hbm>>
        tpu.enqueue_indirect_dma source(%dma_start3A_317 : memref<10240x16xf32, #tpu.memory_space<hbm>>) target(%arg10 : memref<125x16xf32, #tpu.memory_space<vmem>>) offsets(%dma_start3A_314 : memref<125xi32, #tpu.memory_space<vmem>>) semaphore(%arg19 : memref<!tpu.dma_semaphore, #tpu.memory_space<semaphore_mem>>)
        %dma_wait3A_318 = arith.constant 0 : i32
        %dma_wait3A_319 = arith.constant 0 : i32
        %dma_wait3A_320 = tpu.memref_slice %arg2[%dma_wait3A_318, %dma_wait3A_319] : memref<10240x16xf32, #tpu.memory_space<hbm>> -> memref<125x16xf32, #tpu.memory_space<hbm>>
        %dma_wait3A_321 = arith.constant 0 : i32
        %dma_wait3A_322 = arith.constant 0 : i32
        %dma_wait3A_323 = tpu.memref_slice %arg2[%dma_wait3A_321, %dma_wait3A_322] : memref<10240x16xf32, #tpu.memory_space<hbm>> -> memref<125x16xf32, #tpu.memory_space<hbm>>
        tpu.wait_dma2 semaphore(%arg28 : memref<!tpu.dma_semaphore, #tpu.memory_space<semaphore_mem>>) src(%dma_wait3A_323 : memref<125x16xf32, #tpu.memory_space<hbm>>) dst(%arg11 : memref<125x16xf32, #tpu.memory_space<vmem>>)
        %mul3A_324 = arith.constant 2 : i32
        %mul3A_325 = arith.muli %mul3A_324, %scan3A_118 : i32
        %add3A_326 = arith.constant 2 : i32
        %add3A_327 = arith.addi %mul3A_325, %add3A_326 : i32
        %mul3A_328 = arith.constant 4 : i32
        %mul3A_329 = arith.muli %add3A_327, %mul3A_328 : i32
        %add3A_330 = arith.constant 2 : i32
        %add3A_331 = arith.addi %mul3A_329, %add3A_330 : i32
        %dma_start3A_332 = arith.constant 0 : i32
        %dma_start3A_333 = tpu.memref_slice %arg7[%add3A_331, %dma_start3A_332] : memref<80x125xi32, #tpu.memory_space<vmem>> -> memref<1x125xi32, #tpu.memory_space<vmem>>
        %dma_start3A_334 = tpu.memref_squeeze %dma_start3A_333 : memref<1x125xi32, #tpu.memory_space<vmem>> -> memref<125xi32, #tpu.memory_space<vmem>>
        %dma_start3A_335 = arith.constant 0 : i32
        %dma_start3A_336 = arith.constant 0 : i32
        %dma_start3A_337 = tpu.memref_slice %arg2[%dma_start3A_335, %dma_start3A_336] : memref<10240x16xf32, #tpu.memory_space<hbm>> -> memref<10240x16xf32, #tpu.memory_space<hbm>>
        tpu.enqueue_indirect_dma source(%dma_start3A_337 : memref<10240x16xf32, #tpu.memory_space<hbm>>) target(%arg11 : memref<125x16xf32, #tpu.memory_space<vmem>>) offsets(%dma_start3A_334 : memref<125xi32, #tpu.memory_space<vmem>>) semaphore(%arg20 : memref<!tpu.dma_semaphore, #tpu.memory_space<semaphore_mem>>)
        %dma_wait3A_338 = arith.constant 0 : i32
        %dma_wait3A_339 = arith.constant 0 : i32
        %dma_wait3A_340 = tpu.memref_slice %arg2[%dma_wait3A_338, %dma_wait3A_339] : memref<10240x16xf32, #tpu.memory_space<hbm>> -> memref<125x16xf32, #tpu.memory_space<hbm>>
        %dma_wait3A_341 = arith.constant 0 : i32
        %dma_wait3A_342 = arith.constant 0 : i32
        %dma_wait3A_343 = tpu.memref_slice %arg2[%dma_wait3A_341, %dma_wait3A_342] : memref<10240x16xf32, #tpu.memory_space<hbm>> -> memref<125x16xf32, #tpu.memory_space<hbm>>
        tpu.wait_dma2 semaphore(%arg29 : memref<!tpu.dma_semaphore, #tpu.memory_space<semaphore_mem>>) src(%dma_wait3A_343 : memref<125x16xf32, #tpu.memory_space<hbm>>) dst(%arg12 : memref<125x16xf32, #tpu.memory_space<vmem>>)
        %mul3A_344 = arith.constant 2 : i32
        %mul3A_345 = arith.muli %mul3A_344, %scan3A_118 : i32
        %add3A_346 = arith.constant 2 : i32
        %add3A_347 = arith.addi %mul3A_345, %add3A_346 : i32
        %mul3A_348 = arith.constant 4 : i32
        %mul3A_349 = arith.muli %add3A_347, %mul3A_348 : i32
        %add3A_350 = arith.constant 3 : i32
        %add3A_351 = arith.addi %mul3A_349, %add3A_350 : i32
        %dma_start3A_352 = arith.constant 0 : i32
        %dma_start3A_353 = tpu.memref_slice %arg7[%add3A_351, %dma_start3A_352] : memref<80x125xi32, #tpu.memory_space<vmem>> -> memref<1x125xi32, #tpu.memory_space<vmem>>
        %dma_start3A_354 = tpu.memref_squeeze %dma_start3A_353 : memref<1x125xi32, #tpu.memory_space<vmem>> -> memref<125xi32, #tpu.memory_space<vmem>>
        %dma_start3A_355 = arith.constant 0 : i32
        %dma_start3A_356 = arith.constant 0 : i32
        %dma_start3A_357 = tpu.memref_slice %arg2[%dma_start3A_355, %dma_start3A_356] : memref<10240x16xf32, #tpu.memory_space<hbm>> -> memref<10240x16xf32, #tpu.memory_space<hbm>>
        tpu.enqueue_indirect_dma source(%dma_start3A_357 : memref<10240x16xf32, #tpu.memory_space<hbm>>) target(%arg12 : memref<125x16xf32, #tpu.memory_space<vmem>>) offsets(%dma_start3A_354 : memref<125xi32, #tpu.memory_space<vmem>>) semaphore(%arg21 : memref<!tpu.dma_semaphore, #tpu.memory_space<semaphore_mem>>)
      } else {
      }
      %dma_wait3A_193 = arith.constant 0 : i32
      %dma_wait3A_194 = arith.constant 0 : i32
      %dma_wait3A_195 = tpu.memref_slice %arg2[%dma_wait3A_193, %dma_wait3A_194] : memref<10240x16xf32, #tpu.memory_space<hbm>> -> memref<125x16xf32, #tpu.memory_space<hbm>>
      %dma_wait3A_196 = arith.constant 0 : i32
      %dma_wait3A_197 = arith.constant 0 : i32
      %dma_wait3A_198 = tpu.memref_slice %arg2[%dma_wait3A_196, %dma_wait3A_197] : memref<10240x16xf32, #tpu.memory_space<hbm>> -> memref<125x16xf32, #tpu.memory_space<hbm>>
      tpu.wait_dma2 semaphore(%arg22 : memref<!tpu.dma_semaphore, #tpu.memory_space<semaphore_mem>>) src(%dma_wait3A_198 : memref<125x16xf32, #tpu.memory_space<hbm>>) dst(%arg13 : memref<125x16xf32, #tpu.memory_space<vmem>>)
      %mul3A_199 = arith.constant 2 : i32
      %mul3A_200 = arith.muli %mul3A_199, %scan3A_118 : i32
      %add3A_201 = arith.constant 1 : i32
      %add3A_202 = arith.addi %mul3A_200, %add3A_201 : i32
      %mul3A_203 = arith.constant 4 : i32
      %mul3A_204 = arith.muli %add3A_202, %mul3A_203 : i32
      %add3A_205 = arith.constant 0 : i32
      %add3A_206 = arith.addi %mul3A_204, %add3A_205 : i32
      %dma_start3A_207 = arith.constant 0 : i32
      %dma_start3A_208 = tpu.memref_slice %arg8[%add3A_206, %dma_start3A_207] : memref<80x125xi32, #tpu.memory_space<vmem>> -> memref<1x125xi32, #tpu.memory_space<vmem>>
      %dma_start3A_209 = tpu.memref_squeeze %dma_start3A_208 : memref<1x125xi32, #tpu.memory_space<vmem>> -> memref<125xi32, #tpu.memory_space<vmem>>
      %dma_start3A_210 = arith.constant 0 : i32
      %dma_start3A_211 = arith.constant 0 : i32
      %dma_start3A_212 = tpu.memref_slice %arg17[%dma_start3A_210, %dma_start3A_211] : memref<10240x16xf32, #tpu.memory_space<vmem_shared>> -> memref<10240x16xf32, #tpu.memory_space<vmem_shared>>
      tpu.enqueue_indirect_dma source(%arg13 : memref<125x16xf32, #tpu.memory_space<vmem>>) target(%dma_start3A_212 : memref<10240x16xf32, #tpu.memory_space<vmem_shared>>) offsets(%dma_start3A_209 : memref<125xi32, #tpu.memory_space<vmem>>) semaphore(%arg30 : memref<!tpu.dma_semaphore, #tpu.memory_space<semaphore_mem>>) {add = true}
      %dma_wait3A_213 = arith.constant 0 : i32
      %dma_wait3A_214 = arith.constant 0 : i32
      %dma_wait3A_215 = tpu.memref_slice %arg2[%dma_wait3A_213, %dma_wait3A_214] : memref<10240x16xf32, #tpu.memory_space<hbm>> -> memref<125x16xf32, #tpu.memory_space<hbm>>
      %dma_wait3A_216 = arith.constant 0 : i32
      %dma_wait3A_217 = arith.constant 0 : i32
      %dma_wait3A_218 = tpu.memref_slice %arg2[%dma_wait3A_216, %dma_wait3A_217] : memref<10240x16xf32, #tpu.memory_space<hbm>> -> memref<125x16xf32, #tpu.memory_space<hbm>>
      tpu.wait_dma2 semaphore(%arg23 : memref<!tpu.dma_semaphore, #tpu.memory_space<semaphore_mem>>) src(%dma_wait3A_218 : memref<125x16xf32, #tpu.memory_space<hbm>>) dst(%arg14 : memref<125x16xf32, #tpu.memory_space<vmem>>)
      %mul3A_219 = arith.constant 2 : i32
      %mul3A_220 = arith.muli %mul3A_219, %scan3A_118 : i32
      %add3A_221 = arith.constant 1 : i32
      %add3A_222 = arith.addi %mul3A_220, %add3A_221 : i32
      %mul3A_223 = arith.constant 4 : i32
      %mul3A_224 = arith.muli %add3A_222, %mul3A_223 : i32
      %add3A_225 = arith.constant 1 : i32
      %add3A_226 = arith.addi %mul3A_224, %add3A_225 : i32
      %dma_start3A_227 = arith.constant 0 : i32
      %dma_start3A_228 = tpu.memref_slice %arg8[%add3A_226, %dma_start3A_227] : memref<80x125xi32, #tpu.memory_space<vmem>> -> memref<1x125xi32, #tpu.memory_space<vmem>>
      %dma_start3A_229 = tpu.memref_squeeze %dma_start3A_228 : memref<1x125xi32, #tpu.memory_space<vmem>> -> memref<125xi32, #tpu.memory_space<vmem>>
      %dma_start3A_230 = arith.constant 0 : i32
      %dma_start3A_231 = arith.constant 0 : i32
      %dma_start3A_232 = tpu.memref_slice %arg17[%dma_start3A_230, %dma_start3A_231] : memref<10240x16xf32, #tpu.memory_space<vmem_shared>> -> memref<10240x16xf32, #tpu.memory_space<vmem_shared>>
      tpu.enqueue_indirect_dma source(%arg14 : memref<125x16xf32, #tpu.memory_space<vmem>>) target(%dma_start3A_232 : memref<10240x16xf32, #tpu.memory_space<vmem_shared>>) offsets(%dma_start3A_229 : memref<125xi32, #tpu.memory_space<vmem>>) semaphore(%arg31 : memref<!tpu.dma_semaphore, #tpu.memory_space<semaphore_mem>>) {add = true}
      %dma_wait3A_233 = arith.constant 0 : i32
      %dma_wait3A_234 = arith.constant 0 : i32
      %dma_wait3A_235 = tpu.memref_slice %arg2[%dma_wait3A_233, %dma_wait3A_234] : memref<10240x16xf32, #tpu.memory_space<hbm>> -> memref<125x16xf32, #tpu.memory_space<hbm>>
      %dma_wait3A_236 = arith.constant 0 : i32
      %dma_wait3A_237 = arith.constant 0 : i32
      %dma_wait3A_238 = tpu.memref_slice %arg2[%dma_wait3A_236, %dma_wait3A_237] : memref<10240x16xf32, #tpu.memory_space<hbm>> -> memref<125x16xf32, #tpu.memory_space<hbm>>
      tpu.wait_dma2 semaphore(%arg24 : memref<!tpu.dma_semaphore, #tpu.memory_space<semaphore_mem>>) src(%dma_wait3A_238 : memref<125x16xf32, #tpu.memory_space<hbm>>) dst(%arg15 : memref<125x16xf32, #tpu.memory_space<vmem>>)
      %mul3A_239 = arith.constant 2 : i32
      %mul3A_240 = arith.muli %mul3A_239, %scan3A_118 : i32
      %add3A_241 = arith.constant 1 : i32
      %add3A_242 = arith.addi %mul3A_240, %add3A_241 : i32
      %mul3A_243 = arith.constant 4 : i32
      %mul3A_244 = arith.muli %add3A_242, %mul3A_243 : i32
      %add3A_245 = arith.constant 2 : i32
      %add3A_246 = arith.addi %mul3A_244, %add3A_245 : i32
      %dma_start3A_247 = arith.constant 0 : i32
      %dma_start3A_248 = tpu.memref_slice %arg8[%add3A_246, %dma_start3A_247] : memref<80x125xi32, #tpu.memory_space<vmem>> -> memref<1x125xi32, #tpu.memory_space<vmem>>
      %dma_start3A_249 = tpu.memref_squeeze %dma_start3A_248 : memref<1x125xi32, #tpu.memory_space<vmem>> -> memref<125xi32, #tpu.memory_space<vmem>>
      %dma_start3A_250 = arith.constant 0 : i32
      %dma_start3A_251 = arith.constant 0 : i32
      %dma_start3A_252 = tpu.memref_slice %arg17[%dma_start3A_250, %dma_start3A_251] : memref<10240x16xf32, #tpu.memory_space<vmem_shared>> -> memref<10240x16xf32, #tpu.memory_space<vmem_shared>>
      tpu.enqueue_indirect_dma source(%arg15 : memref<125x16xf32, #tpu.memory_space<vmem>>) target(%dma_start3A_252 : memref<10240x16xf32, #tpu.memory_space<vmem_shared>>) offsets(%dma_start3A_249 : memref<125xi32, #tpu.memory_space<vmem>>) semaphore(%arg32 : memref<!tpu.dma_semaphore, #tpu.memory_space<semaphore_mem>>) {add = true}
      %dma_wait3A_253 = arith.constant 0 : i32
      %dma_wait3A_254 = arith.constant 0 : i32
      %dma_wait3A_255 = tpu.memref_slice %arg2[%dma_wait3A_253, %dma_wait3A_254] : memref<10240x16xf32, #tpu.memory_space<hbm>> -> memref<125x16xf32, #tpu.memory_space<hbm>>
      %dma_wait3A_256 = arith.constant 0 : i32
      %dma_wait3A_257 = arith.constant 0 : i32
      %dma_wait3A_258 = tpu.memref_slice %arg2[%dma_wait3A_256, %dma_wait3A_257] : memref<10240x16xf32, #tpu.memory_space<hbm>> -> memref<125x16xf32, #tpu.memory_space<hbm>>
      tpu.wait_dma2 semaphore(%arg25 : memref<!tpu.dma_semaphore, #tpu.memory_space<semaphore_mem>>) src(%dma_wait3A_258 : memref<125x16xf32, #tpu.memory_space<hbm>>) dst(%arg16 : memref<125x16xf32, #tpu.memory_space<vmem>>)
      %mul3A_259 = arith.constant 2 : i32
      %mul3A_260 = arith.muli %mul3A_259, %scan3A_118 : i32
      %add3A_261 = arith.constant 1 : i32
      %add3A_262 = arith.addi %mul3A_260, %add3A_261 : i32
      %mul3A_263 = arith.constant 4 : i32
      %mul3A_264 = arith.muli %add3A_262, %mul3A_263 : i32
      %add3A_265 = arith.constant 3 : i32
      %add3A_266 = arith.addi %mul3A_264, %add3A_265 : i32
      %dma_start3A_267 = arith.constant 0 : i32
      %dma_start3A_268 = tpu.memref_slice %arg8[%add3A_266, %dma_start3A_267] : memref<80x125xi32, #tpu.memory_space<vmem>> -> memref<1x125xi32, #tpu.memory_space<vmem>>
      %dma_start3A_269 = tpu.memref_squeeze %dma_start3A_268 : memref<1x125xi32, #tpu.memory_space<vmem>> -> memref<125xi32, #tpu.memory_space<vmem>>
      %dma_start3A_270 = arith.constant 0 : i32
      %dma_start3A_271 = arith.constant 0 : i32
      %dma_start3A_272 = tpu.memref_slice %arg17[%dma_start3A_270, %dma_start3A_271] : memref<10240x16xf32, #tpu.memory_space<vmem_shared>> -> memref<10240x16xf32, #tpu.memory_space<vmem_shared>>
      tpu.enqueue_indirect_dma source(%arg16 : memref<125x16xf32, #tpu.memory_space<vmem>>) target(%dma_start3A_272 : memref<10240x16xf32, #tpu.memory_space<vmem_shared>>) offsets(%dma_start3A_269 : memref<125xi32, #tpu.memory_space<vmem>>) semaphore(%arg33 : memref<!tpu.dma_semaphore, #tpu.memory_space<semaphore_mem>>) {add = true}
      %lt3A_273 = arith.constant 9 : i32
      %lt3A_274 = arith.cmpi slt, %scan3A_118, %lt3A_273 : i32
      %convert_element_type3A_275 = arith.extui %lt3A_274 : i1 to i32
      %cond3A_276 = arith.constant 0 : i32
      %cond3A_277 = arith.cmpi ne, %convert_element_type3A_275, %cond3A_276 : i32
      scf.if %cond3A_277 {
        %dma_wait3A_278 = arith.constant 0 : i32
        %dma_wait3A_279 = arith.constant 0 : i32
        %dma_wait3A_280 = tpu.memref_slice %arg2[%dma_wait3A_278, %dma_wait3A_279] : memref<10240x16xf32, #tpu.memory_space<hbm>> -> memref<125x16xf32, #tpu.memory_space<hbm>>
        %dma_wait3A_281 = arith.constant 0 : i32
        %dma_wait3A_282 = arith.constant 0 : i32
        %dma_wait3A_283 = tpu.memref_slice %arg2[%dma_wait3A_281, %dma_wait3A_282] : memref<10240x16xf32, #tpu.memory_space<hbm>> -> memref<125x16xf32, #tpu.memory_space<hbm>>
        tpu.wait_dma2 semaphore(%arg30 : memref<!tpu.dma_semaphore, #tpu.memory_space<semaphore_mem>>) src(%dma_wait3A_283 : memref<125x16xf32, #tpu.memory_space<hbm>>) dst(%arg13 : memref<125x16xf32, #tpu.memory_space<vmem>>)
        %mul3A_284 = arith.constant 2 : i32
        %mul3A_285 = arith.muli %mul3A_284, %scan3A_118 : i32
        %add3A_286 = arith.constant 3 : i32
        %add3A_287 = arith.addi %mul3A_285, %add3A_286 : i32
        %mul3A_288 = arith.constant 4 : i32
        %mul3A_289 = arith.muli %add3A_287, %mul3A_288 : i32
        %add3A_290 = arith.constant 0 : i32
        %add3A_291 = arith.addi %mul3A_289, %add3A_290 : i32
        %dma_start3A_292 = arith.constant 0 : i32
        %dma_start3A_293 = tpu.memref_slice %arg7[%add3A_291, %dma_start3A_292] : memref<80x125xi32, #tpu.memory_space<vmem>> -> memref<1x125xi32, #tpu.memory_space<vmem>>
        %dma_start3A_294 = tpu.memref_squeeze %dma_start3A_293 : memref<1x125xi32, #tpu.memory_space<vmem>> -> memref<125xi32, #tpu.memory_space<vmem>>
        %dma_start3A_295 = arith.constant 0 : i32
        %dma_start3A_296 = arith.constant 0 : i32
        %dma_start3A_297 = tpu.memref_slice %arg2[%dma_start3A_295, %dma_start3A_296] : memref<10240x16xf32, #tpu.memory_space<hbm>> -> memref<10240x16xf32, #tpu.memory_space<hbm>>
        tpu.enqueue_indirect_dma source(%dma_start3A_297 : memref<10240x16xf32, #tpu.memory_space<hbm>>) target(%arg13 : memref<125x16xf32, #tpu.memory_space<vmem>>) offsets(%dma_start3A_294 : memref<125xi32, #tpu.memory_space<vmem>>) semaphore(%arg22 : memref<!tpu.dma_semaphore, #tpu.memory_space<semaphore_mem>>)
        %dma_wait3A_298 = arith.constant 0 : i32
        %dma_wait3A_299 = arith.constant 0 : i32
        %dma_wait3A_300 = tpu.memref_slice %arg2[%dma_wait3A_298, %dma_wait3A_299] : memref<10240x16xf32, #tpu.memory_space<hbm>> -> memref<125x16xf32, #tpu.memory_space<hbm>>
        %dma_wait3A_301 = arith.constant 0 : i32
        %dma_wait3A_302 = arith.constant 0 : i32
        %dma_wait3A_303 = tpu.memref_slice %arg2[%dma_wait3A_301, %dma_wait3A_302] : memref<10240x16xf32, #tpu.memory_space<hbm>> -> memref<125x16xf32, #tpu.memory_space<hbm>>
        tpu.wait_dma2 semaphore(%arg31 : memref<!tpu.dma_semaphore, #tpu.memory_space<semaphore_mem>>) src(%dma_wait3A_303 : memref<125x16xf32, #tpu.memory_space<hbm>>) dst(%arg14 : memref<125x16xf32, #tpu.memory_space<vmem>>)
        %mul3A_304 = arith.constant 2 : i32
        %mul3A_305 = arith.muli %mul3A_304, %scan3A_118 : i32
        %add3A_306 = arith.constant 3 : i32
        %add3A_307 = arith.addi %mul3A_305, %add3A_306 : i32
        %mul3A_308 = arith.constant 4 : i32
        %mul3A_309 = arith.muli %add3A_307, %mul3A_308 : i32
        %add3A_310 = arith.constant 1 : i32
        %add3A_311 = arith.addi %mul3A_309, %add3A_310 : i32
        %dma_start3A_312 = arith.constant 0 : i32
        %dma_start3A_313 = tpu.memref_slice %arg7[%add3A_311, %dma_start3A_312] : memref<80x125xi32, #tpu.memory_space<vmem>> -> memref<1x125xi32, #tpu.memory_space<vmem>>
        %dma_start3A_314 = tpu.memref_squeeze %dma_start3A_313 : memref<1x125xi32, #tpu.memory_space<vmem>> -> memref<125xi32, #tpu.memory_space<vmem>>
        %dma_start3A_315 = arith.constant 0 : i32
        %dma_start3A_316 = arith.constant 0 : i32
        %dma_start3A_317 = tpu.memref_slice %arg2[%dma_start3A_315, %dma_start3A_316] : memref<10240x16xf32, #tpu.memory_space<hbm>> -> memref<10240x16xf32, #tpu.memory_space<hbm>>
        tpu.enqueue_indirect_dma source(%dma_start3A_317 : memref<10240x16xf32, #tpu.memory_space<hbm>>) target(%arg14 : memref<125x16xf32, #tpu.memory_space<vmem>>) offsets(%dma_start3A_314 : memref<125xi32, #tpu.memory_space<vmem>>) semaphore(%arg23 : memref<!tpu.dma_semaphore, #tpu.memory_space<semaphore_mem>>)
        %dma_wait3A_318 = arith.constant 0 : i32
        %dma_wait3A_319 = arith.constant 0 : i32
        %dma_wait3A_320 = tpu.memref_slice %arg2[%dma_wait3A_318, %dma_wait3A_319] : memref<10240x16xf32, #tpu.memory_space<hbm>> -> memref<125x16xf32, #tpu.memory_space<hbm>>
        %dma_wait3A_321 = arith.constant 0 : i32
        %dma_wait3A_322 = arith.constant 0 : i32
        %dma_wait3A_323 = tpu.memref_slice %arg2[%dma_wait3A_321, %dma_wait3A_322] : memref<10240x16xf32, #tpu.memory_space<hbm>> -> memref<125x16xf32, #tpu.memory_space<hbm>>
        tpu.wait_dma2 semaphore(%arg32 : memref<!tpu.dma_semaphore, #tpu.memory_space<semaphore_mem>>) src(%dma_wait3A_323 : memref<125x16xf32, #tpu.memory_space<hbm>>) dst(%arg15 : memref<125x16xf32, #tpu.memory_space<vmem>>)
        %mul3A_324 = arith.constant 2 : i32
        %mul3A_325 = arith.muli %mul3A_324, %scan3A_118 : i32
        %add3A_326 = arith.constant 3 : i32
        %add3A_327 = arith.addi %mul3A_325, %add3A_326 : i32
        %mul3A_328 = arith.constant 4 : i32
        %mul3A_329 = arith.muli %add3A_327, %mul3A_328 : i32
        %add3A_330 = arith.constant 2 : i32
        %add3A_331 = arith.addi %mul3A_329, %add3A_330 : i32
        %dma_start3A_332 = arith.constant 0 : i32
        %dma_start3A_333 = tpu.memref_slice %arg7[%add3A_331, %dma_start3A_332] : memref<80x125xi32, #tpu.memory_space<vmem>> -> memref<1x125xi32, #tpu.memory_space<vmem>>
        %dma_start3A_334 = tpu.memref_squeeze %dma_start3A_333 : memref<1x125xi32, #tpu.memory_space<vmem>> -> memref<125xi32, #tpu.memory_space<vmem>>
        %dma_start3A_335 = arith.constant 0 : i32
        %dma_start3A_336 = arith.constant 0 : i32
        %dma_start3A_337 = tpu.memref_slice %arg2[%dma_start3A_335, %dma_start3A_336] : memref<10240x16xf32, #tpu.memory_space<hbm>> -> memref<10240x16xf32, #tpu.memory_space<hbm>>
        tpu.enqueue_indirect_dma source(%dma_start3A_337 : memref<10240x16xf32, #tpu.memory_space<hbm>>) target(%arg15 : memref<125x16xf32, #tpu.memory_space<vmem>>) offsets(%dma_start3A_334 : memref<125xi32, #tpu.memory_space<vmem>>) semaphore(%arg24 : memref<!tpu.dma_semaphore, #tpu.memory_space<semaphore_mem>>)
        %dma_wait3A_338 = arith.constant 0 : i32
        %dma_wait3A_339 = arith.constant 0 : i32
        %dma_wait3A_340 = tpu.memref_slice %arg2[%dma_wait3A_338, %dma_wait3A_339] : memref<10240x16xf32, #tpu.memory_space<hbm>> -> memref<125x16xf32, #tpu.memory_space<hbm>>
        %dma_wait3A_341 = arith.constant 0 : i32
        %dma_wait3A_342 = arith.constant 0 : i32
        %dma_wait3A_343 = tpu.memref_slice %arg2[%dma_wait3A_341, %dma_wait3A_342] : memref<10240x16xf32, #tpu.memory_space<hbm>> -> memref<125x16xf32, #tpu.memory_space<hbm>>
        tpu.wait_dma2 semaphore(%arg33 : memref<!tpu.dma_semaphore, #tpu.memory_space<semaphore_mem>>) src(%dma_wait3A_343 : memref<125x16xf32, #tpu.memory_space<hbm>>) dst(%arg16 : memref<125x16xf32, #tpu.memory_space<vmem>>)
        %mul3A_344 = arith.constant 2 : i32
        %mul3A_345 = arith.muli %mul3A_344, %scan3A_118 : i32
        %add3A_346 = arith.constant 3 : i32
        %add3A_347 = arith.addi %mul3A_345, %add3A_346 : i32
        %mul3A_348 = arith.constant 4 : i32
        %mul3A_349 = arith.muli %add3A_347, %mul3A_348 : i32
        %add3A_350 = arith.constant 3 : i32
        %add3A_351 = arith.addi %mul3A_349, %add3A_350 : i32
        %dma_start3A_352 = arith.constant 0 : i32
        %dma_start3A_353 = tpu.memref_slice %arg7[%add3A_351, %dma_start3A_352] : memref<80x125xi32, #tpu.memory_space<vmem>> -> memref<1x125xi32, #tpu.memory_space<vmem>>
        %dma_start3A_354 = tpu.memref_squeeze %dma_start3A_353 : memref<1x125xi32, #tpu.memory_space<vmem>> -> memref<125xi32, #tpu.memory_space<vmem>>
        %dma_start3A_355 = arith.constant 0 : i32
        %dma_start3A_356 = arith.constant 0 : i32
        %dma_start3A_357 = tpu.memref_slice %arg2[%dma_start3A_355, %dma_start3A_356] : memref<10240x16xf32, #tpu.memory_space<hbm>> -> memref<10240x16xf32, #tpu.memory_space<hbm>>
        tpu.enqueue_indirect_dma source(%dma_start3A_357 : memref<10240x16xf32, #tpu.memory_space<hbm>>) target(%arg16 : memref<125x16xf32, #tpu.memory_space<vmem>>) offsets(%dma_start3A_354 : memref<125xi32, #tpu.memory_space<vmem>>) semaphore(%arg25 : memref<!tpu.dma_semaphore, #tpu.memory_space<semaphore_mem>>)
      } else {
      }
    }
    %scan3A_62 = arith.constant 10 : i32
    %dma_wait3A = arith.constant 0 : i32
    %dma_wait3A_63 = arith.constant 0 : i32
    %dma_wait3A_64 = tpu.memref_slice %arg2[%dma_wait3A, %dma_wait3A_63] : memref<10240x16xf32, #tpu.memory_space<hbm>> -> memref<125x16xf32, #tpu.memory_space<hbm>>
    %dma_wait3A_65 = arith.constant 0 : i32
    %dma_wait3A_66 = arith.constant 0 : i32
    %dma_wait3A_67 = tpu.memref_slice %arg2[%dma_wait3A_65, %dma_wait3A_66] : memref<10240x16xf32, #tpu.memory_space<hbm>> -> memref<125x16xf32, #tpu.memory_space<hbm>>
    tpu.wait_dma2 semaphore(%arg26 : memref<!tpu.dma_semaphore, #tpu.memory_space<semaphore_mem>>) src(%dma_wait3A_67 : memref<125x16xf32, #tpu.memory_space<hbm>>) dst(%arg9 : memref<125x16xf32, #tpu.memory_space<vmem>>)
    %dma_wait3A_68 = arith.constant 0 : i32
    %dma_wait3A_69 = arith.constant 0 : i32
    %dma_wait3A_70 = tpu.memref_slice %arg2[%dma_wait3A_68, %dma_wait3A_69] : memref<10240x16xf32, #tpu.memory_space<hbm>> -> memref<125x16xf32, #tpu.memory_space<hbm>>
    %dma_wait3A_71 = arith.constant 0 : i32
    %dma_wait3A_72 = arith.constant 0 : i32
    %dma_wait3A_73 = tpu.memref_slice %arg2[%dma_wait3A_71, %dma_wait3A_72] : memref<10240x16xf32, #tpu.memory_space<hbm>> -> memref<125x16xf32, #tpu.memory_space<hbm>>
    tpu.wait_dma2 semaphore(%arg27 : memref<!tpu.dma_semaphore, #tpu.memory_space<semaphore_mem>>) src(%dma_wait3A_73 : memref<125x16xf32, #tpu.memory_space<hbm>>) dst(%arg10 : memref<125x16xf32, #tpu.memory_space<vmem>>)
    %dma_wait3A_74 = arith.constant 0 : i32
    %dma_wait3A_75 = arith.constant 0 : i32
    %dma_wait3A_76 = tpu.memref_slice %arg2[%dma_wait3A_74, %dma_wait3A_75] : memref<10240x16xf32, #tpu.memory_space<hbm>> -> memref<125x16xf32, #tpu.memory_space<hbm>>
    %dma_wait3A_77 = arith.constant 0 : i32
    %dma_wait3A_78 = arith.constant 0 : i32
    %dma_wait3A_79 = tpu.memref_slice %arg2[%dma_wait3A_77, %dma_wait3A_78] : memref<10240x16xf32, #tpu.memory_space<hbm>> -> memref<125x16xf32, #tpu.memory_space<hbm>>
    tpu.wait_dma2 semaphore(%arg28 : memref<!tpu.dma_semaphore, #tpu.memory_space<semaphore_mem>>) src(%dma_wait3A_79 : memref<125x16xf32, #tpu.memory_space<hbm>>) dst(%arg11 : memref<125x16xf32, #tpu.memory_space<vmem>>)
    %dma_wait3A_80 = arith.constant 0 : i32
    %dma_wait3A_81 = arith.constant 0 : i32
    %dma_wait3A_82 = tpu.memref_slice %arg2[%dma_wait3A_80, %dma_wait3A_81] : memref<10240x16xf32, #tpu.memory_space<hbm>> -> memref<125x16xf32, #tpu.memory_space<hbm>>
    %dma_wait3A_83 = arith.constant 0 : i32
    %dma_wait3A_84 = arith.constant 0 : i32
    %dma_wait3A_85 = tpu.memref_slice %arg2[%dma_wait3A_83, %dma_wait3A_84] : memref<10240x16xf32, #tpu.memory_space<hbm>> -> memref<125x16xf32, #tpu.memory_space<hbm>>
    tpu.wait_dma2 semaphore(%arg29 : memref<!tpu.dma_semaphore, #tpu.memory_space<semaphore_mem>>) src(%dma_wait3A_85 : memref<125x16xf32, #tpu.memory_space<hbm>>) dst(%arg12 : memref<125x16xf32, #tpu.memory_space<vmem>>)
    %dma_wait3A_86 = arith.constant 0 : i32
    %dma_wait3A_87 = arith.constant 0 : i32
    %dma_wait3A_88 = tpu.memref_slice %arg2[%dma_wait3A_86, %dma_wait3A_87] : memref<10240x16xf32, #tpu.memory_space<hbm>> -> memref<125x16xf32, #tpu.memory_space<hbm>>
    %dma_wait3A_89 = arith.constant 0 : i32
    %dma_wait3A_90 = arith.constant 0 : i32
    %dma_wait3A_91 = tpu.memref_slice %arg2[%dma_wait3A_89, %dma_wait3A_90] : memref<10240x16xf32, #tpu.memory_space<hbm>> -> memref<125x16xf32, #tpu.memory_space<hbm>>
    tpu.wait_dma2 semaphore(%arg30 : memref<!tpu.dma_semaphore, #tpu.memory_space<semaphore_mem>>) src(%dma_wait3A_91 : memref<125x16xf32, #tpu.memory_space<hbm>>) dst(%arg13 : memref<125x16xf32, #tpu.memory_space<vmem>>)
    %dma_wait3A_92 = arith.constant 0 : i32
    %dma_wait3A_93 = arith.constant 0 : i32
    %dma_wait3A_94 = tpu.memref_slice %arg2[%dma_wait3A_92, %dma_wait3A_93] : memref<10240x16xf32, #tpu.memory_space<hbm>> -> memref<125x16xf32, #tpu.memory_space<hbm>>
    %dma_wait3A_95 = arith.constant 0 : i32
    %dma_wait3A_96 = arith.constant 0 : i32
    %dma_wait3A_97 = tpu.memref_slice %arg2[%dma_wait3A_95, %dma_wait3A_96] : memref<10240x16xf32, #tpu.memory_space<hbm>> -> memref<125x16xf32, #tpu.memory_space<hbm>>
    tpu.wait_dma2 semaphore(%arg31 : memref<!tpu.dma_semaphore, #tpu.memory_space<semaphore_mem>>) src(%dma_wait3A_97 : memref<125x16xf32, #tpu.memory_space<hbm>>) dst(%arg14 : memref<125x16xf32, #tpu.memory_space<vmem>>)
    %dma_wait3A_98 = arith.constant 0 : i32
    %dma_wait3A_99 = arith.constant 0 : i32
    %dma_wait3A_100 = tpu.memref_slice %arg2[%dma_wait3A_98, %dma_wait3A_99] : memref<10240x16xf32, #tpu.memory_space<hbm>> -> memref<125x16xf32, #tpu.memory_space<hbm>>
    %dma_wait3A_101 = arith.constant 0 : i32
    %dma_wait3A_102 = arith.constant 0 : i32
    %dma_wait3A_103 = tpu.memref_slice %arg2[%dma_wait3A_101, %dma_wait3A_102] : memref<10240x16xf32, #tpu.memory_space<hbm>> -> memref<125x16xf32, #tpu.memory_space<hbm>>
    tpu.wait_dma2 semaphore(%arg32 : memref<!tpu.dma_semaphore, #tpu.memory_space<semaphore_mem>>) src(%dma_wait3A_103 : memref<125x16xf32, #tpu.memory_space<hbm>>) dst(%arg15 : memref<125x16xf32, #tpu.memory_space<vmem>>)
    %dma_wait3A_104 = arith.constant 0 : i32
    %dma_wait3A_105 = arith.constant 0 : i32
    %dma_wait3A_106 = tpu.memref_slice %arg2[%dma_wait3A_104, %dma_wait3A_105] : memref<10240x16xf32, #tpu.memory_space<hbm>> -> memref<125x16xf32, #tpu.memory_space<hbm>>
    %dma_wait3A_107 = arith.constant 0 : i32
    %dma_wait3A_108 = arith.constant 0 : i32
    %dma_wait3A_109 = tpu.memref_slice %arg2[%dma_wait3A_107, %dma_wait3A_108] : memref<10240x16xf32, #tpu.memory_space<hbm>> -> memref<125x16xf32, #tpu.memory_space<hbm>>
    tpu.wait_dma2 semaphore(%arg33 : memref<!tpu.dma_semaphore, #tpu.memory_space<semaphore_mem>>) src(%dma_wait3A_109 : memref<125x16xf32, #tpu.memory_space<hbm>>) dst(%arg16 : memref<125x16xf32, #tpu.memory_space<vmem>>)
    %barrier3A_110 = arith.constant 0 : index
    tpu.barrier barrier_id(%barrier3A_110)
    %mul3A_111 = arith.constant 640 : i32
    %mul3A_112 = arith.muli %arg1, %mul3A_111 : i32
    %mul3A_113 = arith.constant 10240 : i32
    %mul3A_114 = arith.muli %arg0, %mul3A_113 : i32
    %mul3A_115 = arith.constant 640 : i32
    %mul3A_116 = arith.muli %arg1, %mul3A_115 : i32
    %add3A_117 = arith.addi %mul3A_114, %mul3A_116 : i32
    "tpu.region"() ({
      %run_scoped3A = tpu.sem_alloc : memref<!tpu.dma_semaphore, #tpu.memory_space<semaphore_mem>>
      %dma_start3A_118 = arith.constant 0 : i32
      %dma_start3A_119 = tpu.memref_slice %arg6[%add3A_117, %dma_start3A_118] : memref<20480x16xf32, #tpu.memory_space<hbm>> -> memref<640x16xf32, #tpu.memory_space<hbm>>
      %dma_start3A_120 = arith.constant 0 : i32
      %dma_start3A_121 = tpu.memref_slice %arg17[%mul3A_112, %dma_start3A_120] : memref<10240x16xf32, #tpu.memory_space<vmem_shared>> -> memref<640x16xf32, #tpu.memory_space<vmem_shared>>
      tpu.enqueue_dma source(%dma_start3A_121 : memref<640x16xf32, #tpu.memory_space<vmem_shared>>) target(%dma_start3A_119 : memref<640x16xf32, #tpu.memory_space<hbm>>) target_semaphore(%run_scoped3A : memref<!tpu.dma_semaphore, #tpu.memory_space<semaphore_mem>>)
      %dma_wait3A_122 = arith.constant 0 : i32
      %dma_wait3A_123 = tpu.memref_slice %arg6[%add3A_117, %dma_wait3A_122] : memref<20480x16xf32, #tpu.memory_space<hbm>> -> memref<640x16xf32, #tpu.memory_space<hbm>>
      %dma_wait3A_124 = arith.constant 0 : i32
      %dma_wait3A_125 = tpu.memref_slice %arg17[%mul3A_112, %dma_wait3A_124] : memref<10240x16xf32, #tpu.memory_space<vmem_shared>> -> memref<640x16xf32, #tpu.memory_space<vmem_shared>>
      tpu.wait_dma2 semaphore(%run_scoped3A : memref<!tpu.dma_semaphore, #tpu.memory_space<semaphore_mem>>) src(%dma_wait3A_125 : memref<640x16xf32, #tpu.memory_space<vmem_shared>>) dst(%dma_wait3A_123 : memref<640x16xf32, #tpu.memory_space<hbm>>)
      tpu.yield
    }) : () -> ()
    return
  }
}

module attributes {stable_mosaic.version = 14 : i64} {
  func.func @_enc1_body(%arg0: i32, %arg1: memref<2x512x16xf32, #tpu.memory_space<vmem>>, %arg2: memref<512x128xf32, #tpu.memory_space<vmem>>, %arg3: memref<128x64xf32, #tpu.memory_space<vmem>>, %arg4: memref<512x64xf32, #tpu.memory_space<vmem>>) attributes {dimension_semantics = [#tpu.dimension_semantics<arbitrary>], iteration_bounds = array<i64: 20>, scalar_prefetch = 0 : i64, scratch_operands = 0 : i64, tpu.core_type = #tpu.core_type<tc>, window_params = [{transform_indices = @transform_0, window_bounds = array<i64: 2, 512, 16>}, {transform_indices = @transform_1, window_bounds = array<i64: 512, 128>}, {pipeline_mode = #tpu.pipeline_mode<synchronous>, transform_indices = @transform_2, window_bounds = array<i64: 128, 64>}, {transform_indices = @transform_3, window_bounds = array<i64: 512, 64>}]} {
    %get3A = arith.constant 0 : index
    %get3A_0 = arith.constant 0 : index
    %get3A_1 = arith.constant 0 : index
    %get3A_2 = vector.load %arg1[%get3A, %get3A_0, %get3A_1] : memref<2x512x16xf32, #tpu.memory_space<vmem>>, vector<2x512x16xf32>
    %slice3A = vector.extract_strided_slice %get3A_2 {offsets = [0, 0, 0], sizes = [1, 512, 1], strides = [1, 1, 1]} : vector<2x512x16xf32> to vector<1x512x1xf32>
    %squeeze3A = vector.shape_cast %slice3A : vector<1x512x1xf32> to vector<512xf32>
    %slice3A_3 = vector.extract_strided_slice %get3A_2 {offsets = [1, 0, 0], sizes = [1, 512, 1], strides = [1, 1, 1]} : vector<2x512x16xf32> to vector<1x512x1xf32>
    %squeeze3A_4 = vector.shape_cast %slice3A_3 : vector<1x512x1xf32> to vector<512xf32>
    %add3A = arith.addf %squeeze3A, %squeeze3A_4 : vector<512xf32>
    %add3A_5 = arith.constant 1.000000e+00 : f32
    %add3A_6 = vector.broadcast %add3A_5 : f32 to vector<512xf32>
    %add3A_7 = arith.addf %add3A, %add3A_6 : vector<512xf32>
    %rsqrt3A = math.rsqrt %add3A_7 : vector<512xf32>
    %get3A_8 = arith.constant 0 : index
    %get3A_9 = arith.constant 0 : index
    %get3A_10 = vector.load %arg2[%get3A_8, %get3A_9] : memref<512x128xf32, #tpu.memory_space<vmem>>, vector<512x128xf32>
    %get3A_11 = arith.constant 0 : index
    %get3A_12 = arith.constant 0 : index
    %get3A_13 = vector.load %arg3[%get3A_11, %get3A_12] : memref<128x64xf32, #tpu.memory_space<vmem>>, vector<128x64xf32>
    %dot_general3A = arith.constant dense<0.000000e+00> : vector<512x64xf32>
    %dot_general3A_14 = tpu.matmul %get3A_10, %get3A_13, %dot_general3A {dimension_numbers = #tpu.dot_dimension_numbers<[1], [0], [0], [1], [0, 0, 1, 1], [], []>, transpose_lhs_hint = false} : vector<512x128xf32>, vector<128x64xf32>, vector<512x64xf32> -> vector<512x64xf32>
    %broadcast_in_dim3A = vector.shape_cast %rsqrt3A : vector<512xf32> to vector<512x1xf32>
    %mul3A = vector.broadcast %broadcast_in_dim3A : vector<512x1xf32> to vector<512x64xf32>
    %mul3A_15 = arith.mulf %dot_general3A_14, %mul3A : vector<512x64xf32>
    %swap3A = arith.constant 0 : index
    %swap3A_16 = arith.constant 0 : index
    %swap3A_17 = vector.load %arg4[%swap3A, %swap3A_16] : memref<512x64xf32, #tpu.memory_space<vmem>>, vector<512x64xf32>
    tpu.vector_store %arg4[%swap3A, %swap3A_16], %mul3A_15 {strides = array<i32>} : memref<512x64xf32, #tpu.memory_space<vmem>>, vector<512x64xf32>,
    return
  }
  func.func @transform_0(%arg0: i32) -> (i32, i32, i32) {
    %c0_i32 = arith.constant 0 : i32
    %c0_i32_0 = arith.constant 0 : i32
    %c0_i32_1 = arith.constant 0 : i32
    return %c0_i32, %arg0, %c0_i32_0 : i32, i32, i32
  }
  func.func @transform_1(%arg0: i32) -> (i32, i32) {
    %c0_i32 = arith.constant 0 : i32
    %c0_i32_0 = arith.constant 0 : i32
    return %arg0, %c0_i32 : i32, i32
  }
  func.func @transform_2(%arg0: i32) -> (i32, i32) {
    %c0_i32 = arith.constant 0 : i32
    %c0_i32_0 = arith.constant 0 : i32
    %c0_i32_1 = arith.constant 0 : i32
    return %c0_i32, %c0_i32_0 : i32, i32
  }
  func.func @transform_3(%arg0: i32) -> (i32, i32) {
    %c0_i32 = arith.constant 0 : i32
    %c0_i32_0 = arith.constant 0 : i32
    return %arg0, %c0_i32 : i32, i32
  }
}

module attributes {stable_mosaic.version = 14 : i64} {
  func.func @_enc2_body(%arg0: i32, %arg1: memref<2x512x16xf32, #tpu.memory_space<vmem>>, %arg2: memref<2x512x64xf32, #tpu.memory_space<vmem>>, %arg3: memref<512x64xf32, #tpu.memory_space<vmem>>, %arg4: memref<1x64xf32, #tpu.memory_space<vmem>>, %arg5: memref<64x16xf32, #tpu.memory_space<vmem>>, %arg6: memref<512x16xf32, #tpu.memory_space<vmem>>) attributes {dimension_semantics = [#tpu.dimension_semantics<arbitrary>], iteration_bounds = array<i64: 20>, scalar_prefetch = 0 : i64, scratch_operands = 0 : i64, tpu.core_type = #tpu.core_type<tc>, window_params = [{transform_indices = @transform_0, window_bounds = array<i64: 2, 512, 16>}, {transform_indices = @transform_1, window_bounds = array<i64: 2, 512, 64>}, {transform_indices = @transform_2, window_bounds = array<i64: 512, 64>}, {pipeline_mode = #tpu.pipeline_mode<synchronous>, transform_indices = @transform_3, window_bounds = array<i64: 1, 64>}, {pipeline_mode = #tpu.pipeline_mode<synchronous>, transform_indices = @transform_4, window_bounds = array<i64: 64, 16>}, {transform_indices = @transform_5, window_bounds = array<i64: 512, 16>}]} {
    %get3A = arith.constant 0 : index
    %get3A_0 = arith.constant 0 : index
    %get3A_1 = arith.constant 0 : index
    %get3A_2 = vector.load %arg1[%get3A, %get3A_0, %get3A_1] : memref<2x512x16xf32, #tpu.memory_space<vmem>>, vector<2x512x16xf32>
    %slice3A = vector.extract_strided_slice %get3A_2 {offsets = [0, 0, 0], sizes = [1, 512, 1], strides = [1, 1, 1]} : vector<2x512x16xf32> to vector<1x512x1xf32>
    %squeeze3A = vector.shape_cast %slice3A : vector<1x512x1xf32> to vector<512xf32>
    %slice3A_3 = vector.extract_strided_slice %get3A_2 {offsets = [1, 0, 0], sizes = [1, 512, 1], strides = [1, 1, 1]} : vector<2x512x16xf32> to vector<1x512x1xf32>
    %squeeze3A_4 = vector.shape_cast %slice3A_3 : vector<1x512x1xf32> to vector<512xf32>
    %add3A = arith.addf %squeeze3A, %squeeze3A_4 : vector<512xf32>
    %add3A_5 = arith.constant 1.000000e+00 : f32
    %add3A_6 = vector.broadcast %add3A_5 : f32 to vector<512xf32>
    %add3A_7 = arith.addf %add3A, %add3A_6 : vector<512xf32>
    %rsqrt3A = math.rsqrt %add3A_7 : vector<512xf32>
    %get3A_8 = arith.constant 0 : index
    %get3A_9 = arith.constant 0 : index
    %get3A_10 = arith.constant 0 : index
    %get3A_11 = vector.load %arg2[%get3A_8, %get3A_9, %get3A_10] : memref<2x512x64xf32, #tpu.memory_space<vmem>>, vector<1x512x64xf32>
    %get3A_12 = vector.shape_cast %get3A_11 : vector<1x512x64xf32> to vector<512x64xf32>
    %get3A_13 = arith.constant 1 : index
    %get3A_14 = arith.constant 0 : index
    %get3A_15 = arith.constant 0 : index
    %get3A_16 = vector.load %arg2[%get3A_13, %get3A_14, %get3A_15] : memref<2x512x64xf32, #tpu.memory_space<vmem>>, vector<1x512x64xf32>
    %get3A_17 = vector.shape_cast %get3A_16 : vector<1x512x64xf32> to vector<512x64xf32>
    %add3A_18 = arith.addf %get3A_12, %get3A_17 : vector<512x64xf32>
    %get3A_19 = arith.constant 0 : index
    %get3A_20 = arith.constant 0 : index
    %get3A_21 = vector.load %arg3[%get3A_19, %get3A_20] : memref<512x64xf32, #tpu.memory_space<vmem>>, vector<512x64xf32>
    %add3A_22 = arith.addf %add3A_18, %get3A_21 : vector<512x64xf32>
    %broadcast_in_dim3A = vector.shape_cast %rsqrt3A : vector<512xf32> to vector<512x1xf32>
    %mul3A = vector.broadcast %broadcast_in_dim3A : vector<512x1xf32> to vector<512x64xf32>
    %mul3A_23 = arith.mulf %add3A_22, %mul3A : vector<512x64xf32>
    %get3A_24 = arith.constant 0 : index
    %get3A_25 = arith.constant 0 : index
    %get3A_26 = vector.load %arg4[%get3A_24, %get3A_25] : memref<1x64xf32, #tpu.memory_space<vmem>>, vector<1x64xf32>
    %add3A_27 = vector.broadcast %get3A_26 : vector<1x64xf32> to vector<512x64xf32>
    %add3A_28 = arith.addf %mul3A_23, %add3A_27 : vector<512x64xf32>
    %max3A = arith.constant 0.000000e+00 : f32
    %max3A_29 = vector.broadcast %max3A : f32 to vector<512x64xf32>
    %max3A_30 = arith.maximumf %add3A_28, %max3A_29 : vector<512x64xf32>
    %get3A_31 = arith.constant 0 : index
    %get3A_32 = arith.constant 0 : index
    %get3A_33 = vector.load %arg5[%get3A_31, %get3A_32] : memref<64x16xf32, #tpu.memory_space<vmem>>, vector<64x16xf32>
    %dot_general3A = arith.constant dense<0.000000e+00> : vector<512x16xf32>
    %dot_general3A_34 = tpu.matmul %max3A_30, %get3A_33, %dot_general3A {dimension_numbers = #tpu.dot_dimension_numbers<[1], [0], [0], [1], [0, 0, 1, 1], [], []>, transpose_lhs_hint = false} : vector<512x64xf32>, vector<64x16xf32>, vector<512x16xf32> -> vector<512x16xf32>
    %broadcast_in_dim3A_35 = vector.shape_cast %rsqrt3A : vector<512xf32> to vector<512x1xf32>
    %mul3A_36 = vector.broadcast %broadcast_in_dim3A_35 : vector<512x1xf32> to vector<512x16xf32>
    %mul3A_37 = arith.mulf %dot_general3A_34, %mul3A_36 : vector<512x16xf32>
    %swap3A = arith.constant 0 : index
    %swap3A_38 = arith.constant 0 : index
    %swap3A_39 = vector.load %arg6[%swap3A, %swap3A_38] : memref<512x16xf32, #tpu.memory_space<vmem>>, vector<512x16xf32>
    tpu.vector_store %arg6[%swap3A, %swap3A_38], %mul3A_37 {strides = array<i32>} : memref<512x16xf32, #tpu.memory_space<vmem>>, vector<512x16xf32>,
    return
  }
  func.func @transform_0(%arg0: i32) -> (i32, i32, i32) {
    %c0_i32 = arith.constant 0 : i32
    %c0_i32_0 = arith.constant 0 : i32
    %c0_i32_1 = arith.constant 0 : i32
    return %c0_i32, %arg0, %c0_i32_0 : i32, i32, i32
  }
  func.func @transform_1(%arg0: i32) -> (i32, i32, i32) {
    %c0_i32 = arith.constant 0 : i32
    %c0_i32_0 = arith.constant 0 : i32
    %c0_i32_1 = arith.constant 0 : i32
    return %c0_i32, %arg0, %c0_i32_0 : i32, i32, i32
  }
  func.func @transform_2(%arg0: i32) -> (i32, i32) {
    %c0_i32 = arith.constant 0 : i32
    %c0_i32_0 = arith.constant 0 : i32
    return %arg0, %c0_i32 : i32, i32
  }
  func.func @transform_3(%arg0: i32) -> (i32, i32) {
    %c0_i32 = arith.constant 0 : i32
    %c0_i32_0 = arith.constant 0 : i32
    %c0_i32_1 = arith.constant 0 : i32
    return %c0_i32, %c0_i32_0 : i32, i32
  }
  func.func @transform_4(%arg0: i32) -> (i32, i32) {
    %c0_i32 = arith.constant 0 : i32
    %c0_i32_0 = arith.constant 0 : i32
    %c0_i32_1 = arith.constant 0 : i32
    return %c0_i32, %c0_i32_0 : i32, i32
  }
  func.func @transform_5(%arg0: i32) -> (i32, i32) {
    %c0_i32 = arith.constant 0 : i32
    %c0_i32_0 = arith.constant 0 : i32
    return %arg0, %c0_i32 : i32, i32
  }
}

module attributes {stable_mosaic.version = 14 : i64} {
  func.func @_out_body(%arg0: i32, %arg1: memref<2x512x16xf32, #tpu.memory_space<vmem>>, %arg2: memref<2x512x16xf32, #tpu.memory_space<vmem>>, %arg3: memref<512x16xf32, #tpu.memory_space<vmem>>, %arg4: memref<1x16xf32, #tpu.memory_space<vmem>>, %arg5: memref<512x16xf32, #tpu.memory_space<vmem>>) attributes {dimension_semantics = [#tpu.dimension_semantics<arbitrary>], iteration_bounds = array<i64: 20>, scalar_prefetch = 0 : i64, scratch_operands = 0 : i64, tpu.core_type = #tpu.core_type<tc>, window_params = [{transform_indices = @transform_0, window_bounds = array<i64: 2, 512, 16>}, {transform_indices = @transform_1, window_bounds = array<i64: 2, 512, 16>}, {transform_indices = @transform_2, window_bounds = array<i64: 512, 16>}, {pipeline_mode = #tpu.pipeline_mode<synchronous>, transform_indices = @transform_3, window_bounds = array<i64: 1, 16>}, {transform_indices = @transform_4, window_bounds = array<i64: 512, 16>}]} {
    %get3A = arith.constant 0 : index
    %get3A_0 = arith.constant 0 : index
    %get3A_1 = arith.constant 0 : index
    %get3A_2 = vector.load %arg1[%get3A, %get3A_0, %get3A_1] : memref<2x512x16xf32, #tpu.memory_space<vmem>>, vector<2x512x16xf32>
    %slice3A = vector.extract_strided_slice %get3A_2 {offsets = [0, 0, 0], sizes = [1, 512, 1], strides = [1, 1, 1]} : vector<2x512x16xf32> to vector<1x512x1xf32>
    %squeeze3A = vector.shape_cast %slice3A : vector<1x512x1xf32> to vector<512xf32>
    %slice3A_3 = vector.extract_strided_slice %get3A_2 {offsets = [1, 0, 0], sizes = [1, 512, 1], strides = [1, 1, 1]} : vector<2x512x16xf32> to vector<1x512x1xf32>
    %squeeze3A_4 = vector.shape_cast %slice3A_3 : vector<1x512x1xf32> to vector<512xf32>
    %add3A = arith.addf %squeeze3A, %squeeze3A_4 : vector<512xf32>
    %add3A_5 = arith.constant 1.000000e+00 : f32
    %add3A_6 = vector.broadcast %add3A_5 : f32 to vector<512xf32>
    %add3A_7 = arith.addf %add3A, %add3A_6 : vector<512xf32>
    %rsqrt3A = math.rsqrt %add3A_7 : vector<512xf32>
    %get3A_8 = arith.constant 0 : index
    %get3A_9 = arith.constant 0 : index
    %get3A_10 = arith.constant 0 : index
    %get3A_11 = vector.load %arg2[%get3A_8, %get3A_9, %get3A_10] : memref<2x512x16xf32, #tpu.memory_space<vmem>>, vector<1x512x16xf32>
    %get3A_12 = vector.shape_cast %get3A_11 : vector<1x512x16xf32> to vector<512x16xf32>
    %get3A_13 = arith.constant 1 : index
    %get3A_14 = arith.constant 0 : index
    %get3A_15 = arith.constant 0 : index
    %get3A_16 = vector.load %arg2[%get3A_13, %get3A_14, %get3A_15] : memref<2x512x16xf32, #tpu.memory_space<vmem>>, vector<1x512x16xf32>
    %get3A_17 = vector.shape_cast %get3A_16 : vector<1x512x16xf32> to vector<512x16xf32>
    %add3A_18 = arith.addf %get3A_12, %get3A_17 : vector<512x16xf32>
    %get3A_19 = arith.constant 0 : index
    %get3A_20 = arith.constant 0 : index
    %get3A_21 = vector.load %arg3[%get3A_19, %get3A_20] : memref<512x16xf32, #tpu.memory_space<vmem>>, vector<512x16xf32>
    %add3A_22 = arith.addf %add3A_18, %get3A_21 : vector<512x16xf32>
    %broadcast_in_dim3A = vector.shape_cast %rsqrt3A : vector<512xf32> to vector<512x1xf32>
    %mul3A = vector.broadcast %broadcast_in_dim3A : vector<512x1xf32> to vector<512x16xf32>
    %mul3A_23 = arith.mulf %add3A_22, %mul3A : vector<512x16xf32>
    %get3A_24 = arith.constant 0 : index
    %get3A_25 = arith.constant 0 : index
    %get3A_26 = vector.load %arg4[%get3A_24, %get3A_25] : memref<1x16xf32, #tpu.memory_space<vmem>>, vector<1x16xf32>
    %add3A_27 = vector.broadcast %get3A_26 : vector<1x16xf32> to vector<512x16xf32>
    %add3A_28 = arith.addf %mul3A_23, %add3A_27 : vector<512x16xf32>
    %swap3A = arith.constant 0 : index
    %swap3A_29 = arith.constant 0 : index
    %swap3A_30 = vector.load %arg5[%swap3A, %swap3A_29] : memref<512x16xf32, #tpu.memory_space<vmem>>, vector<512x16xf32>
    tpu.vector_store %arg5[%swap3A, %swap3A_29], %add3A_28 {strides = array<i32>} : memref<512x16xf32, #tpu.memory_space<vmem>>, vector<512x16xf32>,
    return
  }
  func.func @transform_0(%arg0: i32) -> (i32, i32, i32) {
    %c0_i32 = arith.constant 0 : i32
    %c0_i32_0 = arith.constant 0 : i32
    %c0_i32_1 = arith.constant 0 : i32
    return %c0_i32, %arg0, %c0_i32_0 : i32, i32, i32
  }
  func.func @transform_1(%arg0: i32) -> (i32, i32, i32) {
    %c0_i32 = arith.constant 0 : i32
    %c0_i32_0 = arith.constant 0 : i32
    %c0_i32_1 = arith.constant 0 : i32
    return %c0_i32, %arg0, %c0_i32_0 : i32, i32, i32
  }
  func.func @transform_2(%arg0: i32) -> (i32, i32) {
    %c0_i32 = arith.constant 0 : i32
    %c0_i32_0 = arith.constant 0 : i32
    return %arg0, %c0_i32 : i32, i32
  }
  func.func @transform_3(%arg0: i32) -> (i32, i32) {
    %c0_i32 = arith.constant 0 : i32
    %c0_i32_0 = arith.constant 0 : i32
    %c0_i32_1 = arith.constant 0 : i32
    return %c0_i32, %c0_i32_0 : i32, i32
  }
  func.func @transform_4(%arg0: i32) -> (i32, i32) {
    %c0_i32 = arith.constant 0 : i32
    %c0_i32_0 = arith.constant 0 : i32
    return %arg0, %c0_i32 : i32, i32
  }
}

</mosaic_0001>

<sc_bundles>
// kernel: kernel.11.cloned.1.call-start
scs
__scs_entry_jumppad:
0x0: {  	(pc) =	sbr.rel $0x88, $3  }
0x1: {  	(tag) =	ssettag $0x0;
	lr =	simm.s32 $0x1  }
0x2: {  	[smem:$0x3F9B] =	sst lr;
	_ =	strace $0xD0000000  }
0x3: {  	_ = 	snop  }
0x4: {  	_ = 	snop  }
0x5: {  	_ = 	snop  }
0x6: {  	_ = 	snop  }
0x7: {  	_ = 	snop  }
__scs_overlays_trampoline_lowered:
0x8: {  	[smem:$0x3FAA] =	sst s0  }
0x9: {  	[smem:$0x3FAB] =	sst s1  }
0xa: {  	[smem:$0x3FAC] =	sst s2  }
0xb: {  	[smem:$0x3FAD] =	sst s3  }
0xc: {  	[smem:$0x3FAE] =	sst s4  }
0xd: {  	[smem:$0x3FAF] =	sst s5  }
0xe: {  	[smem:$0x3FB0] =	sst s6  }
0xf: {  	[smem:$0x3FB1] =	sst s7  }
0x10: {  	[smem:$0x3FB2] =	sst s8  }
0x11: {  	[smem:$0x3FB3] =	sst s9;
	s0 =	simm.s32 @!p0 $0x0  }
0x12: {  	s1 =	sld [smem:$0x3F99];
	s0 =	simm.s32 @p0 $0x1  }
0x13: {  	[smem:$0x3FB4] =	sst s0;
	s0 =	simm.s32 @!p1 $0x0  }
0x14: {  	s2 =	sld [smem:$0x3F98];
	s0 =	simm.s32 @p1 $0x1  }
0x15: {  	[smem:$0x3FB5] =	sst s0;
	s0 =	simm.s32 @!p2 $0x0  }
0x16: {  	s3 =	sld [smem:$0x3FDB];
	s0 =	simm.s32 @p2 $0x1  }
0x17: {  	s4 =	simm.s32 $0x1BF5;
	[smem:$0x3FB7] =	sst s0  }
0x18: {  	s0 =	sld [smem:$0x3F9A];
	_ =	swait.ge [sflag:s4], $0x0  }
0x19: {  	s7 =	sld [smem:$0x3F9B]  }
0x1a: {  	s8 =	sadd.s32 $0xFFFFE003, lr  }
0x1b: {  	s9 =	sadd.s32 $0xFFFFFEF7, lr;
	s5 =	simm.s32 $0xFFFFFFFF;
	p2 =	slt.u32 s8, $0xFFFFF086  }
0x1c: {  	p1 =	slt.u32 s9, $0xF7A;
	s5 =	simm.s32 @!p2 $0x0  }
0x1d: {  	s5 =	simm.s32 @p1 $0x1;
	p0 =	seq.s32 s7, s2  }
0x1e: {  	s7 =	smul.u32 @!p0 $0xF7A, s2;
	p2 =	seq.s32 @!p0 s5, $0x0  }
0x1f: {  	s9 =	smul.u32 $0xF7A, s1;
	s8 =	simm.s32 @!p0 $0x1BF5;
	p2 =	por !p2, p0  }
0x20: {  	[sflag:s8] =	ssyncset.s32 @!p0 $0xFFFFF086;
	s6 =	sadd.s32 @!p0 s3, s7;
	s7 =	simm.s32 @!p0 $0x108  }
0x21: {  	s3 =	sadd.s32 s3, s9;
	s6 =	sadd.s32 @!p0 $0x88, s6;
	s7 =	simm.s32 @p2 $0x1082  }
0x22: {  	[simem:s7], [sflag:s8] =	dma.local @!p0 [hbm:s6], $0xF7A  }
0x23: {  	s9 =	sor.u32 $0xD0000000, s2;
	s6 =	simm.s32 $0x108;
	_ =	swait.ge @!p0 [sflag:s8], $0x0  }
0x24: {  	s3 =	sadd.s32 $0x88, s3;
	s6 =	simm.s32 @!p1 $0x1082;
	[sflag:s4] =	ssyncset.s32 $0xFFFFF086  }
0x25: {  	[simem:s6], [sflag:s4] =	dma.local [hbm:s3], $0xF7A  }
0x26: {  	[smem:$0x3F9B] =	sst s1;
	(tag) =	ssettag s2;
	_ =	strace s9  }
0x27: {  	s1 =	sld [smem:$0x3FAB]  }
0x28: {  	s2 =	sld [smem:$0x3FAC]  }
0x29: {  	s4 =	sld [smem:$0x3FAE]  }
0x2a: {  	p0 =	seq.s32 s5, $0x0;
	s5 =	sld [smem:$0x3FAF]  }
0x2b: {  	s6 =	sld [smem:$0x3FB0]  }
0x2c: {  	s7 =	sld [smem:$0x3FB1]  }
0x2d: {  	s3 =	simm.s32 $0x108;
	s8 =	sld [smem:$0x3FB2]  }
0x2e: {  	s3 =	simm.s32 @!p0 $0x1082;
	s9 =	sld [smem:$0x3FB3]  }
0x2f: {  	lr =	sadd.s32 s0, s3;
	s0 =	sld [smem:$0x3FAA]  }
0x30: {  	s3 =	sld [smem:$0x3FAD]  }
0x31: {  	[smem:$0x3FB6] =	sst s10  }
0x32: {  	s10 =	sld [smem:$0x3FB4];
	_ =	sdelay $0x3  }
0x33: {  	p0 =	seq.s32 s10, $0x1;
	s10 =	sld [smem:$0x3FB6];
	_ =	sdelay $0x3  }
0x34: {  	[smem:$0x3FB6] =	sst s10  }
0x35: {  	s10 =	sld [smem:$0x3FB5];
	_ =	sdelay $0x3  }
0x36: {  	p1 =	seq.s32 s10, $0x1;
	s10 =	sld [smem:$0x3FB6];
	_ =	sdelay $0x3  }
0x37: {  	[smem:$0x3FB6] =	sst s10  }
0x38: {  	s10 =	sld [smem:$0x3FB7]  }
0x39: {  	_ = 	snop;
	(pc) =	sbr.ind lr, $3  }
0x3a: {  	_ = 	snop  }
0x3b: {  	_ = 	snop  }
0x3c: {  	p2 =	seq.s32 s10, $0x1;
	s10 =	sld [smem:$0x3FB6]  }
0x3d: {  	_ =	shalt  }
0x3e: {  	_ =	shalt  }
0x3f: {  	_ =	shalt  }
0x40: {  	_ =	shalt  }
0x41: {  	_ =	shalt  }
0x42: {  	_ =	shalt  }
0x43: {  	_ =	shalt  }
0x44: {  	_ =	shalt  }
0x45: {  	_ =	shalt  }
0x46: {  	_ =	shalt  }
0x47: {  	_ =	shalt  }
0x48: {  	_ =	shalt  }
0x49: {  	_ =	shalt  }
0x4a: {  	_ =	shalt  }
0x4b: {  	_ =	shalt  }
0x4c: {  	_ =	shalt  }
0x4d: {  	_ =	shalt  }
0x4e: {  	_ =	shalt  }
0x4f: {  	_ =	shalt  }
0x50: {  	_ =	shalt  }
0x51: {  	_ =	shalt  }
0x52: {  	_ =	shalt  }
0x53: {  	_ =	shalt  }
0x54: {  	_ =	shalt  }
0x55: {  	_ =	shalt  }
0x56: {  	_ =	shalt  }
0x57: {  	_ =	shalt  }
0x58: {  	_ =	shalt  }
0x59: {  	_ =	shalt  }
0x5a: {  	_ =	shalt  }
0x5b: {  	_ =	shalt  }
0x5c: {  	_ =	shalt  }
0x5d: {  	_ =	shalt  }
0x5e: {  	_ =	shalt  }
0x5f: {  	_ =	shalt  }
0x60: {  	_ =	shalt  }
0x61: {  	_ =	shalt  }
0x62: {  	_ =	shalt  }
0x63: {  	_ =	shalt  }
0x64: {  	_ =	shalt  }
0x65: {  	_ =	shalt  }
0x66: {  	_ =	shalt  }
0x67: {  	_ =	shalt  }
0x68: {  	_ =	shalt  }
0x69: {  	_ =	shalt  }
0x6a: {  	_ =	shalt  }
0x6b: {  	_ =	shalt  }
0x6c: {  	_ =	shalt  }
0x6d: {  	_ =	shalt  }
0x6e: {  	_ =	shalt  }
0x6f: {  	_ =	shalt  }
0x70: {  	_ =	shalt  }
0x71: {  	_ =	shalt  }
0x72: {  	_ =	shalt  }
0x73: {  	_ =	shalt  }
0x74: {  	_ =	shalt  }
0x75: {  	_ =	shalt  }
0x76: {  	_ =	shalt  }
0x77: {  	_ =	shalt  }
0x78: {  	_ =	shalt  }
0x79: {  	_ =	shalt  }
0x7a: {  	_ =	shalt  }
0x7b: {  	_ =	shalt  }
0x7c: {  	_ =	shalt  }
0x7d: {  	_ =	shalt  }
0x7e: {  	_ =	shalt  }
0x7f: {  	_ =	shalt  }
0x80: {  	_ =	shalt  }
0x81: {  	_ =	shalt  }
0x82: {  	_ =	shalt  }
0x83: {  	_ =	shalt  }
0x84: {  	_ =	shalt  }
0x85: {  	_ =	shalt  }
0x86: {  	_ =	shalt  }
0x87: {  	_ =	shalt  }
.Lfunc_end0:
.L_simem_size_0:
called_computation.1_lowered:
.L_overlay_start_0:
0x88: {  	s2 =	sld [smem:$0x3FD9]  }
0x89: {  	s3 =	sld [smem:$0x3FFE];
	_ =	sdelay $0x1  }
0x8a: {  	s1 =	srdreg.scid  }
0x8b: {  	s0 =	sand.u32 $0x1, s1  }
0x8c: {  	s17 =	sshll.u32 s0, $0xA;
	s2 =	sadd.s32 s3, s2  }
0x8d: {  	s2 =	sadd.s32 s2, s17  }
0x8e: {  	[smem:$0x3FC2] =	sst s2  }
0x8f: {  	_ = 	snop  }
0x90: {  	s2 =	sld [smem:$0x3FD0];
	(tm) =	ssettm $0x1  }
0x91: {  	s18 =	sld [smem:$0x3FFB];
	_ =	sdelay $0x3  }
0x92: {  	_ =	strace s18  }
0x93: {  	s3 =	sld [smem:$0x3FFC];
	_ =	sdelay $0x3  }
0x94: {  	_ =	strace s3  }
0x95: {  	s3 =	sld [smem:$0x3FFD];
	_ =	sdelay $0x3  }
0x96: {  	_ =	strace s3  }
0x97: {  	_ =	strace $0x8FFFFFFF  }
0x98: {  	s19 =	sld [smem:$0x3FDB];
	_ =	sdelay $0x1  }
0x99: {  	s4 =	simm.s32 $_scs_section_size  }
0x9a: {  	s5 =	simm.s32 $_size__tile_overlayer_lowered;
	s6 =	simm.s32 $_tile_overlayer_lowered  }
0x9b: {  	s22 =	simm.s32 $0x1BFF;
	s21 =	sshll.u32 s6, $0x1;
	s3 =	sadd.s32 s4, s19  }
0x9c: {  	s7 =	simm.s32 $0x0;
	s20 =	sshll.u32 s5, $0x1;
	s5 =	sadd.s32 s21, s3  }
0x9d: {  	[timem:s7], [sflag:s22] =	dma.local [hbm:s5], s20  }
0x9e: {  	_ =	swait.ge [sflag:s22], s20  }
0x9f: {  	s4 =	ssub.s32 $0x0, s20;
	[sflag:s22] =	ssyncset.done $0x0  }
0xa0: {  	[sflag:s22] =	ssyncadd.s32 s4;
	_ =	sdelay $0x1  }
0xa1: {  	s23 =	simm.s32 $0x1B8B  }
0xa2: {  	_ =	swait.ge [sflag:s23], $0x1  }
0xa3: {  	[sflag:s23] =	ssyncset.done $0x0  }
0xa4: {  	s25 =	simm.s32 $0x1B8E;
	s24 =	sld [smem:$0x3FFE];
	[sflag:s23] =	ssyncadd.s32 $0xFFFFFFFF  }
0xa5: {  	s26 =	simm.s32 $execute0_lowered;
	[smem:$0x3FD2] =	sst s25  }
0xa6: {  	s5 =	sshll.u32 s26, $0x1;
	_ =	strace $0x80000049;
	[dreg:$0x1] =	wrdreg $0xFFFFFFFF  }
0xa7: {  	s28 =	simm.s32 $_size_execute0_lowered;
	s3 =	sadd.s32 s3, s5;
	[dreg:$0x0] =	wrdreg $0x0  }
0xa8: {  	s5 =	sshll.u32 s28, $0x1;
	[dreg:$0x2] =	wrdreg s3  }
0xa9: {  	[dreg:$0x3] =	wrdreg s5  }
0xaa: {  	[dreg:$0x4] =	wrdreg $0xC0  }
0xab: {  	_ =	task [dreg:s7], $0x5FFFF  }
0xac: {  	[dreg:$0x1] =	wrdreg $0xFFFFFFFF  }
0xad: {  	[dreg:$0x0] =	wrdreg $0x60  }
0xae: {  	[dreg:$0x2] =	wrdreg s24  }
0xaf: {  	[dreg:$0x3] =	wrdreg s2  }
0xb0: {  	[dreg:$0x4] =	wrdreg $0x14A000  }
0xb1: {  	[dreg:$0x5] =	wrdreg $0x9  }
0xb2: {  	_ =	task.clear_ibuf [dreg:s7], $0x6FFFF;
	_ =	strace $0x90000049  }
0xb3: {  	s29 =	simm.s32 $0x9;
	_ =	strace $0x8000004B  }
0xb4: {  	_ =	swait.ge [sflag:s29], $0x1  }
0xb5: {  	[sflag:s29] =	ssyncadd.s32 $0xFFFFFFFF  }
0xb6: {  	_ =	strace $0x9000004B  }
0xb7: {  	_ =	sfence  }
0xb8: {  	s30 =	sld [smem:$0x0];
	_ =	sdelay $0x2  }
0xb9: {  	s31 =	sshll.u32 s1, $0xD;
	s1 =	sshrl.u32 s1, $0x2  }
0xba: {  	s3 =	sand.u32 $0x4000, s31;
	s1 =	sadd.s32 s1, s30  }
0xbb: {  	s0 =	sor.u32 s3, s0;
	s1 =	sshll.u32 s1, $0x11  }
0xbc: {  	s0 =	sor.u32 s1, s0  }
0xbd: {  	s0 =	sadd.s32 $0x8F2B, s0  }
0xbe: {  	[sflag:s0] =	ssyncadd.remote.s32 $0x1  }
0xbf: {  	_ =	sfence.sel $0xFFFF  }
0xc0: {  	[dreg:$0x0] =	wrdreg $0xFFFFFFFF;
	(pc) =	sbr.abs _section_cstart, $3  }
0xc1: {  	[dreg:$0x1] =	wrdreg $0xFFFFFFFF  }
0xc2: {  	_ =	task.clear_ibuf [dreg:s7], $0x2FFFF;
	_ =	strace $0x9FFFFFFF  }
0xc3: {  	(tm) =	ssettm $0x7FFFFFFF  }
tec
execute0_lowered:
.L_overlay_start_1:
0x0: {  	(tag) =	ssettag $0x1  }
0x1: {  	s0 =	rddreg [dreg:$0x0]  }
0x2: {  	s3 =	rddreg [dreg:$0x2];
	s1 =	srdreg.scid  }
0x3: {  	s7 =	stileid.u32;
	s5 =	simm.s32 $0x0;
	s14 =	simm.s32 $0x7D  }
0x4: {  	s15 =	simm.s32 $0x5000;
	s17 =	simm.s32 $0xCD00;
	s19 =	simm.s32 $0x6F40  }
0x5: {  	s21 =	simm.s32 $0xEC40;
	s28 =	simm.s32 $0xADC0;
	s30 =	simm.s32 $0x12AC0  }
0x6: {  	s31 =	simm.s32 $0x1;
	s13 =	simm.s32 $0x9;
	s16 =	simm.s32 $0xA  }
0x7: {  	s18 =	simm.s32 $0xB;
	s20 =	simm.s32 $0xC;
	s22 =	simm.s32 $0x5  }
0x8: {  	s29 =	simm.s32 $0x8;
	s8 =	simm.s32 $0xE;
	s9 =	simm.s32 $0xF  }
0x9: {  	s10 =	simm.s32 $0x10;
	s1 =	sand.u32 $0x1, s1;
	s4 =	smul.u32 $0x1400, s7  }
0xa: {  	[smem:$0x7FF] =	sst s5;
	s5 =	sadd.s32 $0x1FA00, s0;
	s23 =	smul.u32 $0x28000, s7  }
0xb: {  	s2 =	sshll.u32 s1, $0x4;
	s6 =	smul.u32 $0x14000, s1;
	s1 =	ssub.s32 $0x2, s1  }
0xc: {  	_ =	strace $0x8000004A;
	s2 =	sor.u32 s7, s2;
	s24 =	sshrl.u32 s1, $0x1  }
0xd: {  	s7 =	sshll.u32 s7, $0x6;
	s2 =	smul.u32 $0x500, s2;
	s4 =	sadd.s32 s4, s6  }
0xe: {  	s6 =	sshrl.u32 s23, $0x2;
	s1 =	ssub.s32 s1, s24;
	s11 =	sor.u32 $0x1C11, s7  }
0xf: {  	s25 =	sadd.s32 s6, s3;
	s6 =	simm.s32 $0x0;
	[dreg:$0x4] =	wrdreg s11  }
0x10: {  	s2 =	sadd.s32 s2, s0;
	s12 =	sshrl.u32 s25, $0x3;
	[dreg:$0xa] =	wrdreg s6  }
0x11: {  	s23 =	simm.s32 $0x8E80;
	s26 =	sadd.s32 $0x15A00, s2;
	[dreg:$0x9] =	wrdreg s12  }
0x12: {  	s0 =	sadd.s32 s4, s0;
	s2 =	sadd.s32 $0x1400, s2;
	[dreg:$0x5] =	wrdreg s26  }
0x13: {  	s24 =	simm.s32 $0x6;
	s0 =	sadd.s32 $0x33A00, s0;
	[dreg:$0x6] =	wrdreg s2  }
0x14: {  	s7 =	simm.s32 $0xD;
	s25 =	simm.s32 $0x10B80;
	[dreg:$0x7] =	wrdreg s0  }
0x15: {  	s2 =	smax.u32 s1, $0x1;
	s0 =	simm.s32 $0x2;
	s1 =	simm.s32 $0x3  }
0x16: {  	s26 =	simm.s32 $0x7;
	[dreg:$0x8] =	wrdreg s2;
	s2 =	simm.s32 $0x4  }
.LBB2_1:
0x17: {  	s4 =	simm.s32 $0x11;
	s6 =	rddreg [dreg:$0x1]  }
0x18: {  	[spmem:s12], [sflag:s11] =	dma.local [hbm:s6], $0x1400  }
0x19: {  	_ =	swait.ge [sflag:s4], $0x1400  }
0x1a: {  	[sflag:s4] =	ssyncset.done $0x0  }
0x1b: {  	s6 =	simm.s32 $0x0;
	s12 =	rddreg [dreg:$0x5];
	[sflag:s4] =	ssyncadd.s32 $0xFFFFEC00  }
0x1c: {  	[tilespmem:s6], [sflag:$0x11] =	stream.linear.gather [hbm4b:s12+s6], $0x2800, $0x38;
	[tilespmem:$0x1EA00] =	vst v63  }
0x1d: {  	_ =	swait.ge [sflag:s4], $0x2800  }
0x1e: {  	[sflag:s4] =	ssyncset.done $0x0  }
0x1f: {  	s12 =	simm.s32 $0x2800;
	s11 =	rddreg [dreg:$0x6];
	[sflag:s4] =	ssyncadd.s32 $0xFFFFD800  }
0x20: {  	[tilespmem:s12], [sflag:$0x11] =	stream.linear.gather [hbm4b:s11+s6], $0x2800, $0x38;
	[tilespmem:$0x1EA00] =	vst v63  }
0x21: {  	_ =	swait.ge [sflag:s4], $0x2800  }
0x22: {  	[sflag:s4] =	ssyncset.done $0x0  }
0x23: {  	[sflag:s4] =	ssyncadd.s32 $0xFFFFD800  }
0x24: {  	[bflag:$0x0] =	sbarrier.arrive $0xFFFF  }
0x25: {  	[tilespmem:s15], [sflag:$0x1] =	stream.indirect.gather [hbm4b:s5+s14], $0x40, s6, s14, $0xb8;
	[tilespmem:$0x1EA00] =	vst v63  }
0x26: {  	s12 =	simm.s32 $0x200  }
0x27: {  	[tilespmem:s17], [sflag:$0x5] =	stream.indirect.gather [hbm4b:s5+s14], $0x40, s12, s14, $0xb8;
	[tilespmem:$0x1EA00] =	vst v63  }
0x28: {  	s6 =	simm.s32 $0x80  }
0x29: {  	[tilespmem:s19], [sflag:$0x2] =	stream.indirect.gather [hbm4b:s5+s14], $0x40, s6, s14, $0xb8;
	[tilespmem:$0x1EA00] =	vst v63  }
0x2a: {  	s11 =	simm.s32 $0x280  }
0x2b: {  	[tilespmem:s21], [sflag:$0x6] =	stream.indirect.gather [hbm4b:s5+s14], $0x40, s11, s14, $0xb8;
	[tilespmem:$0x1EA00] =	vst v63  }
0x2c: {  	s12 =	simm.s32 $0x100  }
0x2d: {  	[tilespmem:s23], [sflag:$0x3] =	stream.indirect.gather [hbm4b:s5+s14], $0x40, s12, s14, $0xb8;
	[tilespmem:$0x1EA00] =	vst v63  }
0x2e: {  	s6 =	simm.s32 $0x300  }
0x2f: {  	[tilespmem:s25], [sflag:$0x7] =	stream.indirect.gather [hbm4b:s5+s14], $0x40, s6, s14, $0xb8;
	[tilespmem:$0x1EA00] =	vst v63  }
0x30: {  	s11 =	simm.s32 $0x180  }
0x31: {  	[tilespmem:s28], [sflag:$0x4] =	stream.indirect.gather [hbm4b:s5+s14], $0x40, s11, s14, $0xb8;
	[tilespmem:$0x1EA00] =	vst v63  }
0x32: {  	s12 =	simm.s32 $0x380  }
0x33: {  	[tilespmem:s30], [sflag:$0x8] =	stream.indirect.gather [hbm4b:s5+s14], $0x40, s12, s14, $0xb8;
	[tilespmem:$0x1EA00] =	vst v63  }
0x34: {  	_ =	swait.ge [sflag:s31], $0x1F40  }
0x35: {  	[sflag:s31] =	ssyncset.done $0x0  }
0x36: {  	s4 =	simm.s32 $0x2800;
	[sflag:s31] =	ssyncadd.s32 $0xFFFFE0C0  }
0x37: {  	[spmem:s3] =	stream.indirect.scatter.add.f32 [tilespmem:s15], [sflag:$0x9], $0x40, s4, s14, $0xb8;
	[tilespmem:$0x1EA00] =	vst v63  }
0x38: {  	_ =	swait.ge [sflag:s0], $0x1F40  }
0x39: {  	[sflag:s0] =	ssyncset.done $0x0  }
0x3a: {  	s11 =	simm.s32 $0x2880;
	[sflag:s0] =	ssyncadd.s32 $0xFFFFE0C0  }
0x3b: {  	[spmem:s3] =	stream.indirect.scatter.add.f32 [tilespmem:s19], [sflag:$0xA], $0x40, s11, s14, $0xb8;
	[tilespmem:$0x1EA00] =	vst v63  }
0x3c: {  	_ =	swait.ge [sflag:s1], $0x1F40  }
0x3d: {  	[sflag:s1] =	ssyncset.done $0x0  }
0x3e: {  	s12 =	simm.s32 $0x2900;
	[sflag:s1] =	ssyncadd.s32 $0xFFFFE0C0  }
0x3f: {  	[spmem:s3] =	stream.indirect.scatter.add.f32 [tilespmem:s23], [sflag:$0xB], $0x40, s12, s14, $0xb8;
	[tilespmem:$0x1EA00] =	vst v63  }
0x40: {  	_ =	swait.ge [sflag:s2], $0x1F40  }
0x41: {  	[sflag:s2] =	ssyncset.done $0x0  }
0x42: {  	s4 =	simm.s32 $0x2980;
	[sflag:s2] =	ssyncadd.s32 $0xFFFFE0C0  }
0x43: {  	[spmem:s3] =	stream.indirect.scatter.add.f32 [tilespmem:s28], [sflag:$0xC], $0x40, s4, s14, $0xb8;
	[tilespmem:$0x1EA00] =	vst v63  }
0x44: {  	_ =	swait.ge [sflag:s13], $0x1F40  }
0x45: {  	[sflag:s13] =	ssyncset.done $0x0  }
0x46: {  	s11 =	simm.s32 $0x400;
	[sflag:s13] =	ssyncadd.s32 $0xFFFFE0C0  }
0x47: {  	[tilespmem:s15], [sflag:$0x1] =	stream.indirect.gather [hbm4b:s5+s14], $0x40, s11, s14, $0xb8;
	[tilespmem:$0x1EA00] =	vst v63  }
0x48: {  	_ =	swait.ge [sflag:s16], $0x1F40  }
0x49: {  	[sflag:s16] =	ssyncset.done $0x0  }
0x4a: {  	s12 =	simm.s32 $0x480;
	[sflag:s16] =	ssyncadd.s32 $0xFFFFE0C0  }
0x4b: {  	[tilespmem:s19], [sflag:$0x2] =	stream.indirect.gather [hbm4b:s5+s14], $0x40, s12, s14, $0xb8;
	[tilespmem:$0x1EA00] =	vst v63  }
0x4c: {  	_ =	swait.ge [sflag:s18], $0x1F40  }
0x4d: {  	[sflag:s18] =	ssyncset.done $0x0  }
0x4e: {  	s4 =	simm.s32 $0x500;
	[sflag:s18] =	ssyncadd.s32 $0xFFFFE0C0  }
0x4f: {  	[tilespmem:s23], [sflag:$0x3] =	stream.indirect.gather [hbm4b:s5+s14], $0x40, s4, s14, $0xb8;
	[tilespmem:$0x1EA00] =	vst v63  }
0x50: {  	_ =	swait.ge [sflag:s20], $0x1F40  }
0x51: {  	[sflag:s20] =	ssyncset.done $0x0  }
0x52: {  	s11 =	simm.s32 $0x580;
	[sflag:s20] =	ssyncadd.s32 $0xFFFFE0C0  }
0x53: {  	[tilespmem:s28], [sflag:$0x4] =	stream.indirect.gather [hbm4b:s5+s14], $0x40, s11, s14, $0xb8;
	[tilespmem:$0x1EA00] =	vst v63  }
0x54: {  	_ =	swait.ge [sflag:s22], $0x1F40  }
0x55: {  	[sflag:s22] =	ssyncset.done $0x0  }
0x56: {  	s12 =	simm.s32 $0x2A00;
	[sflag:s22] =	ssyncadd.s32 $0xFFFFE0C0  }
0x57: {  	[spmem:s3] =	stream.indirect.scatter.add.f32 [tilespmem:s17], [sflag:$0xD], $0x40, s12, s14, $0xb8;
	[tilespmem:$0x1EA00] =	vst v63  }
0x58: {  	_ =	swait.ge [sflag:s24], $0x1F40  }
0x59: {  	[sflag:s24] =	ssyncset.done $0x0  }
0x5a: {  	s4 =	simm.s32 $0x2A80;
	[sflag:s24] =	ssyncadd.s32 $0xFFFFE0C0  }
0x5b: {  	[spmem:s3] =	stream.indirect.scatter.add.f32 [tilespmem:s21], [sflag:$0xE], $0x40, s4, s14, $0xb8;
	[tilespmem:$0x1EA00] =	vst v63  }
0x5c: {  	_ =	swait.ge [sflag:s26], $0x1F40  }
0x5d: {  	[sflag:s26] =	ssyncset.done $0x0  }
0x5e: {  	s11 =	simm.s32 $0x2B00;
	[sflag:s26] =	ssyncadd.s32 $0xFFFFE0C0  }
0x5f: {  	[spmem:s3] =	stream.indirect.scatter.add.f32 [tilespmem:s25], [sflag:$0xF], $0x40, s11, s14, $0xb8;
	[tilespmem:$0x1EA00] =	vst v63  }
0x60: {  	_ =	swait.ge [sflag:s29], $0x1F40  }
0x61: {  	[sflag:s29] =	ssyncset.done $0x0  }
0x62: {  	s12 =	simm.s32 $0x2B80;
	[sflag:s29] =	ssyncadd.s32 $0xFFFFE0C0  }
0x63: {  	[spmem:s3] =	stream.indirect.scatter.add.f32 [tilespmem:s30], [sflag:$0x10], $0x40, s12, s14, $0xb8;
	[tilespmem:$0x1EA00] =	vst v63  }
0x64: {  	_ =	swait.ge [sflag:s7], $0x1F40  }
0x65: {  	[sflag:s7] =	ssyncset.done $0x0  }
0x66: {  	s4 =	simm.s32 $0x600;
	[sflag:s7] =	ssyncadd.s32 $0xFFFFE0C0  }
0x67: {  	[tilespmem:s17], [sflag:$0x5] =	stream.indirect.gather [hbm4b:s5+s14], $0x40, s4, s14, $0xb8;
	[tilespmem:$0x1EA00] =	vst v63  }
0x68: {  	_ =	swait.ge [sflag:s8], $0x1F40  }
0x69: {  	[sflag:s8] =	ssyncset.done $0x0  }
0x6a: {  	s11 =	simm.s32 $0x680;
	[sflag:s8] =	ssyncadd.s32 $0xFFFFE0C0  }
0x6b: {  	[tilespmem:s21], [sflag:$0x6] =	stream.indirect.gather [hbm4b:s5+s14], $0x40, s11, s14, $0xb8;
	[tilespmem:$0x1EA00] =	vst v63  }
0x6c: {  	_ =	swait.ge [sflag:s9], $0x1F40  }
0x6d: {  	[sflag:s9] =	ssyncset.done $0x0  }
0x6e: {  	s12 =	simm.s32 $0x700;
	[sflag:s9] =	ssyncadd.s32 $0xFFFFE0C0  }
0x6f: {  	[tilespmem:s25], [sflag:$0x7] =	stream.indirect.gather [hbm4b:s5+s14], $0x40, s12, s14, $0xb8;
	[tilespmem:$0x1EA00] =	vst v63  }
0x70: {  	_ =	swait.ge [sflag:s10], $0x1F40  }
0x71: {  	[sflag:s10] =	ssyncset.done $0x0  }
0x72: {  	s6 =	simm.s32 $0x1000;
	s11 =	simm.s32 $0x780;
	[sflag:s10] =	ssyncadd.s32 $0xFFFFE0C0  }
.LBB2_2:
0x73: {  	[tilespmem:s30], [sflag:$0x8] =	stream.indirect.gather [hbm4b:s5+s14], $0x40, s11, s14, $0xb8;
	[tilespmem:$0x1EA00] =	vst v63  }
0x74: {  	s11 =	smov.u32 s6  }
0x75: {  	p0 =	sne.s32 s6, $0x8000;
	s6 =	sadd.s32 $0x1000, s6;
	_ =	swait.ge [sflag:s31], $0x1F40  }
0x76: {  	s11 =	sshra.s32 s11, $0x2;
	[sflag:s31] =	ssyncset.done $0x0  }
0x77: {  	s12 =	sadd.s32 $0x2800, s11;
	[sflag:s31] =	ssyncadd.s32 $0xFFFFE0C0  }
0x78: {  	[spmem:s3] =	stream.indirect.scatter.add.f32 [tilespmem:s15], [sflag:$0x9], $0x40, s12, s14, $0xb8;
	[tilespmem:$0x1EA00] =	vst v63  }
0x79: {  	_ =	swait.ge [sflag:s0], $0x1F40  }
0x7a: {  	[sflag:s0] =	ssyncset.done $0x0  }
0x7b: {  	s12 =	sadd.s32 $0x2880, s11;
	[sflag:s0] =	ssyncadd.s32 $0xFFFFE0C0  }
0x7c: {  	[spmem:s3] =	stream.indirect.scatter.add.f32 [tilespmem:s19], [sflag:$0xA], $0x40, s12, s14, $0xb8;
	[tilespmem:$0x1EA00] =	vst v63  }
0x7d: {  	_ =	swait.ge [sflag:s1], $0x1F40  }
0x7e: {  	[sflag:s1] =	ssyncset.done $0x0  }
0x7f: {  	s12 =	sadd.s32 $0x2900, s11;
	[sflag:s1] =	ssyncadd.s32 $0xFFFFE0C0  }
0x80: {  	[spmem:s3] =	stream.indirect.scatter.add.f32 [tilespmem:s23], [sflag:$0xB], $0x40, s12, s14, $0xb8;
	[tilespmem:$0x1EA00] =	vst v63  }
0x81: {  	_ =	swait.ge [sflag:s2], $0x1F40  }
0x82: {  	[sflag:s2] =	ssyncset.done $0x0  }
0x83: {  	s12 =	sadd.s32 $0x2980, s11;
	[sflag:s2] =	ssyncadd.s32 $0xFFFFE0C0  }
0x84: {  	[spmem:s3] =	stream.indirect.scatter.add.f32 [tilespmem:s28], [sflag:$0xC], $0x40, s12, s14, $0xb8;
	[tilespmem:$0x1EA00] =	vst v63  }
0x85: {  	_ =	swait.ge [sflag:s13], $0x1F40  }
0x86: {  	[sflag:s13] =	ssyncset.done $0x0  }
0x87: {  	s12 =	sadd.s32 $0x400, s11;
	[sflag:s13] =	ssyncadd.s32 $0xFFFFE0C0  }
0x88: {  	[tilespmem:s15], [sflag:$0x1] =	stream.indirect.gather [hbm4b:s5+s14], $0x40, s12, s14, $0xb8;
	[tilespmem:$0x1EA00] =	vst v63  }
0x89: {  	_ =	swait.ge [sflag:s16], $0x1F40  }
0x8a: {  	[sflag:s16] =	ssyncset.done $0x0  }
0x8b: {  	s12 =	sadd.s32 $0x480, s11;
	[sflag:s16] =	ssyncadd.s32 $0xFFFFE0C0  }
0x8c: {  	[tilespmem:s19], [sflag:$0x2] =	stream.indirect.gather [hbm4b:s5+s14], $0x40, s12, s14, $0xb8;
	[tilespmem:$0x1EA00] =	vst v63  }
0x8d: {  	_ =	swait.ge [sflag:s18], $0x1F40  }
0x8e: {  	[sflag:s18] =	ssyncset.done $0x0  }
0x8f: {  	s12 =	sadd.s32 $0x500, s11;
	[sflag:s18] =	ssyncadd.s32 $0xFFFFE0C0  }
0x90: {  	[tilespmem:s23], [sflag:$0x3] =	stream.indirect.gather [hbm4b:s5+s14], $0x40, s12, s14, $0xb8;
	[tilespmem:$0x1EA00] =	vst v63  }
0x91: {  	_ =	swait.ge [sflag:s20], $0x1F40  }
0x92: {  	[sflag:s20] =	ssyncset.done $0x0  }
0x93: {  	s12 =	sadd.s32 $0x580, s11;
	[sflag:s20] =	ssyncadd.s32 $0xFFFFE0C0  }
0x94: {  	[tilespmem:s28], [sflag:$0x4] =	stream.indirect.gather [hbm4b:s5+s14], $0x40, s12, s14, $0xb8;
	[tilespmem:$0x1EA00] =	vst v63  }
0x95: {  	_ =	swait.ge [sflag:s22], $0x1F40  }
0x96: {  	[sflag:s22] =	ssyncset.done $0x0  }
0x97: {  	s12 =	sadd.s32 $0x2A00, s11;
	[sflag:s22] =	ssyncadd.s32 $0xFFFFE0C0  }
0x98: {  	[spmem:s3] =	stream.indirect.scatter.add.f32 [tilespmem:s17], [sflag:$0xD], $0x40, s12, s14, $0xb8;
	[tilespmem:$0x1EA00] =	vst v63  }
0x99: {  	_ =	swait.ge [sflag:s24], $0x1F40  }
0x9a: {  	[sflag:s24] =	ssyncset.done $0x0  }
0x9b: {  	s12 =	sadd.s32 $0x2A80, s11;
	[sflag:s24] =	ssyncadd.s32 $0xFFFFE0C0  }
0x9c: {  	[spmem:s3] =	stream.indirect.scatter.add.f32 [tilespmem:s21], [sflag:$0xE], $0x40, s12, s14, $0xb8;
	[tilespmem:$0x1EA00] =	vst v63  }
0x9d: {  	_ =	swait.ge [sflag:s26], $0x1F40  }
0x9e: {  	[sflag:s26] =	ssyncset.done $0x0  }
0x9f: {  	s12 =	sadd.s32 $0x2B00, s11;
	[sflag:s26] =	ssyncadd.s32 $0xFFFFE0C0  }
0xa0: {  	[spmem:s3] =	stream.indirect.scatter.add.f32 [tilespmem:s25], [sflag:$0xF], $0x40, s12, s14, $0xb8;
	[tilespmem:$0x1EA00] =	vst v63  }
0xa1: {  	_ =	swait.ge [sflag:s29], $0x1F40  }
0xa2: {  	[sflag:s29] =	ssyncset.done $0x0  }
0xa3: {  	s12 =	sadd.s32 $0x2B80, s11;
	[sflag:s29] =	ssyncadd.s32 $0xFFFFE0C0  }
0xa4: {  	[spmem:s3] =	stream.indirect.scatter.add.f32 [tilespmem:s30], [sflag:$0x10], $0x40, s12, s14, $0xb8;
	[tilespmem:$0x1EA00] =	vst v63  }
0xa5: {  	_ =	swait.ge [sflag:s7], $0x1F40  }
0xa6: {  	[sflag:s7] =	ssyncset.done $0x0  }
0xa7: {  	s12 =	sadd.s32 $0x600, s11;
	[sflag:s7] =	ssyncadd.s32 $0xFFFFE0C0  }
0xa8: {  	[tilespmem:s17], [sflag:$0x5] =	stream.indirect.gather [hbm4b:s5+s14], $0x40, s12, s14, $0xb8;
	[tilespmem:$0x1EA00] =	vst v63  }
0xa9: {  	_ =	swait.ge [sflag:s8], $0x1F40  }
0xaa: {  	[sflag:s8] =	ssyncset.done $0x0  }
0xab: {  	s12 =	sadd.s32 $0x680, s11;
	[sflag:s8] =	ssyncadd.s32 $0xFFFFE0C0  }
0xac: {  	[tilespmem:s21], [sflag:$0x6] =	stream.indirect.gather [hbm4b:s5+s14], $0x40, s12, s14, $0xb8;
	[tilespmem:$0x1EA00] =	vst v63  }
0xad: {  	_ =	swait.ge [sflag:s9], $0x1F40  }
0xae: {  	[sflag:s9] =	ssyncset.done $0x0  }
.Ltmp0:
0xaf: {  	s12 =	sadd.s32 $0x700, s11;
	[sflag:s9] =	ssyncadd.s32 $0xFFFFE0C0;
	(pc) =	sbr.rel @p0 .LBB2_2-.Ltmp0, $4  }
0xb0: {  	[tilespmem:s25], [sflag:$0x7] =	stream.indirect.gather [hbm4b:s5+s14], $0x40, s12, s14, $0xb8;
	[tilespmem:$0x1EA00] =	vst v63  }
0xb1: {  	_ =	swait.ge [sflag:s10], $0x1F40  }
0xb2: {  	[sflag:s10] =	ssyncset.done $0x0  }
0xb3: {  	s11 =	sadd.s32 $0x780, s11;
	[sflag:s10] =	ssyncadd.s32 $0xFFFFE0C0  }
0xb4: {  	[tilespmem:s30], [sflag:$0x8] =	stream.indirect.gather [hbm4b:s5+s14], $0x40, s11, s14, $0xb8;
	[tilespmem:$0x1EA00] =	vst v63  }
0xb5: {  	_ =	swait.ge [sflag:s31], $0x1F40  }
0xb6: {  	[sflag:s31] =	ssyncset.done $0x0  }
0xb7: {  	s4 =	simm.s32 $0x4C00;
	[sflag:s31] =	ssyncadd.s32 $0xFFFFE0C0  }
0xb8: {  	[spmem:s3] =	stream.indirect.scatter.add.f32 [tilespmem:s15], [sflag:$0x9], $0x40, s4, s14, $0xb8;
	[tilespmem:$0x1EA00] =	vst v63  }
0xb9: {  	_ =	swait.ge [sflag:s0], $0x1F40  }
0xba: {  	[sflag:s0] =	ssyncset.done $0x0  }
0xbb: {  	s12 =	simm.s32 $0x4C80;
	[sflag:s0] =	ssyncadd.s32 $0xFFFFE0C0  }
0xbc: {  	[spmem:s3] =	stream.indirect.scatter.add.f32 [tilespmem:s19], [sflag:$0xA], $0x40, s12, s14, $0xb8;
	[tilespmem:$0x1EA00] =	vst v63  }
0xbd: {  	_ =	swait.ge [sflag:s1], $0x1F40  }
0xbe: {  	[sflag:s1] =	ssyncset.done $0x0  }
0xbf: {  	s6 =	simm.s32 $0x4D00;
	[sflag:s1] =	ssyncadd.s32 $0xFFFFE0C0  }
0xc0: {  	[spmem:s3] =	stream.indirect.scatter.add.f32 [tilespmem:s23], [sflag:$0xB], $0x40, s6, s14, $0xb8;
	[tilespmem:$0x1EA00] =	vst v63  }
0xc1: {  	_ =	swait.ge [sflag:s2], $0x1F40  }
0xc2: {  	[sflag:s2] =	ssyncset.done $0x0  }
0xc3: {  	s11 =	simm.s32 $0x4D80;
	[sflag:s2] =	ssyncadd.s32 $0xFFFFE0C0  }
0xc4: {  	[spmem:s3] =	stream.indirect.scatter.add.f32 [tilespmem:s28], [sflag:$0xC], $0x40, s11, s14, $0xb8;
	[tilespmem:$0x1EA00] =	vst v63  }
0xc5: {  	_ =	swait.ge [sflag:s22], $0x1F40  }
0xc6: {  	[sflag:s22] =	ssyncset.done $0x0  }
0xc7: {  	s12 =	simm.s32 $0x4E00;
	[sflag:s22] =	ssyncadd.s32 $0xFFFFE0C0  }
0xc8: {  	[spmem:s3] =	stream.indirect.scatter.add.f32 [tilespmem:s17], [sflag:$0xD], $0x40, s12, s14, $0xb8;
	[tilespmem:$0x1EA00] =	vst v63  }
0xc9: {  	_ =	swait.ge [sflag:s24], $0x1F40  }
0xca: {  	[sflag:s24] =	ssyncset.done $0x0  }
0xcb: {  	s6 =	simm.s32 $0x4E80;
	[sflag:s24] =	ssyncadd.s32 $0xFFFFE0C0  }
0xcc: {  	[spmem:s3] =	stream.indirect.scatter.add.f32 [tilespmem:s21], [sflag:$0xE], $0x40, s6, s14, $0xb8;
	[tilespmem:$0x1EA00] =	vst v63  }
0xcd: {  	_ =	swait.ge [sflag:s26], $0x1F40  }
0xce: {  	[sflag:s26] =	ssyncset.done $0x0  }
0xcf: {  	s11 =	simm.s32 $0x4F00;
	[sflag:s26] =	ssyncadd.s32 $0xFFFFE0C0  }
0xd0: {  	[spmem:s3] =	stream.indirect.scatter.add.f32 [tilespmem:s25], [sflag:$0xF], $0x40, s11, s14, $0xb8;
	[tilespmem:$0x1EA00] =	vst v63  }
0xd1: {  	_ =	swait.ge [sflag:s29], $0x1F40  }
0xd2: {  	[sflag:s29] =	ssyncset.done $0x0  }
0xd3: {  	s12 =	simm.s32 $0x4F80;
	[sflag:s29] =	ssyncadd.s32 $0xFFFFE0C0  }
0xd4: {  	[spmem:s3] =	stream.indirect.scatter.add.f32 [tilespmem:s30], [sflag:$0x10], $0x40, s12, s14, $0xb8;
	[tilespmem:$0x1EA00] =	vst v63  }
0xd5: {  	_ =	swait.ge [sflag:s13], $0x1F40  }
0xd6: {  	[sflag:s13] =	ssyncset.done $0x0  }
0xd7: {  	[sflag:s13] =	ssyncadd.s32 $0xFFFFE0C0  }
0xd8: {  	_ =	swait.ge [sflag:s16], $0x1F40  }
0xd9: {  	[sflag:s16] =	ssyncset.done $0x0  }
0xda: {  	[sflag:s16] =	ssyncadd.s32 $0xFFFFE0C0  }
0xdb: {  	_ =	swait.ge [sflag:s18], $0x1F40  }
0xdc: {  	[sflag:s18] =	ssyncset.done $0x0  }
0xdd: {  	[sflag:s18] =	ssyncadd.s32 $0xFFFFE0C0  }
0xde: {  	_ =	swait.ge [sflag:s20], $0x1F40  }
0xdf: {  	[sflag:s20] =	ssyncset.done $0x0  }
0xe0: {  	[sflag:s20] =	ssyncadd.s32 $0xFFFFE0C0  }
0xe1: {  	_ =	swait.ge [sflag:s7], $0x1F40  }
0xe2: {  	[sflag:s7] =	ssyncset.done $0x0  }
0xe3: {  	[sflag:s7] =	ssyncadd.s32 $0xFFFFE0C0  }
0xe4: {  	_ =	swait.ge [sflag:s8], $0x1F40  }
0xe5: {  	[sflag:s8] =	ssyncset.done $0x0  }
0xe6: {  	[sflag:s8] =	ssyncadd.s32 $0xFFFFE0C0  }
0xe7: {  	_ =	swait.ge [sflag:s9], $0x1F40  }
0xe8: {  	[sflag:s9] =	ssyncset.done $0x0  }
0xe9: {  	[sflag:s9] =	ssyncadd.s32 $0xFFFFE0C0  }
0xea: {  	_ =	swait.ge [sflag:s10], $0x1F40  }
0xeb: {  	[sflag:s10] =	ssyncset.done $0x0  }
0xec: {  	[sflag:s10] =	ssyncadd.s32 $0xFFFFE0C0  }
0xed: {  	[bflag:$0x0] =	sbarrier.arrive $0xFFFF  }
0xee: {  	s11 =	rddreg [dreg:$0x4]  }
0xef: {  	s6 =	rddreg [dreg:$0x7]  }
0xf0: {  	s12 =	rddreg [dreg:$0x9]  }
0xf1: {  	[hbm:s6], [sflag:s11] =	dma.local [spmem:s12], $0x1400  }
0xf2: {  	s6 =	simm.s32 $0x11  }
0xf3: {  	_ =	swait.ge [sflag:s6], $0x1400  }
0xf4: {  	s4 =	rddreg [dreg:$0xa]  }
0xf5: {  	[sflag:s6] =	ssyncset.done $0x0;
	s6 =	rddreg [dreg:$0x8];
	s4 =	sadd.s32 $0x1, s4  }
0xf6: {  	p0 =	sne.s32 s4, s6  }
.Ltmp1:
0xf7: {  	_ = 	snop;
	(pc) =	sbr.rel @p0 .LBB2_1-.Ltmp1, $3  }
0xf8: {  	_ =	sdelay $0x1  }
0xf9: {  	s6 =	simm.s32 $0x11  }
0xfa: {  	[dreg:$0xa] =	wrdreg s4;
	[sflag:s6] =	ssyncadd.s32 $0xFFFFEC00  }
0xfb: {  	_ =	sfence.sel $0x180000  }
0xfc: {  	[bflag:$0x0] =	sbarrier.arrive $0xFFFF  }
0xfd: {  	_ =	strace $0x9000004A  }
0xfe: {  	s0 =	stileid.u32;
	[bflag:$0x2] =	sbarrier.arrive $0xFFFF  }
0xff: {  	p0 =	sne.s32 s0, $0x0;
	s0 =	rddreg [dreg:$0x3]  }
0x100: {  	s0 =	sadd.s32 @!p0 $0x100000, s0  }
0x101: {  	[sflag:s0] =	ssyncadd.tile.s32 @!p0 $0x1;
	_ =	shalt  }
.Lfunc_end2:
_tile_overlayer_lowered:
.L_overlay_start_2:
0x102: {  	(tag) =	ssettag $0x2  }
0x103: {  	s0 =	rddreg [dreg:$0x0];
	s2 =	stileid.u32  }
0x104: {  	s1 =	rddreg [dreg:$0x1];
	p0 =	sne.s32 s2, $0x0  }
0x105: {  	s3 =	rddreg [dreg:$0x2];
	[bflag:$0x3] =	sbarrier.arrive $0xFFFF;
	s2 =	simm.s32 @!p0 $0x1C11  }
0x106: {  	[timem:s3], [sflag:s2] =	dma.local @!p0 [hbm:s0], s1  }
0x107: {  	s0 =	simm.s32 @!p0 $0x11  }
0x108: {  	_ =	swait.ge @!p0 [sflag:s0], s1  }
0x109: {  	s1 =	ssub.s32 @!p0 $0x0, s1;
	[sflag:s0] =	ssyncset.done @!p0 $0x0  }
0x10a: {  	[sflag:s0] =	ssyncadd.s32 @!p0 s1  }
0x10b: {  	[bflag:$0x3] =	sbarrier.arrive $0xFFFF  }
0x10c: {  	_ =	shalt  }

// kernel: kernel.14.cloned.1.call-start
scs
__scs_entry_jumppad:
0x0: {  	(pc) =	sbr.rel $0x88, $3  }
0x1: {  	(tag) =	ssettag $0x0;
	lr =	simm.s32 $0x1  }
0x2: {  	[smem:$0x3F9B] =	sst lr;
	_ =	strace $0xD0000000  }
0x3: {  	_ = 	snop  }
0x4: {  	_ = 	snop  }
0x5: {  	_ = 	snop  }
0x6: {  	_ = 	snop  }
0x7: {  	_ = 	snop  }
__scs_overlays_trampoline_lowered:
0x8: {  	[smem:$0x3FAA] =	sst s0  }
0x9: {  	[smem:$0x3FAB] =	sst s1  }
0xa: {  	[smem:$0x3FAC] =	sst s2  }
0xb: {  	[smem:$0x3FAD] =	sst s3  }
0xc: {  	[smem:$0x3FAE] =	sst s4  }
0xd: {  	[smem:$0x3FAF] =	sst s5  }
0xe: {  	[smem:$0x3FB0] =	sst s6  }
0xf: {  	[smem:$0x3FB1] =	sst s7  }
0x10: {  	[smem:$0x3FB2] =	sst s8  }
0x11: {  	[smem:$0x3FB3] =	sst s9;
	s0 =	simm.s32 @!p0 $0x0  }
0x12: {  	s1 =	sld [smem:$0x3F99];
	s0 =	simm.s32 @p0 $0x1  }
0x13: {  	[smem:$0x3FB4] =	sst s0;
	s0 =	simm.s32 @!p1 $0x0  }
0x14: {  	s2 =	sld [smem:$0x3F98];
	s0 =	simm.s32 @p1 $0x1  }
0x15: {  	[smem:$0x3FB5] =	sst s0;
	s0 =	simm.s32 @!p2 $0x0  }
0x16: {  	s3 =	sld [smem:$0x3FDB];
	s0 =	simm.s32 @p2 $0x1  }
0x17: {  	s4 =	simm.s32 $0x1BF5;
	[smem:$0x3FB7] =	sst s0  }
0x18: {  	s0 =	sld [smem:$0x3F9A];
	_ =	swait.ge [sflag:s4], $0x0  }
0x19: {  	s7 =	sld [smem:$0x3F9B]  }
0x1a: {  	s8 =	sadd.s32 $0xFFFFE003, lr  }
0x1b: {  	s9 =	sadd.s32 $0xFFFFFEF7, lr;
	s5 =	simm.s32 $0xFFFFFFFF;
	p2 =	slt.u32 s8, $0xFFFFF086  }
0x1c: {  	p1 =	slt.u32 s9, $0xF7A;
	s5 =	simm.s32 @!p2 $0x0  }
0x1d: {  	s5 =	simm.s32 @p1 $0x1;
	p0 =	seq.s32 s7, s2  }
0x1e: {  	s7 =	smul.u32 @!p0 $0xF7A, s2;
	p2 =	seq.s32 @!p0 s5, $0x0  }
0x1f: {  	s9 =	smul.u32 $0xF7A, s1;
	s8 =	simm.s32 @!p0 $0x1BF5;
	p2 =	por !p2, p0  }
0x20: {  	[sflag:s8] =	ssyncset.s32 @!p0 $0xFFFFF086;
	s6 =	sadd.s32 @!p0 s3, s7;
	s7 =	simm.s32 @!p0 $0x108  }
0x21: {  	s3 =	sadd.s32 s3, s9;
	s6 =	sadd.s32 @!p0 $0x88, s6;
	s7 =	simm.s32 @p2 $0x1082  }
0x22: {  	[simem:s7], [sflag:s8] =	dma.local @!p0 [hbm:s6], $0xF7A  }
0x23: {  	s9 =	sor.u32 $0xD0000000, s2;
	s6 =	simm.s32 $0x108;
	_ =	swait.ge @!p0 [sflag:s8], $0x0  }
0x24: {  	s3 =	sadd.s32 $0x88, s3;
	s6 =	simm.s32 @!p1 $0x1082;
	[sflag:s4] =	ssyncset.s32 $0xFFFFF086  }
0x25: {  	[simem:s6], [sflag:s4] =	dma.local [hbm:s3], $0xF7A  }
0x26: {  	[smem:$0x3F9B] =	sst s1;
	(tag) =	ssettag s2;
	_ =	strace s9  }
0x27: {  	s1 =	sld [smem:$0x3FAB]  }
0x28: {  	s2 =	sld [smem:$0x3FAC]  }
0x29: {  	s4 =	sld [smem:$0x3FAE]  }
0x2a: {  	p0 =	seq.s32 s5, $0x0;
	s5 =	sld [smem:$0x3FAF]  }
0x2b: {  	s6 =	sld [smem:$0x3FB0]  }
0x2c: {  	s7 =	sld [smem:$0x3FB1]  }
0x2d: {  	s3 =	simm.s32 $0x108;
	s8 =	sld [smem:$0x3FB2]  }
0x2e: {  	s3 =	simm.s32 @!p0 $0x1082;
	s9 =	sld [smem:$0x3FB3]  }
0x2f: {  	lr =	sadd.s32 s0, s3;
	s0 =	sld [smem:$0x3FAA]  }
0x30: {  	s3 =	sld [smem:$0x3FAD]  }
0x31: {  	[smem:$0x3FB6] =	sst s10  }
0x32: {  	s10 =	sld [smem:$0x3FB4];
	_ =	sdelay $0x3  }
0x33: {  	p0 =	seq.s32 s10, $0x1;
	s10 =	sld [smem:$0x3FB6];
	_ =	sdelay $0x3  }
0x34: {  	[smem:$0x3FB6] =	sst s10  }
0x35: {  	s10 =	sld [smem:$0x3FB5];
	_ =	sdelay $0x3  }
0x36: {  	p1 =	seq.s32 s10, $0x1;
	s10 =	sld [smem:$0x3FB6];
	_ =	sdelay $0x3  }
0x37: {  	[smem:$0x3FB6] =	sst s10  }
0x38: {  	s10 =	sld [smem:$0x3FB7]  }
0x39: {  	_ = 	snop;
	(pc) =	sbr.ind lr, $3  }
0x3a: {  	_ = 	snop  }
0x3b: {  	_ = 	snop  }
0x3c: {  	p2 =	seq.s32 s10, $0x1;
	s10 =	sld [smem:$0x3FB6]  }
0x3d: {  	_ =	shalt  }
0x3e: {  	_ =	shalt  }
0x3f: {  	_ =	shalt  }
0x40: {  	_ =	shalt  }
0x41: {  	_ =	shalt  }
0x42: {  	_ =	shalt  }
0x43: {  	_ =	shalt  }
0x44: {  	_ =	shalt  }
0x45: {  	_ =	shalt  }
0x46: {  	_ =	shalt  }
0x47: {  	_ =	shalt  }
0x48: {  	_ =	shalt  }
0x49: {  	_ =	shalt  }
0x4a: {  	_ =	shalt  }
0x4b: {  	_ =	shalt  }
0x4c: {  	_ =	shalt  }
0x4d: {  	_ =	shalt  }
0x4e: {  	_ =	shalt  }
0x4f: {  	_ =	shalt  }
0x50: {  	_ =	shalt  }
0x51: {  	_ =	shalt  }
0x52: {  	_ =	shalt  }
0x53: {  	_ =	shalt  }
0x54: {  	_ =	shalt  }
0x55: {  	_ =	shalt  }
0x56: {  	_ =	shalt  }
0x57: {  	_ =	shalt  }
0x58: {  	_ =	shalt  }
0x59: {  	_ =	shalt  }
0x5a: {  	_ =	shalt  }
0x5b: {  	_ =	shalt  }
0x5c: {  	_ =	shalt  }
0x5d: {  	_ =	shalt  }
0x5e: {  	_ =	shalt  }
0x5f: {  	_ =	shalt  }
0x60: {  	_ =	shalt  }
0x61: {  	_ =	shalt  }
0x62: {  	_ =	shalt  }
0x63: {  	_ =	shalt  }
0x64: {  	_ =	shalt  }
0x65: {  	_ =	shalt  }
0x66: {  	_ =	shalt  }
0x67: {  	_ =	shalt  }
0x68: {  	_ =	shalt  }
0x69: {  	_ =	shalt  }
0x6a: {  	_ =	shalt  }
0x6b: {  	_ =	shalt  }
0x6c: {  	_ =	shalt  }
0x6d: {  	_ =	shalt  }
0x6e: {  	_ =	shalt  }
0x6f: {  	_ =	shalt  }
0x70: {  	_ =	shalt  }
0x71: {  	_ =	shalt  }
0x72: {  	_ =	shalt  }
0x73: {  	_ =	shalt  }
0x74: {  	_ =	shalt  }
0x75: {  	_ =	shalt  }
0x76: {  	_ =	shalt  }
0x77: {  	_ =	shalt  }
0x78: {  	_ =	shalt  }
0x79: {  	_ =	shalt  }
0x7a: {  	_ =	shalt  }
0x7b: {  	_ =	shalt  }
0x7c: {  	_ =	shalt  }
0x7d: {  	_ =	shalt  }
0x7e: {  	_ =	shalt  }
0x7f: {  	_ =	shalt  }
0x80: {  	_ =	shalt  }
0x81: {  	_ =	shalt  }
0x82: {  	_ =	shalt  }
0x83: {  	_ =	shalt  }
0x84: {  	_ =	shalt  }
0x85: {  	_ =	shalt  }
0x86: {  	_ =	shalt  }
0x87: {  	_ =	shalt  }
.Lfunc_end0:
.L_simem_size_0:
called_computation.2_lowered:
.L_overlay_start_0:
0x88: {  	s2 =	sld [smem:$0x3FD9]  }
0x89: {  	s3 =	sld [smem:$0x3FFE];
	_ =	sdelay $0x1  }
0x8a: {  	s1 =	srdreg.scid  }
0x8b: {  	s0 =	sand.u32 $0x1, s1  }
0x8c: {  	s16 =	sshll.u32 s0, $0xA;
	s2 =	sadd.s32 s3, s2  }
0x8d: {  	s2 =	sadd.s32 s2, s16  }
0x8e: {  	[smem:$0x3FC2] =	sst s2  }
0x8f: {  	_ = 	snop  }
0x90: {  	(tm) =	ssettm $0x1  }
0x91: {  	s17 =	sld [smem:$0x3FFB];
	_ =	sdelay $0x3  }
0x92: {  	_ =	strace s17  }
0x93: {  	s2 =	sld [smem:$0x3FFC];
	_ =	sdelay $0x3  }
0x94: {  	_ =	strace s2  }
0x95: {  	s2 =	sld [smem:$0x3FFD];
	_ =	sdelay $0x3  }
0x96: {  	_ =	strace s2  }
0x97: {  	_ =	strace $0x8FFFFFFF  }
0x98: {  	s18 =	sld [smem:$0x3FDB];
	_ =	sdelay $0x1  }
0x99: {  	s19 =	simm.s32 $_scs_section_size  }
0x9a: {  	s4 =	simm.s32 $_size__tile_overlayer_lowered;
	s5 =	simm.s32 $_tile_overlayer_lowered  }
0x9b: {  	s22 =	simm.s32 $0x1BFF;
	s21 =	sshll.u32 s5, $0x1;
	s2 =	sadd.s32 s19, s18  }
0x9c: {  	s6 =	simm.s32 $0x0;
	s20 =	sshll.u32 s4, $0x1;
	s4 =	sadd.s32 s21, s2  }
0x9d: {  	[timem:s6], [sflag:s22] =	dma.local [hbm:s4], s20  }
0x9e: {  	_ =	swait.ge [sflag:s22], s20  }
0x9f: {  	s3 =	ssub.s32 $0x0, s20;
	[sflag:s22] =	ssyncset.done $0x0  }
0xa0: {  	[sflag:s22] =	ssyncadd.s32 s3;
	_ =	sdelay $0x1  }
0xa1: {  	s23 =	simm.s32 $0x1B8B  }
0xa2: {  	_ =	swait.ge [sflag:s23], $0x1  }
0xa3: {  	[sflag:s23] =	ssyncset.done $0x0  }
0xa4: {  	s25 =	simm.s32 $0x1B8E;
	s24 =	sld [smem:$0x3FFE];
	[sflag:s23] =	ssyncadd.s32 $0xFFFFFFFF  }
0xa5: {  	s26 =	simm.s32 $execute0_lowered;
	[smem:$0x3FD2] =	sst s25  }
0xa6: {  	s4 =	sshll.u32 s26, $0x1;
	_ =	strace $0x8000004C;
	[dreg:$0x1] =	wrdreg $0xFFFFFFFF  }
0xa7: {  	s28 =	simm.s32 $_size_execute0_lowered;
	s2 =	sadd.s32 s2, s4;
	[dreg:$0x0] =	wrdreg $0x0  }
0xa8: {  	s4 =	sshll.u32 s28, $0x1;
	[dreg:$0x2] =	wrdreg s2  }
0xa9: {  	[dreg:$0x3] =	wrdreg s4  }
0xaa: {  	[dreg:$0x4] =	wrdreg $0xC0  }
0xab: {  	_ =	task [dreg:s6], $0x5FFFF  }
0xac: {  	[dreg:$0x1] =	wrdreg $0xFFFFFFFF  }
0xad: {  	[dreg:$0x0] =	wrdreg $0x60  }
0xae: {  	[dreg:$0x2] =	wrdreg s24  }
0xaf: {  	[dreg:$0x3] =	wrdreg $0x8E800  }
0xb0: {  	[dreg:$0x4] =	wrdreg $0x9  }
0xb1: {  	_ =	task.clear_ibuf [dreg:s6], $0x5FFFF;
	_ =	strace $0x9000004C  }
0xb2: {  	s29 =	simm.s32 $0x9;
	_ =	strace $0x8000004E  }
0xb3: {  	_ =	swait.ge [sflag:s29], $0x1  }
0xb4: {  	[sflag:s29] =	ssyncadd.s32 $0xFFFFFFFF  }
0xb5: {  	_ =	strace $0x9000004E  }
0xb6: {  	_ =	sfence  }
0xb7: {  	s30 =	sld [smem:$0x0];
	_ =	sdelay $0x2  }
0xb8: {  	s31 =	sshll.u32 s1, $0xD;
	s1 =	sshrl.u32 s1, $0x2  }
0xb9: {  	s3 =	sand.u32 $0x4000, s31;
	s1 =	sadd.s32 s1, s30  }
0xba: {  	s0 =	sor.u32 s3, s0;
	s1 =	sshll.u32 s1, $0x11  }
0xbb: {  	s0 =	sor.u32 s1, s0  }
0xbc: {  	s0 =	sadd.s32 $0x8F2B, s0  }
0xbd: {  	[sflag:s0] =	ssyncadd.remote.s32 $0x1  }
0xbe: {  	_ =	sfence.sel $0xFFFF  }
0xbf: {  	[dreg:$0x0] =	wrdreg $0xFFFFFFFF;
	(pc) =	sbr.abs _section_cstart, $3  }
0xc0: {  	[dreg:$0x1] =	wrdreg $0xFFFFFFFF  }
0xc1: {  	_ =	task.clear_ibuf [dreg:s6], $0x2FFFF;
	_ =	strace $0x9FFFFFFF  }
0xc2: {  	(tm) =	ssettm $0x7FFFFFFF  }
0xc3: {  	_ =	shalt  }
tec
execute0_lowered:
.L_overlay_start_1:
0x0: {  	(tag) =	ssettag $0x1  }
0x1: {  	s0 =	srdreg.scid;
	s3 =	rddreg [dreg:$0x0]  }
0x2: {  	s7 =	stileid.u32;
	s2 =	rddreg [dreg:$0x1];
	s4 =	simm.s32 $0x0  }
0x3: {  	s14 =	simm.s32 $0x7D;
	s15 =	simm.s32 $0x5000;
	s17 =	simm.s32 $0x6F40  }
0x4: {  	s19 =	simm.s32 $0x57D0;
	s21 =	simm.s32 $0x7710;
	s28 =	simm.s32 $0x6770  }
0x5: {  	s30 =	simm.s32 $0x86B0;
	s31 =	simm.s32 $0x1;
	s13 =	simm.s32 $0x4  }
0x6: {  	s16 =	simm.s32 $0x9;
	s18 =	simm.s32 $0xA;
	s20 =	simm.s32 $0xB  }
0x7: {  	s22 =	simm.s32 $0xC;
	s29 =	simm.s32 $0x7;
	s9 =	simm.s32 $0xF  }
0x8: {  	s10 =	simm.s32 $0x10;
	s0 =	sand.u32 $0x1, s0;
	s5 =	smul.u32 $0x500, s7  }
0x9: {  	[smem:$0x7FF] =	sst s4;
	s4 =	sadd.s32 $0xBA00, s3;
	s23 =	smul.u32 $0xA000, s7  }
0xa: {  	s8 =	sadd.s32 $0xB400, s3;
	s1 =	sshll.u32 s0, $0x4;
	s6 =	smul.u32 $0x5000, s0  }
0xb: {  	_ =	strace $0x8000004D;
	[dreg:$0x3] =	wrdreg s8;
	s0 =	ssub.s32 $0x2, s0  }
0xc: {  	s8 =	simm.s32 $0xE;
	s1 =	sor.u32 s7, s1;
	s24 =	sshrl.u32 s0, $0x1  }
0xd: {  	s7 =	sshll.u32 s7, $0x6;
	s1 =	smul.u32 $0x500, s1;
	s5 =	sadd.s32 s5, s6  }
0xe: {  	s6 =	sshrl.u32 s23, $0x2;
	s0 =	ssub.s32 s0, s24;
	s11 =	sor.u32 $0x1C11, s7  }
0xf: {  	s23 =	simm.s32 $0x5FA0;
	s24 =	simm.s32 $0x5;
	s7 =	simm.s32 $0xD  }
0x10: {  	s25 =	sadd.s32 s6, s2;
	s0 =	smax.u32 s0, $0x1;
	[dreg:$0x4] =	wrdreg s11  }
0x11: {  	s6 =	simm.s32 $0x0;
	s1 =	sadd.s32 s1, s3;
	[dreg:$0x8] =	wrdreg s0  }
0x12: {  	s3 =	sadd.s32 s5, s3;
	s12 =	sshrl.u32 s25, $0x3;
	[dreg:$0xa] =	wrdreg s6  }
0x13: {  	s25 =	simm.s32 $0x7EE0;
	s26 =	sadd.s32 $0x15A00, s1;
	[dreg:$0x9] =	wrdreg s12  }
0x14: {  	s0 =	simm.s32 $0x3;
	s1 =	sadd.s32 $0x1400, s1;
	[dreg:$0x5] =	wrdreg s26  }
0x15: {  	s5 =	simm.s32 $0x8;
	s3 =	sadd.s32 $0x1FA00, s3;
	[dreg:$0x6] =	wrdreg s1  }
0x16: {  	[dreg:$0x7] =	wrdreg s3;
	s1 =	simm.s32 $0x2;
	s26 =	simm.s32 $0x6  }
.LBB2_1:
0x17: {  	s3 =	simm.s32 $0x11;
	s6 =	rddreg [dreg:$0x3]  }
0x18: {  	[spmem:s12], [sflag:s11] =	dma.local [hbm:s6], $0x500  }
0x19: {  	_ =	swait.ge [sflag:s3], $0x500  }
0x1a: {  	[sflag:s3] =	ssyncset.done $0x0  }
0x1b: {  	s6 =	simm.s32 $0x0;
	s12 =	rddreg [dreg:$0x5];
	[sflag:s3] =	ssyncadd.s32 $0xFFFFFB00  }
0x1c: {  	[tilespmem:s6], [sflag:$0x11] =	stream.linear.gather [hbm4b:s12+s6], $0x2800, $0x38;
	[tilespmem:$0xB680] =	vst v63  }
0x1d: {  	_ =	swait.ge [sflag:s3], $0x2800  }
0x1e: {  	[sflag:s3] =	ssyncset.done $0x0  }
0x1f: {  	s12 =	simm.s32 $0x2800;
	s11 =	rddreg [dreg:$0x6];
	[sflag:s3] =	ssyncadd.s32 $0xFFFFD800  }
0x20: {  	[tilespmem:s12], [sflag:$0x11] =	stream.linear.gather [hbm4b:s11+s6], $0x2800, $0x38;
	[tilespmem:$0xB680] =	vst v63  }
0x21: {  	_ =	swait.ge [sflag:s3], $0x2800  }
0x22: {  	[sflag:s3] =	ssyncset.done $0x0  }
0x23: {  	[sflag:s3] =	ssyncadd.s32 $0xFFFFD800  }
0x24: {  	[bflag:$0x0] =	sbarrier.arrive $0xFFFF  }
0x25: {  	[tilespmem:s15], [sflag:$0x1] =	stream.indirect.gather [hbm4b:s4+s14], $0x10, s6, s14, $0xb8;
	[tilespmem:$0xB680] =	vst v63  }
0x26: {  	s12 =	simm.s32 $0x200  }
0x27: {  	[tilespmem:s17], [sflag:$0x5] =	stream.indirect.gather [hbm4b:s4+s14], $0x10, s12, s14, $0xb8;
	[tilespmem:$0xB680] =	vst v63  }
0x28: {  	s6 =	simm.s32 $0x80  }
0x29: {  	[tilespmem:s19], [sflag:$0x2] =	stream.indirect.gather [hbm4b:s4+s14], $0x10, s6, s14, $0xb8;
	[tilespmem:$0xB680] =	vst v63  }
0x2a: {  	s11 =	simm.s32 $0x280  }
0x2b: {  	[tilespmem:s21], [sflag:$0x6] =	stream.indirect.gather [hbm4b:s4+s14], $0x10, s11, s14, $0xb8;
	[tilespmem:$0xB680] =	vst v63  }
0x2c: {  	s12 =	simm.s32 $0x100  }
0x2d: {  	[tilespmem:s23], [sflag:$0x3] =	stream.indirect.gather [hbm4b:s4+s14], $0x10, s12, s14, $0xb8;
	[tilespmem:$0xB680] =	vst v63  }
0x2e: {  	s6 =	simm.s32 $0x300  }
0x2f: {  	[tilespmem:s25], [sflag:$0x7] =	stream.indirect.gather [hbm4b:s4+s14], $0x10, s6, s14, $0xb8;
	[tilespmem:$0xB680] =	vst v63  }
0x30: {  	s11 =	simm.s32 $0x180  }
0x31: {  	[tilespmem:s28], [sflag:$0x4] =	stream.indirect.gather [hbm4b:s4+s14], $0x10, s11, s14, $0xb8;
	[tilespmem:$0xB680] =	vst v63  }
0x32: {  	s12 =	simm.s32 $0x380  }
0x33: {  	[tilespmem:s30], [sflag:$0x8] =	stream.indirect.gather [hbm4b:s4+s14], $0x10, s12, s14, $0xb8;
	[tilespmem:$0xB680] =	vst v63  }
0x34: {  	_ =	swait.ge [sflag:s31], $0x7D0  }
0x35: {  	[sflag:s31] =	ssyncset.done $0x0  }
0x36: {  	s3 =	simm.s32 $0x2800;
	[sflag:s31] =	ssyncadd.s32 $0xFFFFF830  }
0x37: {  	[spmem:s2] =	stream.indirect.scatter.add.f32 [tilespmem:s15], [sflag:$0x9], $0x10, s3, s14, $0xb8;
	[tilespmem:$0xB680] =	vst v63  }
0x38: {  	_ =	swait.ge [sflag:s1], $0x7D0  }
0x39: {  	[sflag:s1] =	ssyncset.done $0x0  }
0x3a: {  	s11 =	simm.s32 $0x2880;
	[sflag:s1] =	ssyncadd.s32 $0xFFFFF830  }
0x3b: {  	[spmem:s2] =	stream.indirect.scatter.add.f32 [tilespmem:s19], [sflag:$0xA], $0x10, s11, s14, $0xb8;
	[tilespmem:$0xB680] =	vst v63  }
0x3c: {  	_ =	swait.ge [sflag:s0], $0x7D0  }
0x3d: {  	[sflag:s0] =	ssyncset.done $0x0  }
0x3e: {  	s12 =	simm.s32 $0x2900;
	[sflag:s0] =	ssyncadd.s32 $0xFFFFF830  }
0x3f: {  	[spmem:s2] =	stream.indirect.scatter.add.f32 [tilespmem:s23], [sflag:$0xB], $0x10, s12, s14, $0xb8;
	[tilespmem:$0xB680] =	vst v63  }
0x40: {  	_ =	swait.ge [sflag:s13], $0x7D0  }
0x41: {  	[sflag:s13] =	ssyncset.done $0x0  }
0x42: {  	s3 =	simm.s32 $0x2980;
	[sflag:s13] =	ssyncadd.s32 $0xFFFFF830  }
0x43: {  	[spmem:s2] =	stream.indirect.scatter.add.f32 [tilespmem:s28], [sflag:$0xC], $0x10, s3, s14, $0xb8;
	[tilespmem:$0xB680] =	vst v63  }
0x44: {  	_ =	swait.ge [sflag:s16], $0x7D0  }
0x45: {  	[sflag:s16] =	ssyncset.done $0x0  }
0x46: {  	s11 =	simm.s32 $0x400;
	[sflag:s16] =	ssyncadd.s32 $0xFFFFF830  }
0x47: {  	[tilespmem:s15], [sflag:$0x1] =	stream.indirect.gather [hbm4b:s4+s14], $0x10, s11, s14, $0xb8;
	[tilespmem:$0xB680] =	vst v63  }
0x48: {  	_ =	swait.ge [sflag:s18], $0x7D0  }
0x49: {  	[sflag:s18] =	ssyncset.done $0x0  }
0x4a: {  	s12 =	simm.s32 $0x480;
	[sflag:s18] =	ssyncadd.s32 $0xFFFFF830  }
0x4b: {  	[tilespmem:s19], [sflag:$0x2] =	stream.indirect.gather [hbm4b:s4+s14], $0x10, s12, s14, $0xb8;
	[tilespmem:$0xB680] =	vst v63  }
0x4c: {  	_ =	swait.ge [sflag:s20], $0x7D0  }
0x4d: {  	[sflag:s20] =	ssyncset.done $0x0  }
0x4e: {  	s3 =	simm.s32 $0x500;
	[sflag:s20] =	ssyncadd.s32 $0xFFFFF830  }
0x4f: {  	[tilespmem:s23], [sflag:$0x3] =	stream.indirect.gather [hbm4b:s4+s14], $0x10, s3, s14, $0xb8;
	[tilespmem:$0xB680] =	vst v63  }
0x50: {  	_ =	swait.ge [sflag:s22], $0x7D0  }
0x51: {  	[sflag:s22] =	ssyncset.done $0x0  }
0x52: {  	s11 =	simm.s32 $0x580;
	[sflag:s22] =	ssyncadd.s32 $0xFFFFF830  }
0x53: {  	[tilespmem:s28], [sflag:$0x4] =	stream.indirect.gather [hbm4b:s4+s14], $0x10, s11, s14, $0xb8;
	[tilespmem:$0xB680] =	vst v63  }
0x54: {  	_ =	swait.ge [sflag:s24], $0x7D0  }
0x55: {  	[sflag:s24] =	ssyncset.done $0x0  }
0x56: {  	s12 =	simm.s32 $0x2A00;
	[sflag:s24] =	ssyncadd.s32 $0xFFFFF830  }
0x57: {  	[spmem:s2] =	stream.indirect.scatter.add.f32 [tilespmem:s17], [sflag:$0xD], $0x10, s12, s14, $0xb8;
	[tilespmem:$0xB680] =	vst v63  }
0x58: {  	_ =	swait.ge [sflag:s26], $0x7D0  }
0x59: {  	[sflag:s26] =	ssyncset.done $0x0  }
0x5a: {  	s3 =	simm.s32 $0x2A80;
	[sflag:s26] =	ssyncadd.s32 $0xFFFFF830  }
0x5b: {  	[spmem:s2] =	stream.indirect.scatter.add.f32 [tilespmem:s21], [sflag:$0xE], $0x10, s3, s14, $0xb8;
	[tilespmem:$0xB680] =	vst v63  }
0x5c: {  	_ =	swait.ge [sflag:s29], $0x7D0  }
0x5d: {  	[sflag:s29] =	ssyncset.done $0x0  }
0x5e: {  	s11 =	simm.s32 $0x2B00;
	[sflag:s29] =	ssyncadd.s32 $0xFFFFF830  }
0x5f: {  	[spmem:s2] =	stream.indirect.scatter.add.f32 [tilespmem:s25], [sflag:$0xF], $0x10, s11, s14, $0xb8;
	[tilespmem:$0xB680] =	vst v63  }
0x60: {  	_ =	swait.ge [sflag:s5], $0x7D0  }
0x61: {  	[sflag:s5] =	ssyncset.done $0x0  }
0x62: {  	s12 =	simm.s32 $0x2B80;
	[sflag:s5] =	ssyncadd.s32 $0xFFFFF830  }
0x63: {  	[spmem:s2] =	stream.indirect.scatter.add.f32 [tilespmem:s30], [sflag:$0x10], $0x10, s12, s14, $0xb8;
	[tilespmem:$0xB680] =	vst v63  }
0x64: {  	_ =	swait.ge [sflag:s7], $0x7D0  }
0x65: {  	[sflag:s7] =	ssyncset.done $0x0  }
0x66: {  	s3 =	simm.s32 $0x600;
	[sflag:s7] =	ssyncadd.s32 $0xFFFFF830  }
0x67: {  	[tilespmem:s17], [sflag:$0x5] =	stream.indirect.gather [hbm4b:s4+s14], $0x10, s3, s14, $0xb8;
	[tilespmem:$0xB680] =	vst v63  }
0x68: {  	_ =	swait.ge [sflag:s8], $0x7D0  }
0x69: {  	[sflag:s8] =	ssyncset.done $0x0  }
0x6a: {  	s11 =	simm.s32 $0x680;
	[sflag:s8] =	ssyncadd.s32 $0xFFFFF830  }
0x6b: {  	[tilespmem:s21], [sflag:$0x6] =	stream.indirect.gather [hbm4b:s4+s14], $0x10, s11, s14, $0xb8;
	[tilespmem:$0xB680] =	vst v63  }
0x6c: {  	_ =	swait.ge [sflag:s9], $0x7D0  }
0x6d: {  	[sflag:s9] =	ssyncset.done $0x0  }
0x6e: {  	s12 =	simm.s32 $0x700;
	[sflag:s9] =	ssyncadd.s32 $0xFFFFF830  }
0x6f: {  	[tilespmem:s25], [sflag:$0x7] =	stream.indirect.gather [hbm4b:s4+s14], $0x10, s12, s14, $0xb8;
	[tilespmem:$0xB680] =	vst v63  }
0x70: {  	_ =	swait.ge [sflag:s10], $0x7D0  }
0x71: {  	[sflag:s10] =	ssyncset.done $0x0  }
0x72: {  	s6 =	simm.s32 $0x1000;
	s11 =	simm.s32 $0x780;
	[sflag:s10] =	ssyncadd.s32 $0xFFFFF830  }
.LBB2_2:
0x73: {  	[tilespmem:s30], [sflag:$0x8] =	stream.indirect.gather [hbm4b:s4+s14], $0x10, s11, s14, $0xb8;
	[tilespmem:$0xB680] =	vst v63  }
0x74: {  	s11 =	smov.u32 s6  }
0x75: {  	p0 =	sne.s32 s6, $0x8000;
	s6 =	sadd.s32 $0x1000, s6;
	_ =	swait.ge [sflag:s31], $0x7D0  }
0x76: {  	s11 =	sshra.s32 s11, $0x2;
	[sflag:s31] =	ssyncset.done $0x0  }
0x77: {  	s12 =	sadd.s32 $0x2800, s11;
	[sflag:s31] =	ssyncadd.s32 $0xFFFFF830  }
0x78: {  	[spmem:s2] =	stream.indirect.scatter.add.f32 [tilespmem:s15], [sflag:$0x9], $0x10, s12, s14, $0xb8;
	[tilespmem:$0xB680] =	vst v63  }
0x79: {  	_ =	swait.ge [sflag:s1], $0x7D0  }
0x7a: {  	[sflag:s1] =	ssyncset.done $0x0  }
0x7b: {  	s12 =	sadd.s32 $0x2880, s11;
	[sflag:s1] =	ssyncadd.s32 $0xFFFFF830  }
0x7c: {  	[spmem:s2] =	stream.indirect.scatter.add.f32 [tilespmem:s19], [sflag:$0xA], $0x10, s12, s14, $0xb8;
	[tilespmem:$0xB680] =	vst v63  }
0x7d: {  	_ =	swait.ge [sflag:s0], $0x7D0  }
0x7e: {  	[sflag:s0] =	ssyncset.done $0x0  }
0x7f: {  	s12 =	sadd.s32 $0x2900, s11;
	[sflag:s0] =	ssyncadd.s32 $0xFFFFF830  }
0x80: {  	[spmem:s2] =	stream.indirect.scatter.add.f32 [tilespmem:s23], [sflag:$0xB], $0x10, s12, s14, $0xb8;
	[tilespmem:$0xB680] =	vst v63  }
0x81: {  	_ =	swait.ge [sflag:s13], $0x7D0  }
0x82: {  	[sflag:s13] =	ssyncset.done $0x0  }
0x83: {  	s12 =	sadd.s32 $0x2980, s11;
	[sflag:s13] =	ssyncadd.s32 $0xFFFFF830  }
0x84: {  	[spmem:s2] =	stream.indirect.scatter.add.f32 [tilespmem:s28], [sflag:$0xC], $0x10, s12, s14, $0xb8;
	[tilespmem:$0xB680] =	vst v63  }
0x85: {  	_ =	swait.ge [sflag:s16], $0x7D0  }
0x86: {  	[sflag:s16] =	ssyncset.done $0x0  }
0x87: {  	s12 =	sadd.s32 $0x400, s11;
	[sflag:s16] =	ssyncadd.s32 $0xFFFFF830  }
0x88: {  	[tilespmem:s15], [sflag:$0x1] =	stream.indirect.gather [hbm4b:s4+s14], $0x10, s12, s14, $0xb8;
	[tilespmem:$0xB680] =	vst v63  }
0x89: {  	_ =	swait.ge [sflag:s18], $0x7D0  }
0x8a: {  	[sflag:s18] =	ssyncset.done $0x0  }
0x8b: {  	s12 =	sadd.s32 $0x480, s11;
	[sflag:s18] =	ssyncadd.s32 $0xFFFFF830  }
0x8c: {  	[tilespmem:s19], [sflag:$0x2] =	stream.indirect.gather [hbm4b:s4+s14], $0x10, s12, s14, $0xb8;
	[tilespmem:$0xB680] =	vst v63  }
0x8d: {  	_ =	swait.ge [sflag:s20], $0x7D0  }
0x8e: {  	[sflag:s20] =	ssyncset.done $0x0  }
0x8f: {  	s12 =	sadd.s32 $0x500, s11;
	[sflag:s20] =	ssyncadd.s32 $0xFFFFF830  }
0x90: {  	[tilespmem:s23], [sflag:$0x3] =	stream.indirect.gather [hbm4b:s4+s14], $0x10, s12, s14, $0xb8;
	[tilespmem:$0xB680] =	vst v63  }
0x91: {  	_ =	swait.ge [sflag:s22], $0x7D0  }
0x92: {  	[sflag:s22] =	ssyncset.done $0x0  }
0x93: {  	s12 =	sadd.s32 $0x580, s11;
	[sflag:s22] =	ssyncadd.s32 $0xFFFFF830  }
0x94: {  	[tilespmem:s28], [sflag:$0x4] =	stream.indirect.gather [hbm4b:s4+s14], $0x10, s12, s14, $0xb8;
	[tilespmem:$0xB680] =	vst v63  }
0x95: {  	_ =	swait.ge [sflag:s24], $0x7D0  }
0x96: {  	[sflag:s24] =	ssyncset.done $0x0  }
0x97: {  	s12 =	sadd.s32 $0x2A00, s11;
	[sflag:s24] =	ssyncadd.s32 $0xFFFFF830  }
0x98: {  	[spmem:s2] =	stream.indirect.scatter.add.f32 [tilespmem:s17], [sflag:$0xD], $0x10, s12, s14, $0xb8;
	[tilespmem:$0xB680] =	vst v63  }
0x99: {  	_ =	swait.ge [sflag:s26], $0x7D0  }
0x9a: {  	[sflag:s26] =	ssyncset.done $0x0  }
0x9b: {  	s12 =	sadd.s32 $0x2A80, s11;
	[sflag:s26] =	ssyncadd.s32 $0xFFFFF830  }
0x9c: {  	[spmem:s2] =	stream.indirect.scatter.add.f32 [tilespmem:s21], [sflag:$0xE], $0x10, s12, s14, $0xb8;
	[tilespmem:$0xB680] =	vst v63  }
0x9d: {  	_ =	swait.ge [sflag:s29], $0x7D0  }
0x9e: {  	[sflag:s29] =	ssyncset.done $0x0  }
0x9f: {  	s12 =	sadd.s32 $0x2B00, s11;
	[sflag:s29] =	ssyncadd.s32 $0xFFFFF830  }
0xa0: {  	[spmem:s2] =	stream.indirect.scatter.add.f32 [tilespmem:s25], [sflag:$0xF], $0x10, s12, s14, $0xb8;
	[tilespmem:$0xB680] =	vst v63  }
0xa1: {  	_ =	swait.ge [sflag:s5], $0x7D0  }
0xa2: {  	[sflag:s5] =	ssyncset.done $0x0  }
0xa3: {  	s12 =	sadd.s32 $0x2B80, s11;
	[sflag:s5] =	ssyncadd.s32 $0xFFFFF830  }
0xa4: {  	[spmem:s2] =	stream.indirect.scatter.add.f32 [tilespmem:s30], [sflag:$0x10], $0x10, s12, s14, $0xb8;
	[tilespmem:$0xB680] =	vst v63  }
0xa5: {  	_ =	swait.ge [sflag:s7], $0x7D0  }
0xa6: {  	[sflag:s7] =	ssyncset.done $0x0  }
0xa7: {  	s12 =	sadd.s32 $0x600, s11;
	[sflag:s7] =	ssyncadd.s32 $0xFFFFF830  }
0xa8: {  	[tilespmem:s17], [sflag:$0x5] =	stream.indirect.gather [hbm4b:s4+s14], $0x10, s12, s14, $0xb8;
	[tilespmem:$0xB680] =	vst v63  }
0xa9: {  	_ =	swait.ge [sflag:s8], $0x7D0  }
0xaa: {  	[sflag:s8] =	ssyncset.done $0x0  }
0xab: {  	s12 =	sadd.s32 $0x680, s11;
	[sflag:s8] =	ssyncadd.s32 $0xFFFFF830  }
0xac: {  	[tilespmem:s21], [sflag:$0x6] =	stream.indirect.gather [hbm4b:s4+s14], $0x10, s12, s14, $0xb8;
	[tilespmem:$0xB680] =	vst v63  }
0xad: {  	_ =	swait.ge [sflag:s9], $0x7D0  }
0xae: {  	[sflag:s9] =	ssyncset.done $0x0  }
.Ltmp0:
0xaf: {  	s12 =	sadd.s32 $0x700, s11;
	[sflag:s9] =	ssyncadd.s32 $0xFFFFF830;
	(pc) =	sbr.rel @p0 .LBB2_2-.Ltmp0, $4  }
0xb0: {  	[tilespmem:s25], [sflag:$0x7] =	stream.indirect.gather [hbm4b:s4+s14], $0x10, s12, s14, $0xb8;
	[tilespmem:$0xB680] =	vst v63  }
0xb1: {  	_ =	swait.ge [sflag:s10], $0x7D0  }
0xb2: {  	[sflag:s10] =	ssyncset.done $0x0  }
0xb3: {  	s11 =	sadd.s32 $0x780, s11;
	[sflag:s10] =	ssyncadd.s32 $0xFFFFF830  }
0xb4: {  	[tilespmem:s30], [sflag:$0x8] =	stream.indirect.gather [hbm4b:s4+s14], $0x10, s11, s14, $0xb8;
	[tilespmem:$0xB680] =	vst v63  }
0xb5: {  	_ =	swait.ge [sflag:s31], $0x7D0  }
0xb6: {  	[sflag:s31] =	ssyncset.done $0x0  }
0xb7: {  	s3 =	simm.s32 $0x4C00;
	[sflag:s31] =	ssyncadd.s32 $0xFFFFF830  }
0xb8: {  	[spmem:s2] =	stream.indirect.scatter.add.f32 [tilespmem:s15], [sflag:$0x9], $0x10, s3, s14, $0xb8;
	[tilespmem:$0xB680] =	vst v63  }
0xb9: {  	_ =	swait.ge [sflag:s1], $0x7D0  }
0xba: {  	[sflag:s1] =	ssyncset.done $0x0  }
0xbb: {  	s12 =	simm.s32 $0x4C80;
	[sflag:s1] =	ssyncadd.s32 $0xFFFFF830  }
0xbc: {  	[spmem:s2] =	stream.indirect.scatter.add.f32 [tilespmem:s19], [sflag:$0xA], $0x10, s12, s14, $0xb8;
	[tilespmem:$0xB680] =	vst v63  }
0xbd: {  	_ =	swait.ge [sflag:s0], $0x7D0  }
0xbe: {  	[sflag:s0] =	ssyncset.done $0x0  }
0xbf: {  	s6 =	simm.s32 $0x4D00;
	[sflag:s0] =	ssyncadd.s32 $0xFFFFF830  }
0xc0: {  	[spmem:s2] =	stream.indirect.scatter.add.f32 [tilespmem:s23], [sflag:$0xB], $0x10, s6, s14, $0xb8;
	[tilespmem:$0xB680] =	vst v63  }
0xc1: {  	_ =	swait.ge [sflag:s13], $0x7D0  }
0xc2: {  	[sflag:s13] =	ssyncset.done $0x0  }
0xc3: {  	s11 =	simm.s32 $0x4D80;
	[sflag:s13] =	ssyncadd.s32 $0xFFFFF830  }
0xc4: {  	[spmem:s2] =	stream.indirect.scatter.add.f32 [tilespmem:s28], [sflag:$0xC], $0x10, s11, s14, $0xb8;
	[tilespmem:$0xB680] =	vst v63  }
0xc5: {  	_ =	swait.ge [sflag:s24], $0x7D0  }
0xc6: {  	[sflag:s24] =	ssyncset.done $0x0  }
0xc7: {  	s12 =	simm.s32 $0x4E00;
	[sflag:s24] =	ssyncadd.s32 $0xFFFFF830  }
0xc8: {  	[spmem:s2] =	stream.indirect.scatter.add.f32 [tilespmem:s17], [sflag:$0xD], $0x10, s12, s14, $0xb8;
	[tilespmem:$0xB680] =	vst v63  }
0xc9: {  	_ =	swait.ge [sflag:s26], $0x7D0  }
0xca: {  	[sflag:s26] =	ssyncset.done $0x0  }
0xcb: {  	s6 =	simm.s32 $0x4E80;
	[sflag:s26] =	ssyncadd.s32 $0xFFFFF830  }
0xcc: {  	[spmem:s2] =	stream.indirect.scatter.add.f32 [tilespmem:s21], [sflag:$0xE], $0x10, s6, s14, $0xb8;
	[tilespmem:$0xB680] =	vst v63  }
0xcd: {  	_ =	swait.ge [sflag:s29], $0x7D0  }
0xce: {  	[sflag:s29] =	ssyncset.done $0x0  }
0xcf: {  	s11 =	simm.s32 $0x4F00;
	[sflag:s29] =	ssyncadd.s32 $0xFFFFF830  }
0xd0: {  	[spmem:s2] =	stream.indirect.scatter.add.f32 [tilespmem:s25], [sflag:$0xF], $0x10, s11, s14, $0xb8;
	[tilespmem:$0xB680] =	vst v63  }
0xd1: {  	_ =	swait.ge [sflag:s5], $0x7D0  }
0xd2: {  	[sflag:s5] =	ssyncset.done $0x0  }
0xd3: {  	s12 =	simm.s32 $0x4F80;
	[sflag:s5] =	ssyncadd.s32 $0xFFFFF830  }
0xd4: {  	[spmem:s2] =	stream.indirect.scatter.add.f32 [tilespmem:s30], [sflag:$0x10], $0x10, s12, s14, $0xb8;
	[tilespmem:$0xB680] =	vst v63  }
0xd5: {  	_ =	swait.ge [sflag:s16], $0x7D0  }
0xd6: {  	[sflag:s16] =	ssyncset.done $0x0  }
0xd7: {  	[sflag:s16] =	ssyncadd.s32 $0xFFFFF830  }
0xd8: {  	_ =	swait.ge [sflag:s18], $0x7D0  }
0xd9: {  	[sflag:s18] =	ssyncset.done $0x0  }
0xda: {  	[sflag:s18] =	ssyncadd.s32 $0xFFFFF830  }
0xdb: {  	_ =	swait.ge [sflag:s20], $0x7D0  }
0xdc: {  	[sflag:s20] =	ssyncset.done $0x0  }
0xdd: {  	[sflag:s20] =	ssyncadd.s32 $0xFFFFF830  }
0xde: {  	_ =	swait.ge [sflag:s22], $0x7D0  }
0xdf: {  	[sflag:s22] =	ssyncset.done $0x0  }
0xe0: {  	[sflag:s22] =	ssyncadd.s32 $0xFFFFF830  }
0xe1: {  	_ =	swait.ge [sflag:s7], $0x7D0  }
0xe2: {  	[sflag:s7] =	ssyncset.done $0x0  }
0xe3: {  	[sflag:s7] =	ssyncadd.s32 $0xFFFFF830  }
0xe4: {  	_ =	swait.ge [sflag:s8], $0x7D0  }
0xe5: {  	[sflag:s8] =	ssyncset.done $0x0  }
0xe6: {  	[sflag:s8] =	ssyncadd.s32 $0xFFFFF830  }
0xe7: {  	_ =	swait.ge [sflag:s9], $0x7D0  }
0xe8: {  	[sflag:s9] =	ssyncset.done $0x0  }
0xe9: {  	[sflag:s9] =	ssyncadd.s32 $0xFFFFF830  }
0xea: {  	_ =	swait.ge [sflag:s10], $0x7D0  }
0xeb: {  	[sflag:s10] =	ssyncset.done $0x0  }
0xec: {  	[sflag:s10] =	ssyncadd.s32 $0xFFFFF830  }
0xed: {  	[bflag:$0x0] =	sbarrier.arrive $0xFFFF  }
0xee: {  	s11 =	rddreg [dreg:$0x4]  }
0xef: {  	s6 =	rddreg [dreg:$0x7]  }
0xf0: {  	s12 =	rddreg [dreg:$0x9]  }
0xf1: {  	[hbm:s6], [sflag:s11] =	dma.local [spmem:s12], $0x500  }
0xf2: {  	s6 =	simm.s32 $0x11  }
0xf3: {  	_ =	swait.ge [sflag:s6], $0x500  }
0xf4: {  	s3 =	rddreg [dreg:$0xa]  }
0xf5: {  	[sflag:s6] =	ssyncset.done $0x0;
	s6 =	rddreg [dreg:$0x8];
	s3 =	sadd.s32 $0x1, s3  }
0xf6: {  	p0 =	sne.s32 s3, s6  }
.Ltmp1:
0xf7: {  	_ = 	snop;
	(pc) =	sbr.rel @p0 .LBB2_1-.Ltmp1, $3  }
0xf8: {  	_ =	sdelay $0x1  }
0xf9: {  	s6 =	simm.s32 $0x11  }
0xfa: {  	[dreg:$0xa] =	wrdreg s3;
	[sflag:s6] =	ssyncadd.s32 $0xFFFFFB00  }
0xfb: {  	_ =	sfence.sel $0x180000  }
0xfc: {  	[bflag:$0x0] =	sbarrier.arrive $0xFFFF  }
0xfd: {  	_ =	strace $0x9000004D  }
0xfe: {  	s0 =	stileid.u32;
	[bflag:$0x2] =	sbarrier.arrive $0xFFFF  }
0xff: {  	p0 =	sne.s32 s0, $0x0;
	s0 =	rddreg [dreg:$0x2]  }
0x100: {  	s0 =	sadd.s32 @!p0 $0x100000, s0  }
0x101: {  	[sflag:s0] =	ssyncadd.tile.s32 @!p0 $0x1;
	_ =	shalt  }
.Lfunc_end2:
_tile_overlayer_lowered:
.L_overlay_start_2:
0x102: {  	(tag) =	ssettag $0x2  }
0x103: {  	s0 =	rddreg [dreg:$0x0];
	s2 =	stileid.u32  }
0x104: {  	s1 =	rddreg [dreg:$0x1];
	p0 =	sne.s32 s2, $0x0  }
0x105: {  	s3 =	rddreg [dreg:$0x2];
	[bflag:$0x3] =	sbarrier.arrive $0xFFFF;
	s2 =	simm.s32 @!p0 $0x1C11  }
0x106: {  	[timem:s3], [sflag:s2] =	dma.local @!p0 [hbm:s0], s1  }
0x107: {  	s0 =	simm.s32 @!p0 $0x11  }
0x108: {  	_ =	swait.ge @!p0 [sflag:s0], s1  }
0x109: {  	s1 =	ssub.s32 @!p0 $0x0, s1;
	[sflag:s0] =	ssyncset.done @!p0 $0x0  }
0x10a: {  	[sflag:s0] =	ssyncadd.s32 @!p0 s1  }
0x10b: {  	[bflag:$0x3] =	sbarrier.arrive $0xFFFF  }
0x10c: {  	_ =	shalt  }

// kernel: kernel.8.cloned.1.call-start
scs
__scs_entry_jumppad:
0x0: {  	(pc) =	sbr.rel $0x88, $3  }
0x1: {  	(tag) =	ssettag $0x0;
	lr =	simm.s32 $0x1  }
0x2: {  	[smem:$0x3F9B] =	sst lr;
	_ =	strace $0xD0000000  }
0x3: {  	_ = 	snop  }
0x4: {  	_ = 	snop  }
0x5: {  	_ = 	snop  }
0x6: {  	_ = 	snop  }
0x7: {  	_ = 	snop  }
__scs_overlays_trampoline_lowered:
0x8: {  	[smem:$0x3FAA] =	sst s0  }
0x9: {  	[smem:$0x3FAB] =	sst s1  }
0xa: {  	[smem:$0x3FAC] =	sst s2  }
0xb: {  	[smem:$0x3FAD] =	sst s3  }
0xc: {  	[smem:$0x3FAE] =	sst s4  }
0xd: {  	[smem:$0x3FAF] =	sst s5  }
0xe: {  	[smem:$0x3FB0] =	sst s6  }
0xf: {  	[smem:$0x3FB1] =	sst s7  }
0x10: {  	[smem:$0x3FB2] =	sst s8  }
0x11: {  	[smem:$0x3FB3] =	sst s9;
	s0 =	simm.s32 @!p0 $0x0  }
0x12: {  	s1 =	sld [smem:$0x3F99];
	s0 =	simm.s32 @p0 $0x1  }
0x13: {  	[smem:$0x3FB4] =	sst s0;
	s0 =	simm.s32 @!p1 $0x0  }
0x14: {  	s2 =	sld [smem:$0x3F98];
	s0 =	simm.s32 @p1 $0x1  }
0x15: {  	[smem:$0x3FB5] =	sst s0;
	s0 =	simm.s32 @!p2 $0x0  }
0x16: {  	s3 =	sld [smem:$0x3FDB];
	s0 =	simm.s32 @p2 $0x1  }
0x17: {  	s4 =	simm.s32 $0x1BF5;
	[smem:$0x3FB7] =	sst s0  }
0x18: {  	s0 =	sld [smem:$0x3F9A];
	_ =	swait.ge [sflag:s4], $0x0  }
0x19: {  	s7 =	sld [smem:$0x3F9B]  }
0x1a: {  	s8 =	sadd.s32 $0xFFFFE003, lr  }
0x1b: {  	s9 =	sadd.s32 $0xFFFFFEF7, lr;
	s5 =	simm.s32 $0xFFFFFFFF;
	p2 =	slt.u32 s8, $0xFFFFF086  }
0x1c: {  	p1 =	slt.u32 s9, $0xF7A;
	s5 =	simm.s32 @!p2 $0x0  }
0x1d: {  	s5 =	simm.s32 @p1 $0x1;
	p0 =	seq.s32 s7, s2  }
0x1e: {  	s7 =	smul.u32 @!p0 $0xF7A, s2;
	p2 =	seq.s32 @!p0 s5, $0x0  }
0x1f: {  	s9 =	smul.u32 $0xF7A, s1;
	s8 =	simm.s32 @!p0 $0x1BF5;
	p2 =	por !p2, p0  }
0x20: {  	[sflag:s8] =	ssyncset.s32 @!p0 $0xFFFFF086;
	s6 =	sadd.s32 @!p0 s3, s7;
	s7 =	simm.s32 @!p0 $0x108  }
0x21: {  	s3 =	sadd.s32 s3, s9;
	s6 =	sadd.s32 @!p0 $0x88, s6;
	s7 =	simm.s32 @p2 $0x1082  }
0x22: {  	[simem:s7], [sflag:s8] =	dma.local @!p0 [hbm:s6], $0xF7A  }
0x23: {  	s9 =	sor.u32 $0xD0000000, s2;
	s6 =	simm.s32 $0x108;
	_ =	swait.ge @!p0 [sflag:s8], $0x0  }
0x24: {  	s3 =	sadd.s32 $0x88, s3;
	s6 =	simm.s32 @!p1 $0x1082;
	[sflag:s4] =	ssyncset.s32 $0xFFFFF086  }
0x25: {  	[simem:s6], [sflag:s4] =	dma.local [hbm:s3], $0xF7A  }
0x26: {  	[smem:$0x3F9B] =	sst s1;
	(tag) =	ssettag s2;
	_ =	strace s9  }
0x27: {  	s1 =	sld [smem:$0x3FAB]  }
0x28: {  	s2 =	sld [smem:$0x3FAC]  }
0x29: {  	s4 =	sld [smem:$0x3FAE]  }
0x2a: {  	p0 =	seq.s32 s5, $0x0;
	s5 =	sld [smem:$0x3FAF]  }
0x2b: {  	s6 =	sld [smem:$0x3FB0]  }
0x2c: {  	s7 =	sld [smem:$0x3FB1]  }
0x2d: {  	s3 =	simm.s32 $0x108;
	s8 =	sld [smem:$0x3FB2]  }
0x2e: {  	s3 =	simm.s32 @!p0 $0x1082;
	s9 =	sld [smem:$0x3FB3]  }
0x2f: {  	lr =	sadd.s32 s0, s3;
	s0 =	sld [smem:$0x3FAA]  }
0x30: {  	s3 =	sld [smem:$0x3FAD]  }
0x31: {  	[smem:$0x3FB6] =	sst s10  }
0x32: {  	s10 =	sld [smem:$0x3FB4];
	_ =	sdelay $0x3  }
0x33: {  	p0 =	seq.s32 s10, $0x1;
	s10 =	sld [smem:$0x3FB6];
	_ =	sdelay $0x3  }
0x34: {  	[smem:$0x3FB6] =	sst s10  }
0x35: {  	s10 =	sld [smem:$0x3FB5];
	_ =	sdelay $0x3  }
0x36: {  	p1 =	seq.s32 s10, $0x1;
	s10 =	sld [smem:$0x3FB6];
	_ =	sdelay $0x3  }
0x37: {  	[smem:$0x3FB6] =	sst s10  }
0x38: {  	s10 =	sld [smem:$0x3FB7]  }
0x39: {  	_ = 	snop;
	(pc) =	sbr.ind lr, $3  }
0x3a: {  	_ = 	snop  }
0x3b: {  	_ = 	snop  }
0x3c: {  	p2 =	seq.s32 s10, $0x1;
	s10 =	sld [smem:$0x3FB6]  }
0x3d: {  	_ =	shalt  }
0x3e: {  	_ =	shalt  }
0x3f: {  	_ =	shalt  }
0x40: {  	_ =	shalt  }
0x41: {  	_ =	shalt  }
0x42: {  	_ =	shalt  }
0x43: {  	_ =	shalt  }
0x44: {  	_ =	shalt  }
0x45: {  	_ =	shalt  }
0x46: {  	_ =	shalt  }
0x47: {  	_ =	shalt  }
0x48: {  	_ =	shalt  }
0x49: {  	_ =	shalt  }
0x4a: {  	_ =	shalt  }
0x4b: {  	_ =	shalt  }
0x4c: {  	_ =	shalt  }
0x4d: {  	_ =	shalt  }
0x4e: {  	_ =	shalt  }
0x4f: {  	_ =	shalt  }
0x50: {  	_ =	shalt  }
0x51: {  	_ =	shalt  }
0x52: {  	_ =	shalt  }
0x53: {  	_ =	shalt  }
0x54: {  	_ =	shalt  }
0x55: {  	_ =	shalt  }
0x56: {  	_ =	shalt  }
0x57: {  	_ =	shalt  }
0x58: {  	_ =	shalt  }
0x59: {  	_ =	shalt  }
0x5a: {  	_ =	shalt  }
0x5b: {  	_ =	shalt  }
0x5c: {  	_ =	shalt  }
0x5d: {  	_ =	shalt  }
0x5e: {  	_ =	shalt  }
0x5f: {  	_ =	shalt  }
0x60: {  	_ =	shalt  }
0x61: {  	_ =	shalt  }
0x62: {  	_ =	shalt  }
0x63: {  	_ =	shalt  }
0x64: {  	_ =	shalt  }
0x65: {  	_ =	shalt  }
0x66: {  	_ =	shalt  }
0x67: {  	_ =	shalt  }
0x68: {  	_ =	shalt  }
0x69: {  	_ =	shalt  }
0x6a: {  	_ =	shalt  }
0x6b: {  	_ =	shalt  }
0x6c: {  	_ =	shalt  }
0x6d: {  	_ =	shalt  }
0x6e: {  	_ =	shalt  }
0x6f: {  	_ =	shalt  }
0x70: {  	_ =	shalt  }
0x71: {  	_ =	shalt  }
0x72: {  	_ =	shalt  }
0x73: {  	_ =	shalt  }
0x74: {  	_ =	shalt  }
0x75: {  	_ =	shalt  }
0x76: {  	_ =	shalt  }
0x77: {  	_ =	shalt  }
0x78: {  	_ =	shalt  }
0x79: {  	_ =	shalt  }
0x7a: {  	_ =	shalt  }
0x7b: {  	_ =	shalt  }
0x7c: {  	_ =	shalt  }
0x7d: {  	_ =	shalt  }
0x7e: {  	_ =	shalt  }
0x7f: {  	_ =	shalt  }
0x80: {  	_ =	shalt  }
0x81: {  	_ =	shalt  }
0x82: {  	_ =	shalt  }
0x83: {  	_ =	shalt  }
0x84: {  	_ =	shalt  }
0x85: {  	_ =	shalt  }
0x86: {  	_ =	shalt  }
0x87: {  	_ =	shalt  }
.Lfunc_end0:
.L_simem_size_0:
called_computation_lowered:
.L_overlay_start_0:
0x88: {  	s2 =	sld [smem:$0x3FD9]  }
0x89: {  	s3 =	sld [smem:$0x3FFE];
	_ =	sdelay $0x1  }
0x8a: {  	s1 =	srdreg.scid  }
0x8b: {  	s0 =	sand.u32 $0x1, s1  }
0x8c: {  	s17 =	sshll.u32 s0, $0xA;
	s2 =	sadd.s32 s3, s2  }
0x8d: {  	s2 =	sadd.s32 s2, s17  }
0x8e: {  	[smem:$0x3FC2] =	sst s2  }
0x8f: {  	_ = 	snop  }
0x90: {  	s2 =	sld [smem:$0x3FD0];
	(tm) =	ssettm $0x1  }
0x91: {  	s18 =	sld [smem:$0x3FFB];
	_ =	sdelay $0x3  }
0x92: {  	_ =	strace s18  }
0x93: {  	s3 =	sld [smem:$0x3FFC];
	_ =	sdelay $0x3  }
0x94: {  	_ =	strace s3  }
0x95: {  	s3 =	sld [smem:$0x3FFD];
	_ =	sdelay $0x3  }
0x96: {  	_ =	strace s3  }
0x97: {  	_ =	strace $0x8FFFFFFF  }
0x98: {  	s19 =	sld [smem:$0x3FDB];
	_ =	sdelay $0x1  }
0x99: {  	s4 =	simm.s32 $_scs_section_size  }
0x9a: {  	s5 =	simm.s32 $_size__tile_overlayer_lowered;
	s6 =	simm.s32 $_tile_overlayer_lowered  }
0x9b: {  	s22 =	simm.s32 $0x1BFF;
	s21 =	sshll.u32 s6, $0x1;
	s3 =	sadd.s32 s4, s19  }
0x9c: {  	s7 =	simm.s32 $0x0;
	s20 =	sshll.u32 s5, $0x1;
	s5 =	sadd.s32 s21, s3  }
0x9d: {  	[timem:s7], [sflag:s22] =	dma.local [hbm:s5], s20  }
0x9e: {  	_ =	swait.ge [sflag:s22], s20  }
0x9f: {  	s4 =	ssub.s32 $0x0, s20;
	[sflag:s22] =	ssyncset.done $0x0  }
0xa0: {  	[sflag:s22] =	ssyncadd.s32 s4;
	_ =	sdelay $0x1  }
0xa1: {  	s23 =	simm.s32 $0x1B8B  }
0xa2: {  	_ =	swait.ge [sflag:s23], $0x1  }
0xa3: {  	[sflag:s23] =	ssyncset.done $0x0  }
0xa4: {  	s25 =	simm.s32 $0x1B8E;
	s24 =	sld [smem:$0x3FFE];
	[sflag:s23] =	ssyncadd.s32 $0xFFFFFFFF  }
0xa5: {  	s26 =	simm.s32 $execute0_lowered;
	[smem:$0x3FD2] =	sst s25  }
0xa6: {  	s5 =	sshll.u32 s26, $0x1;
	_ =	strace $0x80000046;
	[dreg:$0x1] =	wrdreg $0xFFFFFFFF  }
0xa7: {  	s28 =	simm.s32 $_size_execute0_lowered;
	s3 =	sadd.s32 s3, s5;
	[dreg:$0x0] =	wrdreg $0x0  }
0xa8: {  	s5 =	sshll.u32 s28, $0x1;
	[dreg:$0x2] =	wrdreg s3  }
0xa9: {  	[dreg:$0x3] =	wrdreg s5  }
0xaa: {  	[dreg:$0x4] =	wrdreg $0xC0  }
0xab: {  	_ =	task [dreg:s7], $0x5FFFF  }
0xac: {  	[dreg:$0x1] =	wrdreg $0xFFFFFFFF  }
0xad: {  	[dreg:$0x0] =	wrdreg $0x60  }
0xae: {  	[dreg:$0x2] =	wrdreg s24  }
0xaf: {  	[dreg:$0x3] =	wrdreg s2  }
0xb0: {  	[dreg:$0x4] =	wrdreg $0x2FD00  }
0xb1: {  	[dreg:$0x5] =	wrdreg $0x9  }
0xb2: {  	_ =	task.clear_ibuf [dreg:s7], $0x6FFFF;
	_ =	strace $0x90000046  }
0xb3: {  	s29 =	simm.s32 $0x9;
	_ =	strace $0x80000048  }
0xb4: {  	_ =	swait.ge [sflag:s29], $0x1  }
0xb5: {  	[sflag:s29] =	ssyncadd.s32 $0xFFFFFFFF  }
0xb6: {  	_ =	strace $0x90000048  }
0xb7: {  	_ =	sfence  }
0xb8: {  	s30 =	sld [smem:$0x0];
	_ =	sdelay $0x2  }
0xb9: {  	s31 =	sshll.u32 s1, $0xD;
	s1 =	sshrl.u32 s1, $0x2  }
0xba: {  	s3 =	sand.u32 $0x4000, s31;
	s1 =	sadd.s32 s1, s30  }
0xbb: {  	s0 =	sor.u32 s3, s0;
	s1 =	sshll.u32 s1, $0x11  }
0xbc: {  	s0 =	sor.u32 s1, s0  }
0xbd: {  	s0 =	sadd.s32 $0x8F2B, s0  }
0xbe: {  	[sflag:s0] =	ssyncadd.remote.s32 $0x1  }
0xbf: {  	_ =	sfence.sel $0xFFFF  }
0xc0: {  	[dreg:$0x0] =	wrdreg $0xFFFFFFFF;
	(pc) =	sbr.abs _section_cstart, $3  }
0xc1: {  	[dreg:$0x1] =	wrdreg $0xFFFFFFFF  }
0xc2: {  	_ =	task.clear_ibuf [dreg:s7], $0x2FFFF;
	_ =	strace $0x9FFFFFFF  }
0xc3: {  	(tm) =	ssettm $0x7FFFFFFF  }
tec
execute0_lowered:
.L_overlay_start_1:
0x0: {  	(tag) =	ssettag $0x1  }
0x1: {  	s0 =	srdreg.scid;
	s1 =	rddreg [dreg:$0x0]  }
0x2: {  	s8 =	stileid.u32;
	s3 =	rddreg [dreg:$0x2];
	s4 =	simm.s32 $0x0  }
0x3: {  	s11 =	simm.s32 $0x3;
	s12 =	simm.s32 $0x2800;
	s13 =	simm.s32 $0x7D  }
0x4: {  	s17 =	simm.s32 $0x200;
	s18 =	simm.s32 $0x280;
	s19 =	simm.s32 $0x300  }
0x5: {  	s20 =	simm.s32 $0x380;
	s21 =	simm.s32 $0x1;
	s22 =	simm.s32 $0x2  }
0x6: {  	s23 =	simm.s32 $0x2400;
	s28 =	simm.s32 $0x2600;
	s29 =	simm.s32 $0x2680  }
0x7: {  	s30 =	simm.s32 $0x2700;
	s31 =	simm.s32 $0x2780;
	s5 =	smul.u32 $0x500, s8  }
0x8: {  	s0 =	sand.u32 $0x1, s0;
	[smem:$0x7FF] =	sst s4;
	s7 =	smul.u32 $0xA000, s8  }
0x9: {  	s26 =	sshll.u32 s8, $0x6;
	s2 =	sshll.u32 s0, $0x4;
	s6 =	smul.u32 $0x5000, s0  }
0xa: {  	_ =	strace $0x80000047;
	s0 =	ssub.s32 $0x2, s0;
	s2 =	sor.u32 s8, s2  }
0xb: {  	s24 =	sshrl.u32 s0, $0x1;
	s25 =	sshrl.u32 s7, $0x2;
	s2 =	smul.u32 $0x500, s2  }
0xc: {  	s6 =	sadd.s32 s5, s6;
	s5 =	sadd.s32 $0xB400, s1;
	s0 =	ssub.s32 s0, s24  }
0xd: {  	s10 =	sadd.s32 s25, s3;
	s24 =	simm.s32 $0x2480;
	s25 =	simm.s32 $0x2500  }
0xe: {  	s9 =	smax.u32 s0, $0x1;
	s10 =	sshrl.u32 s10, $0x3;
	s2 =	sadd.s32 s2, s1  }
0xf: {  	s1 =	sadd.s32 s6, s1;
	s6 =	sor.u32 $0x1C03, s26;
	s26 =	simm.s32 $0x2580  }
0x10: {  	s7 =	sadd.s32 $0x1400, s2;
	s8 =	sadd.s32 $0xBA00, s1;
	s1 =	simm.s32 $0x0  }
.LBB2_1:
0x11: {  	[spmem:s10], [sflag:s6] =	dma.local [hbm:s5], $0x500  }
0x12: {  	_ =	swait.ge [sflag:s11], $0x500  }
0x13: {  	[sflag:s11] =	ssyncset.done $0x0  }
0x14: {  	[sflag:s11] =	ssyncadd.s32 $0xFFFFFB00  }
0x15: {  	s0 =	rddreg [dreg:$0x1]  }
0x16: {  	[tilespmem:s12], [sflag:$0x3] =	stream.linear.gather [hbm4b:s0+s4], $0x7D0, $0x38;
	[tilespmem:$0x57D0] =	vst v63  }
0x17: {  	_ =	swait.ge [sflag:s11], $0x7D0  }
0x18: {  	[sflag:s11] =	ssyncset.done $0x0  }
0x19: {  	[sflag:s11] =	ssyncadd.s32 $0xFFFFF830  }
0x1a: {  	[tilespmem:s4], [sflag:$0x3] =	stream.linear.gather [hbm4b:s7+s4], $0x2800, $0x38;
	[tilespmem:$0x57D0] =	vst v63  }
0x1b: {  	_ =	swait.ge [sflag:s11], $0x2800  }
0x1c: {  	[sflag:s11] =	ssyncset.done $0x0  }
0x1d: {  	[sflag:s11] =	ssyncadd.s32 $0xFFFFD800  }
0x1e: {  	[bflag:$0x0] =	sbarrier.arrive $0xFFFF  }
0x1f: {  	[spmem:s3] =	stream.indirect.scatter.add.f32 [tilespmem:s12], [sflag:$0x1], $0x10, s4, s13, $0xb8;
	[tilespmem:$0x57D0] =	vst v63  }
0x20: {  	s14 =	simm.s32 $0x80  }
0x21: {  	[spmem:s3] =	stream.indirect.scatter.add.f32 [tilespmem:s12], [sflag:$0x1], $0x10, s14, s13, $0xb8;
	[tilespmem:$0x57D0] =	vst v63  }
0x22: {  	s15 =	simm.s32 $0x100  }
0x23: {  	[spmem:s3] =	stream.indirect.scatter.add.f32 [tilespmem:s12], [sflag:$0x1], $0x10, s15, s13, $0xb8;
	[tilespmem:$0x57D0] =	vst v63  }
0x24: {  	s16 =	simm.s32 $0x180  }
0x25: {  	[spmem:s3] =	stream.indirect.scatter.add.f32 [tilespmem:s12], [sflag:$0x1], $0x10, s16, s13, $0xb8;
	[tilespmem:$0x57D0] =	vst v63  }
0x26: {  	_ = 	snop  }
0x27: {  	[spmem:s3] =	stream.indirect.scatter.add.f32 [tilespmem:s12], [sflag:$0x1], $0x10, s17, s13, $0xb8;
	[tilespmem:$0x57D0] =	vst v63  }
0x28: {  	_ = 	snop  }
0x29: {  	[spmem:s3] =	stream.indirect.scatter.add.f32 [tilespmem:s12], [sflag:$0x1], $0x10, s18, s13, $0xb8;
	[tilespmem:$0x57D0] =	vst v63  }
0x2a: {  	_ = 	snop  }
0x2b: {  	[spmem:s3] =	stream.indirect.scatter.add.f32 [tilespmem:s12], [sflag:$0x1], $0x10, s19, s13, $0xb8;
	[tilespmem:$0x57D0] =	vst v63  }
0x2c: {  	_ = 	snop  }
0x2d: {  	[spmem:s3] =	stream.indirect.scatter.add.f32 [tilespmem:s12], [sflag:$0x1], $0x10, s20, s13, $0xb8;
	[tilespmem:$0x57D0] =	vst v63  }
0x2e: {  	s2 =	simm.s32 $0x400  }
0x2f: {  	[spmem:s3] =	stream.indirect.scatter.add.f32 [tilespmem:s12], [sflag:$0x2], $0x10, s2, s13, $0xb8;
	[tilespmem:$0x57D0] =	vst v63  }
0x30: {  	s14 =	simm.s32 $0x480  }
0x31: {  	[spmem:s3] =	stream.indirect.scatter.add.f32 [tilespmem:s12], [sflag:$0x2], $0x10, s14, s13, $0xb8;
	[tilespmem:$0x57D0] =	vst v63  }
0x32: {  	s15 =	simm.s32 $0x500  }
0x33: {  	[spmem:s3] =	stream.indirect.scatter.add.f32 [tilespmem:s12], [sflag:$0x2], $0x10, s15, s13, $0xb8;
	[tilespmem:$0x57D0] =	vst v63  }
0x34: {  	s16 =	simm.s32 $0x580  }
0x35: {  	[spmem:s3] =	stream.indirect.scatter.add.f32 [tilespmem:s12], [sflag:$0x2], $0x10, s16, s13, $0xb8;
	[tilespmem:$0x57D0] =	vst v63  }
0x36: {  	s2 =	simm.s32 $0x600  }
0x37: {  	[spmem:s3] =	stream.indirect.scatter.add.f32 [tilespmem:s12], [sflag:$0x2], $0x10, s2, s13, $0xb8;
	[tilespmem:$0x57D0] =	vst v63  }
0x38: {  	s14 =	simm.s32 $0x680  }
0x39: {  	[spmem:s3] =	stream.indirect.scatter.add.f32 [tilespmem:s12], [sflag:$0x2], $0x10, s14, s13, $0xb8;
	[tilespmem:$0x57D0] =	vst v63  }
0x3a: {  	s15 =	simm.s32 $0x700  }
0x3b: {  	[spmem:s3] =	stream.indirect.scatter.add.f32 [tilespmem:s12], [sflag:$0x2], $0x10, s15, s13, $0xb8;
	[tilespmem:$0x57D0] =	vst v63  }
0x3c: {  	s16 =	simm.s32 $0x780  }
0x3d: {  	[spmem:s3] =	stream.indirect.scatter.add.f32 [tilespmem:s12], [sflag:$0x2], $0x10, s16, s13, $0xb8;
	[tilespmem:$0x57D0] =	vst v63  }
0x3e: {  	_ =	swait.ge [sflag:s21], $0x7D0  }
0x3f: {  	[sflag:s21] =	ssyncset.done $0x0  }
0x40: {  	[sflag:s21] =	ssyncadd.s32 $0xFFFFF830  }
0x41: {  	_ =	swait.ge [sflag:s21], $0x7D0  }
0x42: {  	[sflag:s21] =	ssyncset.done $0x0  }
0x43: {  	[sflag:s21] =	ssyncadd.s32 $0xFFFFF830  }
0x44: {  	_ =	swait.ge [sflag:s21], $0x7D0  }
0x45: {  	[sflag:s21] =	ssyncset.done $0x0  }
0x46: {  	[sflag:s21] =	ssyncadd.s32 $0xFFFFF830  }
0x47: {  	_ =	swait.ge [sflag:s21], $0x7D0  }
0x48: {  	[sflag:s21] =	ssyncset.done $0x0  }
0x49: {  	[sflag:s21] =	ssyncadd.s32 $0xFFFFF830  }
0x4a: {  	_ =	swait.ge [sflag:s21], $0x7D0  }
0x4b: {  	[sflag:s21] =	ssyncset.done $0x0  }
0x4c: {  	[sflag:s21] =	ssyncadd.s32 $0xFFFFF830  }
0x4d: {  	_ =	swait.ge [sflag:s21], $0x7D0  }
0x4e: {  	[sflag:s21] =	ssyncset.done $0x0  }
0x4f: {  	[sflag:s21] =	ssyncadd.s32 $0xFFFFF830  }
0x50: {  	_ =	swait.ge [sflag:s21], $0x7D0  }
0x51: {  	[sflag:s21] =	ssyncset.done $0x0  }
0x52: {  	[sflag:s21] =	ssyncadd.s32 $0xFFFFF830  }
0x53: {  	_ =	swait.ge [sflag:s21], $0x7D0  }
0x54: {  	[sflag:s21] =	ssyncset.done $0x0  }
0x55: {  	s2 =	simm.s32 $0x800;
	[sflag:s21] =	ssyncadd.s32 $0xFFFFF830  }
0x56: {  	[spmem:s3] =	stream.indirect.scatter.add.f32 [tilespmem:s12], [sflag:$0x1], $0x10, s2, s13, $0xb8;
	[tilespmem:$0x57D0] =	vst v63  }
0x57: {  	s14 =	simm.s32 $0x880  }
0x58: {  	[spmem:s3] =	stream.indirect.scatter.add.f32 [tilespmem:s12], [sflag:$0x1], $0x10, s14, s13, $0xb8;
	[tilespmem:$0x57D0] =	vst v63  }
0x59: {  	s15 =	simm.s32 $0x900  }
0x5a: {  	[spmem:s3] =	stream.indirect.scatter.add.f32 [tilespmem:s12], [sflag:$0x1], $0x10, s15, s13, $0xb8;
	[tilespmem:$0x57D0] =	vst v63  }
0x5b: {  	s16 =	simm.s32 $0x980  }
0x5c: {  	[spmem:s3] =	stream.indirect.scatter.add.f32 [tilespmem:s12], [sflag:$0x1], $0x10, s16, s13, $0xb8;
	[tilespmem:$0x57D0] =	vst v63  }
0x5d: {  	s2 =	simm.s32 $0xA00  }
0x5e: {  	[spmem:s3] =	stream.indirect.scatter.add.f32 [tilespmem:s12], [sflag:$0x1], $0x10, s2, s13, $0xb8;
	[tilespmem:$0x57D0] =	vst v63  }
0x5f: {  	s14 =	simm.s32 $0xA80  }
0x60: {  	[spmem:s3] =	stream.indirect.scatter.add.f32 [tilespmem:s12], [sflag:$0x1], $0x10, s14, s13, $0xb8;
	[tilespmem:$0x57D0] =	vst v63  }
0x61: {  	s15 =	simm.s32 $0xB00  }
0x62: {  	[spmem:s3] =	stream.indirect.scatter.add.f32 [tilespmem:s12], [sflag:$0x1], $0x10, s15, s13, $0xb8;
	[tilespmem:$0x57D0] =	vst v63  }
0x63: {  	s16 =	simm.s32 $0xB80  }
0x64: {  	[spmem:s3] =	stream.indirect.scatter.add.f32 [tilespmem:s12], [sflag:$0x1], $0x10, s16, s13, $0xb8;
	[tilespmem:$0x57D0] =	vst v63  }
0x65: {  	_ =	swait.ge [sflag:s22], $0x7D0  }
0x66: {  	[sflag:s22] =	ssyncset.done $0x0  }
0x67: {  	[sflag:s22] =	ssyncadd.s32 $0xFFFFF830  }
0x68: {  	_ =	swait.ge [sflag:s22], $0x7D0  }
0x69: {  	[sflag:s22] =	ssyncset.done $0x0  }
0x6a: {  	[sflag:s22] =	ssyncadd.s32 $0xFFFFF830  }
0x6b: {  	_ =	swait.ge [sflag:s22], $0x7D0  }
0x6c: {  	[sflag:s22] =	ssyncset.done $0x0  }
0x6d: {  	[sflag:s22] =	ssyncadd.s32 $0xFFFFF830  }
0x6e: {  	_ =	swait.ge [sflag:s22], $0x7D0  }
0x6f: {  	[sflag:s22] =	ssyncset.done $0x0  }
0x70: {  	[sflag:s22] =	ssyncadd.s32 $0xFFFFF830  }
0x71: {  	_ =	swait.ge [sflag:s22], $0x7D0  }
0x72: {  	[sflag:s22] =	ssyncset.done $0x0  }
0x73: {  	[sflag:s22] =	ssyncadd.s32 $0xFFFFF830  }
0x74: {  	_ =	swait.ge [sflag:s22], $0x7D0  }
0x75: {  	[sflag:s22] =	ssyncset.done $0x0  }
0x76: {  	[sflag:s22] =	ssyncadd.s32 $0xFFFFF830  }
0x77: {  	_ =	swait.ge [sflag:s22], $0x7D0  }
0x78: {  	[sflag:s22] =	ssyncset.done $0x0  }
0x79: {  	[sflag:s22] =	ssyncadd.s32 $0xFFFFF830  }
0x7a: {  	_ =	swait.ge [sflag:s22], $0x7D0  }
0x7b: {  	s0 =	simm.s32 $0x800;
	s2 =	simm.s32 $0x4000;
	[sflag:s22] =	ssyncset.done $0x0  }
.LBB2_2:
0x7c: {  	s16 =	sadd.s32 $0x400, s0  }
0x7d: {  	[sflag:s22] =	ssyncadd.s32 $0xFFFFF830;
	s14 =	smov.u32 s2;
	s15 =	sadd.s32 $0x2000, s2  }
0x7e: {  	[spmem:s3] =	stream.indirect.scatter.add.f32 [tilespmem:s12], [sflag:$0x2], $0x10, s16, s13, $0xb8;
	[tilespmem:$0x57D0] =	vst v63  }
0x7f: {  	p0 =	sne.s32 s2, $0x6000;
	s2 =	sadd.s32 $0x480, s0  }
0x80: {  	[spmem:s3] =	stream.indirect.scatter.add.f32 [tilespmem:s12], [sflag:$0x2], $0x10, s2, s13, $0xb8;
	[tilespmem:$0x57D0] =	vst v63  }
0x81: {  	s2 =	sadd.s32 $0x500, s0  }
0x82: {  	[spmem:s3] =	stream.indirect.scatter.add.f32 [tilespmem:s12], [sflag:$0x2], $0x10, s2, s13, $0xb8;
	[tilespmem:$0x57D0] =	vst v63  }
0x83: {  	s2 =	sadd.s32 $0x580, s0  }
0x84: {  	[spmem:s3] =	stream.indirect.scatter.add.f32 [tilespmem:s12], [sflag:$0x2], $0x10, s2, s13, $0xb8;
	[tilespmem:$0x57D0] =	vst v63  }
0x85: {  	s2 =	sadd.s32 $0x600, s0  }
0x86: {  	[spmem:s3] =	stream.indirect.scatter.add.f32 [tilespmem:s12], [sflag:$0x2], $0x10, s2, s13, $0xb8;
	[tilespmem:$0x57D0] =	vst v63  }
0x87: {  	s2 =	sadd.s32 $0x680, s0  }
0x88: {  	[spmem:s3] =	stream.indirect.scatter.add.f32 [tilespmem:s12], [sflag:$0x2], $0x10, s2, s13, $0xb8;
	[tilespmem:$0x57D0] =	vst v63  }
0x89: {  	s2 =	sadd.s32 $0x700, s0  }
0x8a: {  	[spmem:s3] =	stream.indirect.scatter.add.f32 [tilespmem:s12], [sflag:$0x2], $0x10, s2, s13, $0xb8;
	[tilespmem:$0x57D0] =	vst v63  }
0x8b: {  	s2 =	sadd.s32 $0x780, s0  }
0x8c: {  	[spmem:s3] =	stream.indirect.scatter.add.f32 [tilespmem:s12], [sflag:$0x2], $0x10, s2, s13, $0xb8;
	[tilespmem:$0x57D0] =	vst v63  }
0x8d: {  	_ =	swait.ge [sflag:s21], $0x7D0  }
0x8e: {  	[sflag:s21] =	ssyncset.done $0x0  }
0x8f: {  	[sflag:s21] =	ssyncadd.s32 $0xFFFFF830  }
0x90: {  	_ =	swait.ge [sflag:s21], $0x7D0  }
0x91: {  	[sflag:s21] =	ssyncset.done $0x0  }
0x92: {  	[sflag:s21] =	ssyncadd.s32 $0xFFFFF830  }
0x93: {  	_ =	swait.ge [sflag:s21], $0x7D0  }
0x94: {  	[sflag:s21] =	ssyncset.done $0x0  }
0x95: {  	[sflag:s21] =	ssyncadd.s32 $0xFFFFF830  }
0x96: {  	_ =	swait.ge [sflag:s21], $0x7D0  }
0x97: {  	[sflag:s21] =	ssyncset.done $0x0  }
0x98: {  	[sflag:s21] =	ssyncadd.s32 $0xFFFFF830  }
0x99: {  	_ =	swait.ge [sflag:s21], $0x7D0  }
0x9a: {  	[sflag:s21] =	ssyncset.done $0x0  }
0x9b: {  	[sflag:s21] =	ssyncadd.s32 $0xFFFFF830  }
0x9c: {  	_ =	swait.ge [sflag:s21], $0x7D0  }
0x9d: {  	[sflag:s21] =	ssyncset.done $0x0  }
0x9e: {  	[sflag:s21] =	ssyncadd.s32 $0xFFFFF830  }
0x9f: {  	_ =	swait.ge [sflag:s21], $0x7D0  }
0xa0: {  	[sflag:s21] =	ssyncset.done $0x0  }
0xa1: {  	[sflag:s21] =	ssyncadd.s32 $0xFFFFF830  }
0xa2: {  	_ =	swait.ge [sflag:s21], $0x7D0  }
0xa3: {  	[sflag:s21] =	ssyncset.done $0x0  }
0xa4: {  	s2 =	sadd.s32 $0x800, s0;
	[sflag:s21] =	ssyncadd.s32 $0xFFFFF830  }
0xa5: {  	[spmem:s3] =	stream.indirect.scatter.add.f32 [tilespmem:s12], [sflag:$0x1], $0x10, s2, s13, $0xb8;
	[tilespmem:$0x57D0] =	vst v63  }
0xa6: {  	s2 =	sadd.s32 $0x880, s0  }
0xa7: {  	[spmem:s3] =	stream.indirect.scatter.add.f32 [tilespmem:s12], [sflag:$0x1], $0x10, s2, s13, $0xb8;
	[tilespmem:$0x57D0] =	vst v63  }
0xa8: {  	s2 =	sadd.s32 $0x900, s0  }
0xa9: {  	[spmem:s3] =	stream.indirect.scatter.add.f32 [tilespmem:s12], [sflag:$0x1], $0x10, s2, s13, $0xb8;
	[tilespmem:$0x57D0] =	vst v63  }
0xaa: {  	s2 =	sadd.s32 $0x980, s0  }
0xab: {  	[spmem:s3] =	stream.indirect.scatter.add.f32 [tilespmem:s12], [sflag:$0x1], $0x10, s2, s13, $0xb8;
	[tilespmem:$0x57D0] =	vst v63  }
0xac: {  	s2 =	sadd.s32 $0xA00, s0  }
0xad: {  	[spmem:s3] =	stream.indirect.scatter.add.f32 [tilespmem:s12], [sflag:$0x1], $0x10, s2, s13, $0xb8;
	[tilespmem:$0x57D0] =	vst v63  }
0xae: {  	s2 =	sadd.s32 $0xA80, s0  }
0xaf: {  	[spmem:s3] =	stream.indirect.scatter.add.f32 [tilespmem:s12], [sflag:$0x1], $0x10, s2, s13, $0xb8;
	[tilespmem:$0x57D0] =	vst v63  }
0xb0: {  	s2 =	sadd.s32 $0xB00, s0  }
0xb1: {  	[spmem:s3] =	stream.indirect.scatter.add.f32 [tilespmem:s12], [sflag:$0x1], $0x10, s2, s13, $0xb8;
	[tilespmem:$0x57D0] =	vst v63  }
0xb2: {  	s0 =	sadd.s32 $0xB80, s0  }
0xb3: {  	[spmem:s3] =	stream.indirect.scatter.add.f32 [tilespmem:s12], [sflag:$0x1], $0x10, s0, s13, $0xb8;
	[tilespmem:$0x57D0] =	vst v63  }
0xb4: {  	_ =	swait.ge [sflag:s22], $0x7D0  }
0xb5: {  	[sflag:s22] =	ssyncset.done $0x0  }
0xb6: {  	[sflag:s22] =	ssyncadd.s32 $0xFFFFF830  }
0xb7: {  	_ =	swait.ge [sflag:s22], $0x7D0  }
0xb8: {  	[sflag:s22] =	ssyncset.done $0x0  }
0xb9: {  	[sflag:s22] =	ssyncadd.s32 $0xFFFFF830  }
0xba: {  	_ =	swait.ge [sflag:s22], $0x7D0  }
0xbb: {  	[sflag:s22] =	ssyncset.done $0x0  }
0xbc: {  	[sflag:s22] =	ssyncadd.s32 $0xFFFFF830  }
0xbd: {  	_ =	swait.ge [sflag:s22], $0x7D0  }
0xbe: {  	[sflag:s22] =	ssyncset.done $0x0  }
0xbf: {  	[sflag:s22] =	ssyncadd.s32 $0xFFFFF830  }
0xc0: {  	_ =	swait.ge [sflag:s22], $0x7D0  }
0xc1: {  	[sflag:s22] =	ssyncset.done $0x0  }
0xc2: {  	[sflag:s22] =	ssyncadd.s32 $0xFFFFF830  }
0xc3: {  	_ =	swait.ge [sflag:s22], $0x7D0  }
0xc4: {  	[sflag:s22] =	ssyncset.done $0x0  }
0xc5: {  	[sflag:s22] =	ssyncadd.s32 $0xFFFFF830  }
.Ltmp0:
0xc6: {  	_ =	swait.ge [sflag:s22], $0x7D0;
	(pc) =	sbr.rel @p0 .LBB2_2-.Ltmp0, $4  }
0xc7: {  	[sflag:s22] =	ssyncset.done $0x0  }
0xc8: {  	[sflag:s22] =	ssyncadd.s32 $0xFFFFF830  }
0xc9: {  	_ =	swait.ge [sflag:s22], $0x7D0  }
0xca: {  	s2 =	smov.u32 s15;
	s0 =	sshra.s32 s14, $0x2;
	[sflag:s22] =	ssyncset.done $0x0  }
0xcb: {  	s2 =	sadd.s32 $0x400, s0;
	[sflag:s22] =	ssyncadd.s32 $0xFFFFF830  }
0xcc: {  	[spmem:s3] =	stream.indirect.scatter.add.f32 [tilespmem:s12], [sflag:$0x2], $0x10, s2, s13, $0xb8;
	[tilespmem:$0x57D0] =	vst v63  }
0xcd: {  	s14 =	sadd.s32 $0x480, s0  }
0xce: {  	[spmem:s3] =	stream.indirect.scatter.add.f32 [tilespmem:s12], [sflag:$0x2], $0x10, s14, s13, $0xb8;
	[tilespmem:$0x57D0] =	vst v63  }
0xcf: {  	s15 =	sadd.s32 $0x500, s0  }
0xd0: {  	[spmem:s3] =	stream.indirect.scatter.add.f32 [tilespmem:s12], [sflag:$0x2], $0x10, s15, s13, $0xb8;
	[tilespmem:$0x57D0] =	vst v63  }
0xd1: {  	s16 =	sadd.s32 $0x580, s0  }
0xd2: {  	[spmem:s3] =	stream.indirect.scatter.add.f32 [tilespmem:s12], [sflag:$0x2], $0x10, s16, s13, $0xb8;
	[tilespmem:$0x57D0] =	vst v63  }
0xd3: {  	s14 =	sadd.s32 $0x600, s0  }
0xd4: {  	[spmem:s3] =	stream.indirect.scatter.add.f32 [tilespmem:s12], [sflag:$0x2], $0x10, s14, s13, $0xb8;
	[tilespmem:$0x57D0] =	vst v63  }
0xd5: {  	s15 =	sadd.s32 $0x680, s0  }
0xd6: {  	[spmem:s3] =	stream.indirect.scatter.add.f32 [tilespmem:s12], [sflag:$0x2], $0x10, s15, s13, $0xb8;
	[tilespmem:$0x57D0] =	vst v63  }
0xd7: {  	s16 =	sadd.s32 $0x700, s0  }
0xd8: {  	[spmem:s3] =	stream.indirect.scatter.add.f32 [tilespmem:s12], [sflag:$0x2], $0x10, s16, s13, $0xb8;
	[tilespmem:$0x57D0] =	vst v63  }
0xd9: {  	s14 =	sadd.s32 $0x780, s0  }
0xda: {  	[spmem:s3] =	stream.indirect.scatter.add.f32 [tilespmem:s12], [sflag:$0x2], $0x10, s14, s13, $0xb8;
	[tilespmem:$0x57D0] =	vst v63  }
0xdb: {  	_ =	swait.ge [sflag:s21], $0x7D0  }
0xdc: {  	[sflag:s21] =	ssyncset.done $0x0  }
0xdd: {  	[sflag:s21] =	ssyncadd.s32 $0xFFFFF830  }
0xde: {  	_ =	swait.ge [sflag:s21], $0x7D0  }
0xdf: {  	[sflag:s21] =	ssyncset.done $0x0  }
0xe0: {  	[sflag:s21] =	ssyncadd.s32 $0xFFFFF830  }
0xe1: {  	_ =	swait.ge [sflag:s21], $0x7D0  }
0xe2: {  	[sflag:s21] =	ssyncset.done $0x0  }
0xe3: {  	[sflag:s21] =	ssyncadd.s32 $0xFFFFF830  }
0xe4: {  	_ =	swait.ge [sflag:s21], $0x7D0  }
0xe5: {  	[sflag:s21] =	ssyncset.done $0x0  }
0xe6: {  	[sflag:s21] =	ssyncadd.s32 $0xFFFFF830  }
0xe7: {  	_ =	swait.ge [sflag:s21], $0x7D0  }
0xe8: {  	[sflag:s21] =	ssyncset.done $0x0  }
0xe9: {  	[sflag:s21] =	ssyncadd.s32 $0xFFFFF830  }
0xea: {  	_ =	swait.ge [sflag:s21], $0x7D0  }
0xeb: {  	[sflag:s21] =	ssyncset.done $0x0  }
0xec: {  	[sflag:s21] =	ssyncadd.s32 $0xFFFFF830  }
0xed: {  	_ =	swait.ge [sflag:s21], $0x7D0  }
0xee: {  	[sflag:s21] =	ssyncset.done $0x0  }
0xef: {  	[sflag:s21] =	ssyncadd.s32 $0xFFFFF830  }
0xf0: {  	_ =	swait.ge [sflag:s21], $0x7D0  }
0xf1: {  	[sflag:s21] =	ssyncset.done $0x0  }
0xf2: {  	s15 =	sadd.s32 $0x800, s0;
	[sflag:s21] =	ssyncadd.s32 $0xFFFFF830  }
0xf3: {  	[spmem:s3] =	stream.indirect.scatter.add.f32 [tilespmem:s12], [sflag:$0x1], $0x10, s15, s13, $0xb8;
	[tilespmem:$0x57D0] =	vst v63  }
0xf4: {  	s16 =	sadd.s32 $0x880, s0  }
0xf5: {  	[spmem:s3] =	stream.indirect.scatter.add.f32 [tilespmem:s12], [sflag:$0x1], $0x10, s16, s13, $0xb8;
	[tilespmem:$0x57D0] =	vst v63  }
0xf6: {  	s14 =	sadd.s32 $0x900, s0  }
0xf7: {  	[spmem:s3] =	stream.indirect.scatter.add.f32 [tilespmem:s12], [sflag:$0x1], $0x10, s14, s13, $0xb8;
	[tilespmem:$0x57D0] =	vst v63  }
0xf8: {  	s15 =	sadd.s32 $0x980, s0  }
0xf9: {  	[spmem:s3] =	stream.indirect.scatter.add.f32 [tilespmem:s12], [sflag:$0x1], $0x10, s15, s13, $0xb8;
	[tilespmem:$0x57D0] =	vst v63  }
0xfa: {  	s16 =	sadd.s32 $0xA00, s0  }
0xfb: {  	[spmem:s3] =	stream.indirect.scatter.add.f32 [tilespmem:s12], [sflag:$0x1], $0x10, s16, s13, $0xb8;
	[tilespmem:$0x57D0] =	vst v63  }
0xfc: {  	s14 =	sadd.s32 $0xA80, s0  }
0xfd: {  	[spmem:s3] =	stream.indirect.scatter.add.f32 [tilespmem:s12], [sflag:$0x1], $0x10, s14, s13, $0xb8;
	[tilespmem:$0x57D0] =	vst v63  }
0xfe: {  	s15 =	sadd.s32 $0xB00, s0  }
0xff: {  	[spmem:s3] =	stream.indirect.scatter.add.f32 [tilespmem:s12], [sflag:$0x1], $0x10, s15, s13, $0xb8;
	[tilespmem:$0x57D0] =	vst v63  }
0x100: {  	s16 =	sadd.s32 $0xB80, s0  }
0x101: {  	[spmem:s3] =	stream.indirect.scatter.add.f32 [tilespmem:s12], [sflag:$0x1], $0x10, s16, s13, $0xb8;
	[tilespmem:$0x57D0] =	vst v63  }
0x102: {  	_ =	swait.ge [sflag:s22], $0x7D0  }
0x103: {  	[sflag:s22] =	ssyncset.done $0x0  }
0x104: {  	[sflag:s22] =	ssyncadd.s32 $0xFFFFF830  }
0x105: {  	_ =	swait.ge [sflag:s22], $0x7D0  }
0x106: {  	[sflag:s22] =	ssyncset.done $0x0  }
0x107: {  	[sflag:s22] =	ssyncadd.s32 $0xFFFFF830  }
0x108: {  	_ =	swait.ge [sflag:s22], $0x7D0  }
0x109: {  	[sflag:s22] =	ssyncset.done $0x0  }
0x10a: {  	[sflag:s22] =	ssyncadd.s32 $0xFFFFF830  }
0x10b: {  	_ =	swait.ge [sflag:s22], $0x7D0  }
0x10c: {  	[sflag:s22] =	ssyncset.done $0x0  }
0x10d: {  	[sflag:s22] =	ssyncadd.s32 $0xFFFFF830  }
0x10e: {  	_ =	swait.ge [sflag:s22], $0x7D0  }
0x10f: {  	[sflag:s22] =	ssyncset.done $0x0  }
0x110: {  	[sflag:s22] =	ssyncadd.s32 $0xFFFFF830  }
0x111: {  	_ =	swait.ge [sflag:s22], $0x7D0  }
0x112: {  	[sflag:s22] =	ssyncset.done $0x0  }
0x113: {  	[sflag:s22] =	ssyncadd.s32 $0xFFFFF830  }
0x114: {  	_ =	swait.ge [sflag:s22], $0x7D0  }
0x115: {  	[sflag:s22] =	ssyncset.done $0x0  }
0x116: {  	[sflag:s22] =	ssyncadd.s32 $0xFFFFF830  }
0x117: {  	_ =	swait.ge [sflag:s22], $0x7D0  }
0x118: {  	[sflag:s22] =	ssyncset.done $0x0  }
0x119: {  	[sflag:s22] =	ssyncadd.s32 $0xFFFFF830  }
0x11a: {  	[spmem:s3] =	stream.indirect.scatter.add.f32 [tilespmem:s12], [sflag:$0x2], $0x10, s23, s13, $0xb8;
	[tilespmem:$0x57D0] =	vst v63  }
0x11b: {  	_ = 	snop  }
0x11c: {  	[spmem:s3] =	stream.indirect.scatter.add.f32 [tilespmem:s12], [sflag:$0x2], $0x10, s24, s13, $0xb8;
	[tilespmem:$0x57D0] =	vst v63  }
0x11d: {  	_ = 	snop  }
0x11e: {  	[spmem:s3] =	stream.indirect.scatter.add.f32 [tilespmem:s12], [sflag:$0x2], $0x10, s25, s13, $0xb8;
	[tilespmem:$0x57D0] =	vst v63  }
0x11f: {  	_ = 	snop  }
0x120: {  	[spmem:s3] =	stream.indirect.scatter.add.f32 [tilespmem:s12], [sflag:$0x2], $0x10, s26, s13, $0xb8;
	[tilespmem:$0x57D0] =	vst v63  }
0x121: {  	_ = 	snop  }
0x122: {  	[spmem:s3] =	stream.indirect.scatter.add.f32 [tilespmem:s12], [sflag:$0x2], $0x10, s28, s13, $0xb8;
	[tilespmem:$0x57D0] =	vst v63  }
0x123: {  	_ = 	snop  }
0x124: {  	[spmem:s3] =	stream.indirect.scatter.add.f32 [tilespmem:s12], [sflag:$0x2], $0x10, s29, s13, $0xb8;
	[tilespmem:$0x57D0] =	vst v63  }
0x125: {  	_ = 	snop  }
0x126: {  	[spmem:s3] =	stream.indirect.scatter.add.f32 [tilespmem:s12], [sflag:$0x2], $0x10, s30, s13, $0xb8;
	[tilespmem:$0x57D0] =	vst v63  }
0x127: {  	_ = 	snop  }
0x128: {  	[spmem:s3] =	stream.indirect.scatter.add.f32 [tilespmem:s12], [sflag:$0x2], $0x10, s31, s13, $0xb8;
	[tilespmem:$0x57D0] =	vst v63  }
0x129: {  	_ =	swait.ge [sflag:s21], $0x7D0  }
0x12a: {  	[sflag:s21] =	ssyncset.done $0x0  }
0x12b: {  	[sflag:s21] =	ssyncadd.s32 $0xFFFFF830  }
0x12c: {  	_ =	swait.ge [sflag:s21], $0x7D0  }
0x12d: {  	[sflag:s21] =	ssyncset.done $0x0  }
0x12e: {  	[sflag:s21] =	ssyncadd.s32 $0xFFFFF830  }
0x12f: {  	_ =	swait.ge [sflag:s21], $0x7D0  }
0x130: {  	[sflag:s21] =	ssyncset.done $0x0  }
0x131: {  	[sflag:s21] =	ssyncadd.s32 $0xFFFFF830  }
0x132: {  	_ =	swait.ge [sflag:s21], $0x7D0  }
0x133: {  	[sflag:s21] =	ssyncset.done $0x0  }
0x134: {  	[sflag:s21] =	ssyncadd.s32 $0xFFFFF830  }
0x135: {  	_ =	swait.ge [sflag:s21], $0x7D0  }
0x136: {  	[sflag:s21] =	ssyncset.done $0x0  }
0x137: {  	[sflag:s21] =	ssyncadd.s32 $0xFFFFF830  }
0x138: {  	_ =	swait.ge [sflag:s21], $0x7D0  }
0x139: {  	[sflag:s21] =	ssyncset.done $0x0  }
0x13a: {  	[sflag:s21] =	ssyncadd.s32 $0xFFFFF830  }
0x13b: {  	_ =	swait.ge [sflag:s21], $0x7D0  }
0x13c: {  	[sflag:s21] =	ssyncset.done $0x0  }
0x13d: {  	[sflag:s21] =	ssyncadd.s32 $0xFFFFF830  }
0x13e: {  	_ =	swait.ge [sflag:s21], $0x7D0  }
0x13f: {  	[sflag:s21] =	ssyncset.done $0x0  }
0x140: {  	[sflag:s21] =	ssyncadd.s32 $0xFFFFF830  }
0x141: {  	_ =	swait.ge [sflag:s22], $0x7D0  }
0x142: {  	[sflag:s22] =	ssyncset.done $0x0  }
0x143: {  	[sflag:s22] =	ssyncadd.s32 $0xFFFFF830  }
0x144: {  	_ =	swait.ge [sflag:s22], $0x7D0  }
0x145: {  	[sflag:s22] =	ssyncset.done $0x0  }
0x146: {  	[sflag:s22] =	ssyncadd.s32 $0xFFFFF830  }
0x147: {  	_ =	swait.ge [sflag:s22], $0x7D0  }
0x148: {  	[sflag:s22] =	ssyncset.done $0x0  }
0x149: {  	[sflag:s22] =	ssyncadd.s32 $0xFFFFF830  }
0x14a: {  	_ =	swait.ge [sflag:s22], $0x7D0  }
0x14b: {  	[sflag:s22] =	ssyncset.done $0x0  }
0x14c: {  	[sflag:s22] =	ssyncadd.s32 $0xFFFFF830  }
0x14d: {  	_ =	swait.ge [sflag:s22], $0x7D0  }
0x14e: {  	[sflag:s22] =	ssyncset.done $0x0  }
0x14f: {  	[sflag:s22] =	ssyncadd.s32 $0xFFFFF830  }
0x150: {  	_ =	swait.ge [sflag:s22], $0x7D0  }
0x151: {  	[sflag:s22] =	ssyncset.done $0x0  }
0x152: {  	[sflag:s22] =	ssyncadd.s32 $0xFFFFF830  }
0x153: {  	_ =	swait.ge [sflag:s22], $0x7D0  }
0x154: {  	[sflag:s22] =	ssyncset.done $0x0  }
0x155: {  	[sflag:s22] =	ssyncadd.s32 $0xFFFFF830  }
0x156: {  	_ =	swait.ge [sflag:s22], $0x7D0  }
0x157: {  	s1 =	sadd.s32 $0x1, s1;
	[sflag:s22] =	ssyncset.done $0x0  }
0x158: {  	p0 =	sne.s32 s1, s9;
	[sflag:s22] =	ssyncadd.s32 $0xFFFFF830  }
.Ltmp1:
0x159: {  	[bflag:$0x0] =	sbarrier.arrive $0xFFFF;
	(pc) =	sbr.rel @p0 .LBB2_1-.Ltmp1, $4  }
0x15a: {  	[hbm:s8], [sflag:s6] =	dma.local [spmem:s10], $0x500  }
0x15b: {  	_ =	swait.ge [sflag:s11], $0x500  }
0x15c: {  	[sflag:s11] =	ssyncset.done $0x0  }
0x15d: {  	[sflag:s11] =	ssyncadd.s32 $0xFFFFFB00  }
0x15e: {  	_ =	sfence.sel $0x180000  }
0x15f: {  	[bflag:$0x0] =	sbarrier.arrive $0xFFFF  }
0x160: {  	_ =	strace $0x90000047  }
0x161: {  	s0 =	stileid.u32;
	[bflag:$0x2] =	sbarrier.arrive $0xFFFF  }
0x162: {  	p0 =	sne.s32 s0, $0x0;
	s0 =	rddreg [dreg:$0x3]  }
0x163: {  	s0 =	sadd.s32 @!p0 $0x100000, s0  }
0x164: {  	[sflag:s0] =	ssyncadd.tile.s32 @!p0 $0x1;
	_ =	shalt  }
.Lfunc_end2:
_tile_overlayer_lowered:
.L_overlay_start_2:
0x165: {  	(tag) =	ssettag $0x2  }
0x166: {  	s0 =	rddreg [dreg:$0x0];
	s2 =	stileid.u32  }
0x167: {  	s1 =	rddreg [dreg:$0x1];
	p0 =	sne.s32 s2, $0x0  }
0x168: {  	s3 =	rddreg [dreg:$0x2];
	[bflag:$0x3] =	sbarrier.arrive $0xFFFF;
	s2 =	simm.s32 @!p0 $0x1C03  }
0x169: {  	[timem:s3], [sflag:s2] =	dma.local @!p0 [hbm:s0], s1  }
0x16a: {  	s0 =	simm.s32 @!p0 $0x3  }
0x16b: {  	_ =	swait.ge @!p0 [sflag:s0], s1  }
0x16c: {  	s1 =	ssub.s32 @!p0 $0x0, s1;
	[sflag:s0] =	ssyncset.done @!p0 $0x0  }
0x16d: {  	[sflag:s0] =	ssyncadd.s32 @!p0 s1  }
0x16e: {  	[bflag:$0x3] =	sbarrier.arrive $0xFFFF  }
0x16f: {  	_ =	shalt  }

</sc_bundles>
